<compile_context>
chip_gen: v7x
topology: tpu7x:2x2x1
jax: 0.10.2.dev20260603
libtpu: 0.0.44.dev20260713+nightly
codegen_flags: <defaults>
</compile_context>

<pallas_src>
import functools

import jax
import jax.numpy as jnp
from jax import lax
from jax.experimental import pallas as pl
from jax.experimental.pallas import tpu as pltpu
from jax.experimental.pallas import tpu_sc as plsc

N = 10000
E = 320000
D = 128
DE = 4

NC = 2
NS = 16
NW = NC * NS
EPT = E // NW
CHUNK = 40
NCH = EPT // CHUNK
ROWS_PT = 624
RB = 1000
EB = 8000
EI = E


def _proj_body(x_ref, w1_ref, w2_ref, b_ref, p1_ref, p2_ref):
    xb = x_ref[...]
    p1_ref[...] = (jnp.dot(xb, w1_ref[...], preferred_element_type=jnp.float32)
                   + b_ref[...][None, :])
    p2_ref[...] = jnp.dot(xb, w2_ref[...], preferred_element_type=jnp.float32)


def _edge_term_body(ea_ref, w3_ref, c_ref):
    c_ref[...] = jnp.dot(ea_ref[...], w3_ref[0:DE, :],
                         preferred_element_type=jnp.float32)


def _split_body(ei_ref, s_ref, d_ref):
    s_ref[...] = ei_ref[0]
    d_ref[...] = ei_ref[1]


def _update_body(x_ref, p_ref, wu1_ref, wu2_ref, b_ref, o_ref):
    xb = x_ref[...]
    agg = p_ref[0] + p_ref[1]
    h = (jnp.dot(xb, wu1_ref[...], preferred_element_type=jnp.float32)
         + jnp.dot(agg, wu2_ref[...], preferred_element_type=jnp.float32)
         + b_ref[...][None, :])
    o_ref[...] = xb + jnp.maximum(h, 0.0)


def _sc_edges_body(p1_hbm, p2_hbm, src_hbm, dst_hbm, c_hbm, out_hbm,
                   i0, i1, a0, b0, c0, a1, b1, c1, agg,
                   sg0, sg1, si0, si1):
    cid = lax.axis_index("c")
    sid = lax.axis_index("s")
    wid = cid * NS + sid

    def _zrow(r, carry):
        for d in range(D // 16):
            a0[r, pl.ds(d * 16, 16)] = jnp.zeros((16,), jnp.float32)
        return carry
    lax.fori_loop(0, CHUNK, _zrow, 0)
    base = sid * ROWS_PT
    for k in range(ROWS_PT // CHUNK):
        pltpu.sync_copy(a0, agg.at[pl.ds(base + k * CHUNK, CHUNK)])
    rem = ROWS_PT % CHUNK
    if rem:
        pltpu.sync_copy(a0.at[pl.ds(0, rem)],
                        agg.at[pl.ds(base + ROWS_PT - rem, rem)])

    @pl.when(sid == NS - 1)
    def _zero_tail():
        pltpu.sync_copy(a0.at[pl.ds(0, N - NS * ROWS_PT)],
                        agg.at[pl.ds(NS * ROWS_PT, N - NS * ROWS_PT)])
    plsc.subcore_barrier()

    slots = ((i0, a0, b0, c0, sg0, si0), (i1, a1, b1, c1, sg1, si1))
    ibase = wid * EPT

    def _process(bufA, bufB, bufC):
        def _edge(e, carry):
            for d in range(D // 16):
                sl = pl.ds(d * 16, 16)
                v = bufA[e, sl] + bufB[e, sl] + bufC[e, sl]
                bufA[e, sl] = jnp.maximum(v, 0.0)
            return carry
        lax.fori_loop(0, CHUNK, _edge, 0)

    def _idx_issue(j, iv, si):
        pltpu.async_copy(src_hbm.at[pl.ds(ibase + j * CHUNK, CHUNK)],
                         iv.at[0], si)
        pltpu.async_copy(dst_hbm.at[pl.ds(ibase + j * CHUNK, CHUNK)],
                         iv.at[1], si)

    def _idx_drain(iv, si):
        pltpu.make_async_copy(src_hbm.at[pl.ds(0, CHUNK)],
                              iv.at[0], si).wait()
        pltpu.make_async_copy(src_hbm.at[pl.ds(0, CHUNK)],
                              iv.at[1], si).wait()

    def _issue_gathers(j, s):
        iv, bufA, bufB, bufC, sg, _ = slots[s]
        pltpu.async_copy(p1_hbm.at[iv.at[0]], bufA, sg)
        pltpu.async_copy(p2_hbm.at[iv.at[1]], bufB, sg)
        pltpu.async_copy(c_hbm.at[wid * NCH + j], bufC, sg)

    def _handle(j, s, prefetch_idx, issue_next):
        iv, bufA, bufB, bufC, sg, si = slots[s]
        ivn, _, _, _, _, sin = slots[1 - s]
        pltpu.make_async_copy(p1_hbm.at[iv.at[0]], bufA, sg).wait()
        pltpu.make_async_copy(p2_hbm.at[iv.at[1]], bufB, sg).wait()
        pltpu.make_async_copy(c_hbm.at[0], bufC, sg).wait()
        if issue_next:
            _idx_drain(ivn, sin)
            _issue_gathers(j + 1, 1 - s)
        _process(bufA, bufB, bufC)
        pltpu.sync_copy(bufA, agg.at[iv.at[1]], add=True)
        if prefetch_idx:
            _idx_issue(j + 2, iv, si)

    _idx_issue(0, i0, si0)
    _idx_drain(i0, si0)
    _issue_gathers(0, 0)
    _idx_issue(1, i1, si1)

    def _pair(i, carry):
        j0 = 2 * i
        _handle(j0, 0, True, True)
        _handle(j0 + 1, 1, True, True)
        return carry
    lax.fori_loop(0, NCH // 2 - 1, _pair, 0)

    _handle(NCH - 2, 0, False, True)
    _handle(NCH - 1, 1, False, False)

    plsc.subcore_barrier()
    pltpu.sync_copy(agg.at[pl.ds(base, ROWS_PT)],
                    out_hbm.at[cid, pl.ds(base, ROWS_PT)])

    @pl.when(sid == NS - 1)
    def _flush_tail():
        pltpu.sync_copy(agg.at[pl.ds(NS * ROWS_PT, N - NS * ROWS_PT)],
                        out_hbm.at[cid, pl.ds(NS * ROWS_PT, N - NS * ROWS_PT)])


_sc_edges = functools.partial(
    pl.kernel,
    out_type=jax.ShapeDtypeStruct((NC, N, D), jnp.float32),
    mesh=plsc.VectorSubcoreMesh(core_axis_name="c", subcore_axis_name="s"),
    scratch_types=[
        pltpu.VMEM((2, CHUNK), jnp.int32),
        pltpu.VMEM((2, CHUNK), jnp.int32),
        pltpu.VMEM((CHUNK, D), jnp.float32),
        pltpu.VMEM((CHUNK, D), jnp.float32),
        pltpu.VMEM((CHUNK, D), jnp.float32),
        pltpu.VMEM((CHUNK, D), jnp.float32),
        pltpu.VMEM((CHUNK, D), jnp.float32),
        pltpu.VMEM((CHUNK, D), jnp.float32),
        pltpu.VMEM_SHARED((N, D), jnp.float32),
        pltpu.SemaphoreType.DMA,
        pltpu.SemaphoreType.DMA,
        pltpu.SemaphoreType.DMA,
        pltpu.SemaphoreType.DMA,
    ],
)(_sc_edges_body)


def kernel(x, edge_index, edge_attr, W_msg, b_msg, W_upd, b_upd):
    p1, p2 = pl.pallas_call(
        _proj_body,
        grid=(N // RB,),
        in_specs=[
            pl.BlockSpec((RB, D), lambda i: (i, 0)),
            pl.BlockSpec((D, D), lambda i: (0, 0)),
            pl.BlockSpec((D, D), lambda i: (1, 0)),
            pl.BlockSpec((D,), lambda i: (0,)),
        ],
        out_specs=[
            pl.BlockSpec((RB, D), lambda i: (i, 0)),
            pl.BlockSpec((RB, D), lambda i: (i, 0)),
        ],
        out_shape=[
            jax.ShapeDtypeStruct((N, D), jnp.float32),
            jax.ShapeDtypeStruct((N, D), jnp.float32),
        ],
    )(x, W_msg, W_msg, b_msg)

    c_edge = pl.pallas_call(
        _edge_term_body,
        grid=(E // EB,),
        in_specs=[
            pl.BlockSpec((EB, DE), lambda i: (i, 0)),
            pl.BlockSpec((8, D), lambda i: (2 * D // 8, 0)),
        ],
        out_specs=pl.BlockSpec((EB, D), lambda i: (i, 0)),
        out_shape=jax.ShapeDtypeStruct((E, D), jnp.float32),
    )(edge_attr, W_msg)

    src1d, dst1d = pl.pallas_call(
        _split_body,
        grid=(E // EI,),
        in_specs=[pl.BlockSpec((2, EI), lambda i: (0, i))],
        out_specs=[
            pl.BlockSpec((EI,), lambda i: (i,)),
            pl.BlockSpec((EI,), lambda i: (i,)),
        ],
        out_shape=[
            jax.ShapeDtypeStruct((E,), jnp.int32),
            jax.ShapeDtypeStruct((E,), jnp.int32),
        ],
    )(edge_index)

    parts = _sc_edges(p1, p2, src1d, dst1d,
                      c_edge.reshape(NW * NCH, CHUNK, D))

    out = pl.pallas_call(
        _update_body,
        grid=(N // RB,),
        in_specs=[
            pl.BlockSpec((RB, D), lambda i: (i, 0)),
            pl.BlockSpec((NC, RB, D), lambda i: (0, i, 0)),
            pl.BlockSpec((D, D), lambda i: (0, 0)),
            pl.BlockSpec((D, D), lambda i: (1, 0)),
            pl.BlockSpec((D,), lambda i: (0,)),
        ],
        out_specs=pl.BlockSpec((RB, D), lambda i: (i, 0)),
        out_shape=jax.ShapeDtypeStruct((N, D), jnp.float32),
    )(x, parts, W_upd, W_upd, b_upd)
    return out

# --- scband reference (transcript-rebuilt; emitter-appended) ---
"""Pipeline reference for scband-graph-msg-72593537237298 (READ-ONLY COPY).

The authoritative reference and input builder live on the scoring server;
editing this copy changes nothing except your own understanding.
"""

import jax, jax.numpy as jnp
import numpy as np

N = 10000
E = 320000
D = 128
DE = 4


def setup_inputs(seed: int = 0) -> dict:
    key = jax.random.key(seed)
    ks = jax.random.split(key, 6)
    x = jax.random.normal(ks[0], (N, D), dtype=jnp.float32)
    edge_index = jax.random.randint(ks[1], (2, E), 0, N, dtype=jnp.int32)
    edge_attr = jax.random.normal(ks[2], (E, DE), dtype=jnp.float32) * 0.1
    # Learned parameters (message MLP and node-update MLP), sized per init_kwargs
    W_msg = jax.random.normal(ks[3], (2 * D + DE, D), dtype=jnp.float32) * (1.0 / np.sqrt(2 * D + DE))
    b_msg = jnp.zeros((D,), dtype=jnp.float32)
    W_upd = jax.random.normal(ks[4], (2 * D, D), dtype=jnp.float32) * (1.0 / np.sqrt(2 * D))
    b_upd = jnp.zeros((D,), dtype=jnp.float32)
    return {
        "x": x,
        "edge_index": edge_index,
        "edge_attr": edge_attr,
        "W_msg": W_msg,
        "b_msg": b_msg,
        "W_upd": W_upd,
        "b_upd": b_upd,
    }


def reference(x, edge_index, edge_attr, W_msg, b_msg, W_upd, b_upd):
    # Message passing block (GraphMSG-style): gather src/dst node states,
    # concat with edge attributes, message MLP, scatter-add aggregation by dst,
    # then node-update MLP with residual connection.
    src = edge_index[0]
    dst = edge_index[1]
    x_src = jnp.take(x, src, axis=0)          # gather  [E, D]
    x_dst = jnp.take(x, dst, axis=0)          # gather  [E, D]
    m_in = jnp.concatenate([x_src, x_dst, edge_attr], axis=-1)  # [E, 2D+DE]
    msg = jax.nn.relu(m_in @ W_msg + b_msg)   # [E, D]
    agg = jax.ops.segment_sum(msg, dst, num_segments=x.shape[0])  # scatter-add [N, D]
    h = jnp.concatenate([x, agg], axis=-1)    # [N, 2D]
    out = x + jax.nn.relu(h @ W_upd + b_upd)  # residual node update [N, D]
    return out

if __name__ == "__main__":
    import jax
    _d = setup_inputs()
    print(jax.jit(kernel)(*tuple(_d.values())))

</pallas_src>

<mosaic_0001>
#map = affine_map<(d0, d1) -> (0, 0)>
#map1 = affine_map<(d0, d1) -> (0)>
#map2 = affine_map<(d0, d1) -> (0, 0, 0)>
module attributes {stable_mosaic.version = 14 : i64} {
  func.func @_sc_edges_body(%arg0: i32, %arg1: i32, %arg2: memref<10000x128xf32, #tpu.memory_space<hbm>>, %arg3: memref<10000x128xf32, #tpu.memory_space<hbm>>, %arg4: memref<320000xi32, #tpu.memory_space<hbm>>, %arg5: memref<320000xi32, #tpu.memory_space<hbm>>, %arg6: memref<8000x40x128xf32, #tpu.memory_space<hbm>>, %arg7: memref<2x10000x128xf32, #tpu.memory_space<hbm>>, %arg8: memref<2x40xi32, #tpu.memory_space<vmem>>, %arg9: memref<2x40xi32, #tpu.memory_space<vmem>>, %arg10: memref<40x128xf32, #tpu.memory_space<vmem>>, %arg11: memref<40x128xf32, #tpu.memory_space<vmem>>, %arg12: memref<40x128xf32, #tpu.memory_space<vmem>>, %arg13: memref<40x128xf32, #tpu.memory_space<vmem>>, %arg14: memref<40x128xf32, #tpu.memory_space<vmem>>, %arg15: memref<40x128xf32, #tpu.memory_space<vmem>>, %arg16: memref<10000x128xf32, #tpu.memory_space<vmem_shared>>, %arg17: memref<!tpu.dma_semaphore, #tpu.memory_space<semaphore_mem>>, %arg18: memref<!tpu.dma_semaphore, #tpu.memory_space<semaphore_mem>>, %arg19: memref<!tpu.dma_semaphore, #tpu.memory_space<semaphore_mem>>, %arg20: memref<!tpu.dma_semaphore, #tpu.memory_space<semaphore_mem>>) attributes {dimension_semantics = [#tpu.dimension_semantics<core_parallel>, #tpu.dimension_semantics<subcore_parallel>], iteration_bounds = array<i64: 2, 16>, scalar_prefetch = 0 : i64, scratch_operands = 13 : i64, tpu.core_type = #tpu.core_type<sc_vector_subcore>, window_params = [{transform_indices = #map}, {transform_indices = #map}, {transform_indices = #map1}, {transform_indices = #map1}, {transform_indices = #map2}, {transform_indices = #map2}]} {
    %mul3A = arith.constant 16 : i32
    %mul3A_0 = arith.muli %arg0, %mul3A : i32
    %add3A = arith.addi %mul3A_0, %arg1 : i32
    %scan3A = arith.constant 0 : i32
    %scan3A_1 = arith.constant 0 : i32
    %scan3A_2 = arith.constant 40 : i32
    %scan3A_3 = arith.addi %scan3A_1, %scan3A_2 : i32
    %scan3A_4 = arith.constant 1 : i32
    scf.for %scan3A_254 = %scan3A_1 to %scan3A_3 step %scan3A_4  : i32 {
      %broadcast_in_dim3A = arith.constant 0.000000e+00 : f32
      %broadcast_in_dim3A_255 = vector.broadcast %broadcast_in_dim3A : f32 to vector<16xf32>
      %swap3A = arith.index_cast %scan3A_254 : i32 to index
      %swap3A_256 = arith.constant 0 : index
      %swap3A_257 = tpu.vector_load %arg10[%swap3A, %swap3A_256] {strides = array<i32>} : memref<40x128xf32, #tpu.memory_space<vmem>>, vector<1x16xf32>,
      %swap3A_258 = vector.shape_cast %swap3A_257 : vector<1x16xf32> to vector<16xf32>
      %swap3A_259 = vector.shape_cast %broadcast_in_dim3A_255 : vector<16xf32> to vector<1x16xf32>
      tpu.vector_store %arg10[%swap3A, %swap3A_256], %swap3A_259 {strides = array<i32>} : memref<40x128xf32, #tpu.memory_space<vmem>>, vector<1x16xf32>,
      %broadcast_in_dim3A_260 = arith.constant 0.000000e+00 : f32
      %broadcast_in_dim3A_261 = vector.broadcast %broadcast_in_dim3A_260 : f32 to vector<16xf32>
      %swap3A_262 = arith.index_cast %scan3A_254 : i32 to index
      %swap3A_263 = arith.constant 16 : index
      %swap3A_264 = tpu.vector_load %arg10[%swap3A_262, %swap3A_263] {strides = array<i32>} : memref<40x128xf32, #tpu.memory_space<vmem>>, vector<1x16xf32>,
      %swap3A_265 = vector.shape_cast %swap3A_264 : vector<1x16xf32> to vector<16xf32>
      %swap3A_266 = vector.shape_cast %broadcast_in_dim3A_261 : vector<16xf32> to vector<1x16xf32>
      tpu.vector_store %arg10[%swap3A_262, %swap3A_263], %swap3A_266 {strides = array<i32>} : memref<40x128xf32, #tpu.memory_space<vmem>>, vector<1x16xf32>,
      %broadcast_in_dim3A_267 = arith.constant 0.000000e+00 : f32
      %broadcast_in_dim3A_268 = vector.broadcast %broadcast_in_dim3A_267 : f32 to vector<16xf32>
      %swap3A_269 = arith.index_cast %scan3A_254 : i32 to index
      %swap3A_270 = arith.constant 32 : index
      %swap3A_271 = tpu.vector_load %arg10[%swap3A_269, %swap3A_270] {strides = array<i32>} : memref<40x128xf32, #tpu.memory_space<vmem>>, vector<1x16xf32>,
      %swap3A_272 = vector.shape_cast %swap3A_271 : vector<1x16xf32> to vector<16xf32>
      %swap3A_273 = vector.shape_cast %broadcast_in_dim3A_268 : vector<16xf32> to vector<1x16xf32>
      tpu.vector_store %arg10[%swap3A_269, %swap3A_270], %swap3A_273 {strides = array<i32>} : memref<40x128xf32, #tpu.memory_space<vmem>>, vector<1x16xf32>,
      %broadcast_in_dim3A_274 = arith.constant 0.000000e+00 : f32
      %broadcast_in_dim3A_275 = vector.broadcast %broadcast_in_dim3A_274 : f32 to vector<16xf32>
      %swap3A_276 = arith.index_cast %scan3A_254 : i32 to index
      %swap3A_277 = arith.constant 48 : index
      %swap3A_278 = tpu.vector_load %arg10[%swap3A_276, %swap3A_277] {strides = array<i32>} : memref<40x128xf32, #tpu.memory_space<vmem>>, vector<1x16xf32>,
      %swap3A_279 = vector.shape_cast %swap3A_278 : vector<1x16xf32> to vector<16xf32>
      %swap3A_280 = vector.shape_cast %broadcast_in_dim3A_275 : vector<16xf32> to vector<1x16xf32>
      tpu.vector_store %arg10[%swap3A_276, %swap3A_277], %swap3A_280 {strides = array<i32>} : memref<40x128xf32, #tpu.memory_space<vmem>>, vector<1x16xf32>,
      %broadcast_in_dim3A_281 = arith.constant 0.000000e+00 : f32
      %broadcast_in_dim3A_282 = vector.broadcast %broadcast_in_dim3A_281 : f32 to vector<16xf32>
      %swap3A_283 = arith.index_cast %scan3A_254 : i32 to index
      %swap3A_284 = arith.constant 64 : index
      %swap3A_285 = tpu.vector_load %arg10[%swap3A_283, %swap3A_284] {strides = array<i32>} : memref<40x128xf32, #tpu.memory_space<vmem>>, vector<1x16xf32>,
      %swap3A_286 = vector.shape_cast %swap3A_285 : vector<1x16xf32> to vector<16xf32>
      %swap3A_287 = vector.shape_cast %broadcast_in_dim3A_282 : vector<16xf32> to vector<1x16xf32>
      tpu.vector_store %arg10[%swap3A_283, %swap3A_284], %swap3A_287 {strides = array<i32>} : memref<40x128xf32, #tpu.memory_space<vmem>>, vector<1x16xf32>,
      %broadcast_in_dim3A_288 = arith.constant 0.000000e+00 : f32
      %broadcast_in_dim3A_289 = vector.broadcast %broadcast_in_dim3A_288 : f32 to vector<16xf32>
      %swap3A_290 = arith.index_cast %scan3A_254 : i32 to index
      %swap3A_291 = arith.constant 80 : index
      %swap3A_292 = tpu.vector_load %arg10[%swap3A_290, %swap3A_291] {strides = array<i32>} : memref<40x128xf32, #tpu.memory_space<vmem>>, vector<1x16xf32>,
      %swap3A_293 = vector.shape_cast %swap3A_292 : vector<1x16xf32> to vector<16xf32>
      %swap3A_294 = vector.shape_cast %broadcast_in_dim3A_289 : vector<16xf32> to vector<1x16xf32>
      tpu.vector_store %arg10[%swap3A_290, %swap3A_291], %swap3A_294 {strides = array<i32>} : memref<40x128xf32, #tpu.memory_space<vmem>>, vector<1x16xf32>,
      %broadcast_in_dim3A_295 = arith.constant 0.000000e+00 : f32
      %broadcast_in_dim3A_296 = vector.broadcast %broadcast_in_dim3A_295 : f32 to vector<16xf32>
      %swap3A_297 = arith.index_cast %scan3A_254 : i32 to index
      %swap3A_298 = arith.constant 96 : index
      %swap3A_299 = tpu.vector_load %arg10[%swap3A_297, %swap3A_298] {strides = array<i32>} : memref<40x128xf32, #tpu.memory_space<vmem>>, vector<1x16xf32>,
      %swap3A_300 = vector.shape_cast %swap3A_299 : vector<1x16xf32> to vector<16xf32>
      %swap3A_301 = vector.shape_cast %broadcast_in_dim3A_296 : vector<16xf32> to vector<1x16xf32>
      tpu.vector_store %arg10[%swap3A_297, %swap3A_298], %swap3A_301 {strides = array<i32>} : memref<40x128xf32, #tpu.memory_space<vmem>>, vector<1x16xf32>,
      %broadcast_in_dim3A_302 = arith.constant 0.000000e+00 : f32
      %broadcast_in_dim3A_303 = vector.broadcast %broadcast_in_dim3A_302 : f32 to vector<16xf32>
      %swap3A_304 = arith.index_cast %scan3A_254 : i32 to index
      %swap3A_305 = arith.constant 112 : index
      %swap3A_306 = tpu.vector_load %arg10[%swap3A_304, %swap3A_305] {strides = array<i32>} : memref<40x128xf32, #tpu.memory_space<vmem>>, vector<1x16xf32>,
      %swap3A_307 = vector.shape_cast %swap3A_306 : vector<1x16xf32> to vector<16xf32>
      %swap3A_308 = vector.shape_cast %broadcast_in_dim3A_303 : vector<16xf32> to vector<1x16xf32>
      tpu.vector_store %arg10[%swap3A_304, %swap3A_305], %swap3A_308 {strides = array<i32>} : memref<40x128xf32, #tpu.memory_space<vmem>>, vector<1x16xf32>,
    }
    %scan3A_5 = arith.constant 40 : i32
    %mul3A_6 = arith.constant 624 : i32
    %mul3A_7 = arith.muli %arg1, %mul3A_6 : i32
    %add3A_8 = arith.constant 0 : i32
    %add3A_9 = arith.addi %mul3A_7, %add3A_8 : i32
    "tpu.region"() ({
      %run_scoped3A_254 = tpu.sem_alloc : memref<!tpu.dma_semaphore, #tpu.memory_space<semaphore_mem>>
      %dma_start3A_255 = arith.constant 0 : i32
      %dma_start3A_256 = tpu.memref_slice %arg16[%add3A_9, %dma_start3A_255] : memref<10000x128xf32, #tpu.memory_space<vmem_shared>> -> memref<40x128xf32, #tpu.memory_space<vmem_shared>>
      %dma_start3A_257 = arith.constant 0 : i32
      %dma_start3A_258 = tpu.memref_slice %arg16[%add3A_9, %dma_start3A_257] : memref<10000x128xf32, #tpu.memory_space<vmem_shared>> -> memref<40x128xf32, #tpu.memory_space<vmem_shared>>
      tpu.enqueue_dma source(%arg10 : memref<40x128xf32, #tpu.memory_space<vmem>>) target(%dma_start3A_258 : memref<40x128xf32, #tpu.memory_space<vmem_shared>>) target_semaphore(%run_scoped3A_254 : memref<!tpu.dma_semaphore, #tpu.memory_space<semaphore_mem>>)
      %dma_wait3A_259 = arith.constant 0 : i32
      %dma_wait3A_260 = tpu.memref_slice %arg16[%add3A_9, %dma_wait3A_259] : memref<10000x128xf32, #tpu.memory_space<vmem_shared>> -> memref<40x128xf32, #tpu.memory_space<vmem_shared>>
      %dma_wait3A_261 = arith.constant 0 : i32
      %dma_wait3A_262 = tpu.memref_slice %arg16[%add3A_9, %dma_wait3A_261] : memref<10000x128xf32, #tpu.memory_space<vmem_shared>> -> memref<40x128xf32, #tpu.memory_space<vmem_shared>>
      tpu.wait_dma2 semaphore(%run_scoped3A_254 : memref<!tpu.dma_semaphore, #tpu.memory_space<semaphore_mem>>) src(%arg10 : memref<40x128xf32, #tpu.memory_space<vmem>>) dst(%dma_wait3A_262 : memref<40x128xf32, #tpu.memory_space<vmem_shared>>)
      tpu.yield
    }) : () -> ()
    %add3A_10 = arith.constant 40 : i32
    %add3A_11 = arith.addi %mul3A_7, %add3A_10 : i32
    "tpu.region"() ({
      %run_scoped3A_254 = tpu.sem_alloc : memref<!tpu.dma_semaphore, #tpu.memory_space<semaphore_mem>>
      %dma_start3A_255 = arith.constant 0 : i32
      %dma_start3A_256 = tpu.memref_slice %arg16[%add3A_11, %dma_start3A_255] : memref<10000x128xf32, #tpu.memory_space<vmem_shared>> -> memref<40x128xf32, #tpu.memory_space<vmem_shared>>
      %dma_start3A_257 = arith.constant 0 : i32
      %dma_start3A_258 = tpu.memref_slice %arg16[%add3A_11, %dma_start3A_257] : memref<10000x128xf32, #tpu.memory_space<vmem_shared>> -> memref<40x128xf32, #tpu.memory_space<vmem_shared>>
      tpu.enqueue_dma source(%arg10 : memref<40x128xf32, #tpu.memory_space<vmem>>) target(%dma_start3A_258 : memref<40x128xf32, #tpu.memory_space<vmem_shared>>) target_semaphore(%run_scoped3A_254 : memref<!tpu.dma_semaphore, #tpu.memory_space<semaphore_mem>>)
      %dma_wait3A_259 = arith.constant 0 : i32
      %dma_wait3A_260 = tpu.memref_slice %arg16[%add3A_11, %dma_wait3A_259] : memref<10000x128xf32, #tpu.memory_space<vmem_shared>> -> memref<40x128xf32, #tpu.memory_space<vmem_shared>>
      %dma_wait3A_261 = arith.constant 0 : i32
      %dma_wait3A_262 = tpu.memref_slice %arg16[%add3A_11, %dma_wait3A_261] : memref<10000x128xf32, #tpu.memory_space<vmem_shared>> -> memref<40x128xf32, #tpu.memory_space<vmem_shared>>
      tpu.wait_dma2 semaphore(%run_scoped3A_254 : memref<!tpu.dma_semaphore, #tpu.memory_space<semaphore_mem>>) src(%arg10 : memref<40x128xf32, #tpu.memory_space<vmem>>) dst(%dma_wait3A_262 : memref<40x128xf32, #tpu.memory_space<vmem_shared>>)
      tpu.yield
    }) : () -> ()
    %add3A_12 = arith.constant 80 : i32
    %add3A_13 = arith.addi %mul3A_7, %add3A_12 : i32
    "tpu.region"() ({
      %run_scoped3A_254 = tpu.sem_alloc : memref<!tpu.dma_semaphore, #tpu.memory_space<semaphore_mem>>
      %dma_start3A_255 = arith.constant 0 : i32
      %dma_start3A_256 = tpu.memref_slice %arg16[%add3A_13, %dma_start3A_255] : memref<10000x128xf32, #tpu.memory_space<vmem_shared>> -> memref<40x128xf32, #tpu.memory_space<vmem_shared>>
      %dma_start3A_257 = arith.constant 0 : i32
      %dma_start3A_258 = tpu.memref_slice %arg16[%add3A_13, %dma_start3A_257] : memref<10000x128xf32, #tpu.memory_space<vmem_shared>> -> memref<40x128xf32, #tpu.memory_space<vmem_shared>>
      tpu.enqueue_dma source(%arg10 : memref<40x128xf32, #tpu.memory_space<vmem>>) target(%dma_start3A_258 : memref<40x128xf32, #tpu.memory_space<vmem_shared>>) target_semaphore(%run_scoped3A_254 : memref<!tpu.dma_semaphore, #tpu.memory_space<semaphore_mem>>)
      %dma_wait3A_259 = arith.constant 0 : i32
      %dma_wait3A_260 = tpu.memref_slice %arg16[%add3A_13, %dma_wait3A_259] : memref<10000x128xf32, #tpu.memory_space<vmem_shared>> -> memref<40x128xf32, #tpu.memory_space<vmem_shared>>
      %dma_wait3A_261 = arith.constant 0 : i32
      %dma_wait3A_262 = tpu.memref_slice %arg16[%add3A_13, %dma_wait3A_261] : memref<10000x128xf32, #tpu.memory_space<vmem_shared>> -> memref<40x128xf32, #tpu.memory_space<vmem_shared>>
      tpu.wait_dma2 semaphore(%run_scoped3A_254 : memref<!tpu.dma_semaphore, #tpu.memory_space<semaphore_mem>>) src(%arg10 : memref<40x128xf32, #tpu.memory_space<vmem>>) dst(%dma_wait3A_262 : memref<40x128xf32, #tpu.memory_space<vmem_shared>>)
      tpu.yield
    }) : () -> ()
    %add3A_14 = arith.constant 120 : i32
    %add3A_15 = arith.addi %mul3A_7, %add3A_14 : i32
    "tpu.region"() ({
      %run_scoped3A_254 = tpu.sem_alloc : memref<!tpu.dma_semaphore, #tpu.memory_space<semaphore_mem>>
      %dma_start3A_255 = arith.constant 0 : i32
      %dma_start3A_256 = tpu.memref_slice %arg16[%add3A_15, %dma_start3A_255] : memref<10000x128xf32, #tpu.memory_space<vmem_shared>> -> memref<40x128xf32, #tpu.memory_space<vmem_shared>>
      %dma_start3A_257 = arith.constant 0 : i32
      %dma_start3A_258 = tpu.memref_slice %arg16[%add3A_15, %dma_start3A_257] : memref<10000x128xf32, #tpu.memory_space<vmem_shared>> -> memref<40x128xf32, #tpu.memory_space<vmem_shared>>
      tpu.enqueue_dma source(%arg10 : memref<40x128xf32, #tpu.memory_space<vmem>>) target(%dma_start3A_258 : memref<40x128xf32, #tpu.memory_space<vmem_shared>>) target_semaphore(%run_scoped3A_254 : memref<!tpu.dma_semaphore, #tpu.memory_space<semaphore_mem>>)
      %dma_wait3A_259 = arith.constant 0 : i32
      %dma_wait3A_260 = tpu.memref_slice %arg16[%add3A_15, %dma_wait3A_259] : memref<10000x128xf32, #tpu.memory_space<vmem_shared>> -> memref<40x128xf32, #tpu.memory_space<vmem_shared>>
      %dma_wait3A_261 = arith.constant 0 : i32
      %dma_wait3A_262 = tpu.memref_slice %arg16[%add3A_15, %dma_wait3A_261] : memref<10000x128xf32, #tpu.memory_space<vmem_shared>> -> memref<40x128xf32, #tpu.memory_space<vmem_shared>>
      tpu.wait_dma2 semaphore(%run_scoped3A_254 : memref<!tpu.dma_semaphore, #tpu.memory_space<semaphore_mem>>) src(%arg10 : memref<40x128xf32, #tpu.memory_space<vmem>>) dst(%dma_wait3A_262 : memref<40x128xf32, #tpu.memory_space<vmem_shared>>)
      tpu.yield
    }) : () -> ()
    %add3A_16 = arith.constant 160 : i32
    %add3A_17 = arith.addi %mul3A_7, %add3A_16 : i32
    "tpu.region"() ({
      %run_scoped3A_254 = tpu.sem_alloc : memref<!tpu.dma_semaphore, #tpu.memory_space<semaphore_mem>>
      %dma_start3A_255 = arith.constant 0 : i32
      %dma_start3A_256 = tpu.memref_slice %arg16[%add3A_17, %dma_start3A_255] : memref<10000x128xf32, #tpu.memory_space<vmem_shared>> -> memref<40x128xf32, #tpu.memory_space<vmem_shared>>
      %dma_start3A_257 = arith.constant 0 : i32
      %dma_start3A_258 = tpu.memref_slice %arg16[%add3A_17, %dma_start3A_257] : memref<10000x128xf32, #tpu.memory_space<vmem_shared>> -> memref<40x128xf32, #tpu.memory_space<vmem_shared>>
      tpu.enqueue_dma source(%arg10 : memref<40x128xf32, #tpu.memory_space<vmem>>) target(%dma_start3A_258 : memref<40x128xf32, #tpu.memory_space<vmem_shared>>) target_semaphore(%run_scoped3A_254 : memref<!tpu.dma_semaphore, #tpu.memory_space<semaphore_mem>>)
      %dma_wait3A_259 = arith.constant 0 : i32
      %dma_wait3A_260 = tpu.memref_slice %arg16[%add3A_17, %dma_wait3A_259] : memref<10000x128xf32, #tpu.memory_space<vmem_shared>> -> memref<40x128xf32, #tpu.memory_space<vmem_shared>>
      %dma_wait3A_261 = arith.constant 0 : i32
      %dma_wait3A_262 = tpu.memref_slice %arg16[%add3A_17, %dma_wait3A_261] : memref<10000x128xf32, #tpu.memory_space<vmem_shared>> -> memref<40x128xf32, #tpu.memory_space<vmem_shared>>
      tpu.wait_dma2 semaphore(%run_scoped3A_254 : memref<!tpu.dma_semaphore, #tpu.memory_space<semaphore_mem>>) src(%arg10 : memref<40x128xf32, #tpu.memory_space<vmem>>) dst(%dma_wait3A_262 : memref<40x128xf32, #tpu.memory_space<vmem_shared>>)
      tpu.yield
    }) : () -> ()
    %add3A_18 = arith.constant 200 : i32
    %add3A_19 = arith.addi %mul3A_7, %add3A_18 : i32
    "tpu.region"() ({
      %run_scoped3A_254 = tpu.sem_alloc : memref<!tpu.dma_semaphore, #tpu.memory_space<semaphore_mem>>
      %dma_start3A_255 = arith.constant 0 : i32
      %dma_start3A_256 = tpu.memref_slice %arg16[%add3A_19, %dma_start3A_255] : memref<10000x128xf32, #tpu.memory_space<vmem_shared>> -> memref<40x128xf32, #tpu.memory_space<vmem_shared>>
      %dma_start3A_257 = arith.constant 0 : i32
      %dma_start3A_258 = tpu.memref_slice %arg16[%add3A_19, %dma_start3A_257] : memref<10000x128xf32, #tpu.memory_space<vmem_shared>> -> memref<40x128xf32, #tpu.memory_space<vmem_shared>>
      tpu.enqueue_dma source(%arg10 : memref<40x128xf32, #tpu.memory_space<vmem>>) target(%dma_start3A_258 : memref<40x128xf32, #tpu.memory_space<vmem_shared>>) target_semaphore(%run_scoped3A_254 : memref<!tpu.dma_semaphore, #tpu.memory_space<semaphore_mem>>)
      %dma_wait3A_259 = arith.constant 0 : i32
      %dma_wait3A_260 = tpu.memref_slice %arg16[%add3A_19, %dma_wait3A_259] : memref<10000x128xf32, #tpu.memory_space<vmem_shared>> -> memref<40x128xf32, #tpu.memory_space<vmem_shared>>
      %dma_wait3A_261 = arith.constant 0 : i32
      %dma_wait3A_262 = tpu.memref_slice %arg16[%add3A_19, %dma_wait3A_261] : memref<10000x128xf32, #tpu.memory_space<vmem_shared>> -> memref<40x128xf32, #tpu.memory_space<vmem_shared>>
      tpu.wait_dma2 semaphore(%run_scoped3A_254 : memref<!tpu.dma_semaphore, #tpu.memory_space<semaphore_mem>>) src(%arg10 : memref<40x128xf32, #tpu.memory_space<vmem>>) dst(%dma_wait3A_262 : memref<40x128xf32, #tpu.memory_space<vmem_shared>>)
      tpu.yield
    }) : () -> ()
    %add3A_20 = arith.constant 240 : i32
    %add3A_21 = arith.addi %mul3A_7, %add3A_20 : i32
    "tpu.region"() ({
      %run_scoped3A_254 = tpu.sem_alloc : memref<!tpu.dma_semaphore, #tpu.memory_space<semaphore_mem>>
      %dma_start3A_255 = arith.constant 0 : i32
      %dma_start3A_256 = tpu.memref_slice %arg16[%add3A_21, %dma_start3A_255] : memref<10000x128xf32, #tpu.memory_space<vmem_shared>> -> memref<40x128xf32, #tpu.memory_space<vmem_shared>>
      %dma_start3A_257 = arith.constant 0 : i32
      %dma_start3A_258 = tpu.memref_slice %arg16[%add3A_21, %dma_start3A_257] : memref<10000x128xf32, #tpu.memory_space<vmem_shared>> -> memref<40x128xf32, #tpu.memory_space<vmem_shared>>
      tpu.enqueue_dma source(%arg10 : memref<40x128xf32, #tpu.memory_space<vmem>>) target(%dma_start3A_258 : memref<40x128xf32, #tpu.memory_space<vmem_shared>>) target_semaphore(%run_scoped3A_254 : memref<!tpu.dma_semaphore, #tpu.memory_space<semaphore_mem>>)
      %dma_wait3A_259 = arith.constant 0 : i32
      %dma_wait3A_260 = tpu.memref_slice %arg16[%add3A_21, %dma_wait3A_259] : memref<10000x128xf32, #tpu.memory_space<vmem_shared>> -> memref<40x128xf32, #tpu.memory_space<vmem_shared>>
      %dma_wait3A_261 = arith.constant 0 : i32
      %dma_wait3A_262 = tpu.memref_slice %arg16[%add3A_21, %dma_wait3A_261] : memref<10000x128xf32, #tpu.memory_space<vmem_shared>> -> memref<40x128xf32, #tpu.memory_space<vmem_shared>>
      tpu.wait_dma2 semaphore(%run_scoped3A_254 : memref<!tpu.dma_semaphore, #tpu.memory_space<semaphore_mem>>) src(%arg10 : memref<40x128xf32, #tpu.memory_space<vmem>>) dst(%dma_wait3A_262 : memref<40x128xf32, #tpu.memory_space<vmem_shared>>)
      tpu.yield
    }) : () -> ()
    %add3A_22 = arith.constant 280 : i32
    %add3A_23 = arith.addi %mul3A_7, %add3A_22 : i32
    "tpu.region"() ({
      %run_scoped3A_254 = tpu.sem_alloc : memref<!tpu.dma_semaphore, #tpu.memory_space<semaphore_mem>>
      %dma_start3A_255 = arith.constant 0 : i32
      %dma_start3A_256 = tpu.memref_slice %arg16[%add3A_23, %dma_start3A_255] : memref<10000x128xf32, #tpu.memory_space<vmem_shared>> -> memref<40x128xf32, #tpu.memory_space<vmem_shared>>
      %dma_start3A_257 = arith.constant 0 : i32
      %dma_start3A_258 = tpu.memref_slice %arg16[%add3A_23, %dma_start3A_257] : memref<10000x128xf32, #tpu.memory_space<vmem_shared>> -> memref<40x128xf32, #tpu.memory_space<vmem_shared>>
      tpu.enqueue_dma source(%arg10 : memref<40x128xf32, #tpu.memory_space<vmem>>) target(%dma_start3A_258 : memref<40x128xf32, #tpu.memory_space<vmem_shared>>) target_semaphore(%run_scoped3A_254 : memref<!tpu.dma_semaphore, #tpu.memory_space<semaphore_mem>>)
      %dma_wait3A_259 = arith.constant 0 : i32
      %dma_wait3A_260 = tpu.memref_slice %arg16[%add3A_23, %dma_wait3A_259] : memref<10000x128xf32, #tpu.memory_space<vmem_shared>> -> memref<40x128xf32, #tpu.memory_space<vmem_shared>>
      %dma_wait3A_261 = arith.constant 0 : i32
      %dma_wait3A_262 = tpu.memref_slice %arg16[%add3A_23, %dma_wait3A_261] : memref<10000x128xf32, #tpu.memory_space<vmem_shared>> -> memref<40x128xf32, #tpu.memory_space<vmem_shared>>
      tpu.wait_dma2 semaphore(%run_scoped3A_254 : memref<!tpu.dma_semaphore, #tpu.memory_space<semaphore_mem>>) src(%arg10 : memref<40x128xf32, #tpu.memory_space<vmem>>) dst(%dma_wait3A_262 : memref<40x128xf32, #tpu.memory_space<vmem_shared>>)
      tpu.yield
    }) : () -> ()
    %add3A_24 = arith.constant 320 : i32
    %add3A_25 = arith.addi %mul3A_7, %add3A_24 : i32
    "tpu.region"() ({
      %run_scoped3A_254 = tpu.sem_alloc : memref<!tpu.dma_semaphore, #tpu.memory_space<semaphore_mem>>
      %dma_start3A_255 = arith.constant 0 : i32
      %dma_start3A_256 = tpu.memref_slice %arg16[%add3A_25, %dma_start3A_255] : memref<10000x128xf32, #tpu.memory_space<vmem_shared>> -> memref<40x128xf32, #tpu.memory_space<vmem_shared>>
      %dma_start3A_257 = arith.constant 0 : i32
      %dma_start3A_258 = tpu.memref_slice %arg16[%add3A_25, %dma_start3A_257] : memref<10000x128xf32, #tpu.memory_space<vmem_shared>> -> memref<40x128xf32, #tpu.memory_space<vmem_shared>>
      tpu.enqueue_dma source(%arg10 : memref<40x128xf32, #tpu.memory_space<vmem>>) target(%dma_start3A_258 : memref<40x128xf32, #tpu.memory_space<vmem_shared>>) target_semaphore(%run_scoped3A_254 : memref<!tpu.dma_semaphore, #tpu.memory_space<semaphore_mem>>)
      %dma_wait3A_259 = arith.constant 0 : i32
      %dma_wait3A_260 = tpu.memref_slice %arg16[%add3A_25, %dma_wait3A_259] : memref<10000x128xf32, #tpu.memory_space<vmem_shared>> -> memref<40x128xf32, #tpu.memory_space<vmem_shared>>
      %dma_wait3A_261 = arith.constant 0 : i32
      %dma_wait3A_262 = tpu.memref_slice %arg16[%add3A_25, %dma_wait3A_261] : memref<10000x128xf32, #tpu.memory_space<vmem_shared>> -> memref<40x128xf32, #tpu.memory_space<vmem_shared>>
      tpu.wait_dma2 semaphore(%run_scoped3A_254 : memref<!tpu.dma_semaphore, #tpu.memory_space<semaphore_mem>>) src(%arg10 : memref<40x128xf32, #tpu.memory_space<vmem>>) dst(%dma_wait3A_262 : memref<40x128xf32, #tpu.memory_space<vmem_shared>>)
      tpu.yield
    }) : () -> ()
    %add3A_26 = arith.constant 360 : i32
    %add3A_27 = arith.addi %mul3A_7, %add3A_26 : i32
    "tpu.region"() ({
      %run_scoped3A_254 = tpu.sem_alloc : memref<!tpu.dma_semaphore, #tpu.memory_space<semaphore_mem>>
      %dma_start3A_255 = arith.constant 0 : i32
      %dma_start3A_256 = tpu.memref_slice %arg16[%add3A_27, %dma_start3A_255] : memref<10000x128xf32, #tpu.memory_space<vmem_shared>> -> memref<40x128xf32, #tpu.memory_space<vmem_shared>>
      %dma_start3A_257 = arith.constant 0 : i32
      %dma_start3A_258 = tpu.memref_slice %arg16[%add3A_27, %dma_start3A_257] : memref<10000x128xf32, #tpu.memory_space<vmem_shared>> -> memref<40x128xf32, #tpu.memory_space<vmem_shared>>
      tpu.enqueue_dma source(%arg10 : memref<40x128xf32, #tpu.memory_space<vmem>>) target(%dma_start3A_258 : memref<40x128xf32, #tpu.memory_space<vmem_shared>>) target_semaphore(%run_scoped3A_254 : memref<!tpu.dma_semaphore, #tpu.memory_space<semaphore_mem>>)
      %dma_wait3A_259 = arith.constant 0 : i32
      %dma_wait3A_260 = tpu.memref_slice %arg16[%add3A_27, %dma_wait3A_259] : memref<10000x128xf32, #tpu.memory_space<vmem_shared>> -> memref<40x128xf32, #tpu.memory_space<vmem_shared>>
      %dma_wait3A_261 = arith.constant 0 : i32
      %dma_wait3A_262 = tpu.memref_slice %arg16[%add3A_27, %dma_wait3A_261] : memref<10000x128xf32, #tpu.memory_space<vmem_shared>> -> memref<40x128xf32, #tpu.memory_space<vmem_shared>>
      tpu.wait_dma2 semaphore(%run_scoped3A_254 : memref<!tpu.dma_semaphore, #tpu.memory_space<semaphore_mem>>) src(%arg10 : memref<40x128xf32, #tpu.memory_space<vmem>>) dst(%dma_wait3A_262 : memref<40x128xf32, #tpu.memory_space<vmem_shared>>)
      tpu.yield
    }) : () -> ()
    %add3A_28 = arith.constant 400 : i32
    %add3A_29 = arith.addi %mul3A_7, %add3A_28 : i32
    "tpu.region"() ({
      %run_scoped3A_254 = tpu.sem_alloc : memref<!tpu.dma_semaphore, #tpu.memory_space<semaphore_mem>>
      %dma_start3A_255 = arith.constant 0 : i32
      %dma_start3A_256 = tpu.memref_slice %arg16[%add3A_29, %dma_start3A_255] : memref<10000x128xf32, #tpu.memory_space<vmem_shared>> -> memref<40x128xf32, #tpu.memory_space<vmem_shared>>
      %dma_start3A_257 = arith.constant 0 : i32
      %dma_start3A_258 = tpu.memref_slice %arg16[%add3A_29, %dma_start3A_257] : memref<10000x128xf32, #tpu.memory_space<vmem_shared>> -> memref<40x128xf32, #tpu.memory_space<vmem_shared>>
      tpu.enqueue_dma source(%arg10 : memref<40x128xf32, #tpu.memory_space<vmem>>) target(%dma_start3A_258 : memref<40x128xf32, #tpu.memory_space<vmem_shared>>) target_semaphore(%run_scoped3A_254 : memref<!tpu.dma_semaphore, #tpu.memory_space<semaphore_mem>>)
      %dma_wait3A_259 = arith.constant 0 : i32
      %dma_wait3A_260 = tpu.memref_slice %arg16[%add3A_29, %dma_wait3A_259] : memref<10000x128xf32, #tpu.memory_space<vmem_shared>> -> memref<40x128xf32, #tpu.memory_space<vmem_shared>>
      %dma_wait3A_261 = arith.constant 0 : i32
      %dma_wait3A_262 = tpu.memref_slice %arg16[%add3A_29, %dma_wait3A_261] : memref<10000x128xf32, #tpu.memory_space<vmem_shared>> -> memref<40x128xf32, #tpu.memory_space<vmem_shared>>
      tpu.wait_dma2 semaphore(%run_scoped3A_254 : memref<!tpu.dma_semaphore, #tpu.memory_space<semaphore_mem>>) src(%arg10 : memref<40x128xf32, #tpu.memory_space<vmem>>) dst(%dma_wait3A_262 : memref<40x128xf32, #tpu.memory_space<vmem_shared>>)
      tpu.yield
    }) : () -> ()
    %add3A_30 = arith.constant 440 : i32
    %add3A_31 = arith.addi %mul3A_7, %add3A_30 : i32
    "tpu.region"() ({
      %run_scoped3A_254 = tpu.sem_alloc : memref<!tpu.dma_semaphore, #tpu.memory_space<semaphore_mem>>
      %dma_start3A_255 = arith.constant 0 : i32
      %dma_start3A_256 = tpu.memref_slice %arg16[%add3A_31, %dma_start3A_255] : memref<10000x128xf32, #tpu.memory_space<vmem_shared>> -> memref<40x128xf32, #tpu.memory_space<vmem_shared>>
      %dma_start3A_257 = arith.constant 0 : i32
      %dma_start3A_258 = tpu.memref_slice %arg16[%add3A_31, %dma_start3A_257] : memref<10000x128xf32, #tpu.memory_space<vmem_shared>> -> memref<40x128xf32, #tpu.memory_space<vmem_shared>>
      tpu.enqueue_dma source(%arg10 : memref<40x128xf32, #tpu.memory_space<vmem>>) target(%dma_start3A_258 : memref<40x128xf32, #tpu.memory_space<vmem_shared>>) target_semaphore(%run_scoped3A_254 : memref<!tpu.dma_semaphore, #tpu.memory_space<semaphore_mem>>)
      %dma_wait3A_259 = arith.constant 0 : i32
      %dma_wait3A_260 = tpu.memref_slice %arg16[%add3A_31, %dma_wait3A_259] : memref<10000x128xf32, #tpu.memory_space<vmem_shared>> -> memref<40x128xf32, #tpu.memory_space<vmem_shared>>
      %dma_wait3A_261 = arith.constant 0 : i32
      %dma_wait3A_262 = tpu.memref_slice %arg16[%add3A_31, %dma_wait3A_261] : memref<10000x128xf32, #tpu.memory_space<vmem_shared>> -> memref<40x128xf32, #tpu.memory_space<vmem_shared>>
      tpu.wait_dma2 semaphore(%run_scoped3A_254 : memref<!tpu.dma_semaphore, #tpu.memory_space<semaphore_mem>>) src(%arg10 : memref<40x128xf32, #tpu.memory_space<vmem>>) dst(%dma_wait3A_262 : memref<40x128xf32, #tpu.memory_space<vmem_shared>>)
      tpu.yield
    }) : () -> ()
    %add3A_32 = arith.constant 480 : i32
    %add3A_33 = arith.addi %mul3A_7, %add3A_32 : i32
    "tpu.region"() ({
      %run_scoped3A_254 = tpu.sem_alloc : memref<!tpu.dma_semaphore, #tpu.memory_space<semaphore_mem>>
      %dma_start3A_255 = arith.constant 0 : i32
      %dma_start3A_256 = tpu.memref_slice %arg16[%add3A_33, %dma_start3A_255] : memref<10000x128xf32, #tpu.memory_space<vmem_shared>> -> memref<40x128xf32, #tpu.memory_space<vmem_shared>>
      %dma_start3A_257 = arith.constant 0 : i32
      %dma_start3A_258 = tpu.memref_slice %arg16[%add3A_33, %dma_start3A_257] : memref<10000x128xf32, #tpu.memory_space<vmem_shared>> -> memref<40x128xf32, #tpu.memory_space<vmem_shared>>
      tpu.enqueue_dma source(%arg10 : memref<40x128xf32, #tpu.memory_space<vmem>>) target(%dma_start3A_258 : memref<40x128xf32, #tpu.memory_space<vmem_shared>>) target_semaphore(%run_scoped3A_254 : memref<!tpu.dma_semaphore, #tpu.memory_space<semaphore_mem>>)
      %dma_wait3A_259 = arith.constant 0 : i32
      %dma_wait3A_260 = tpu.memref_slice %arg16[%add3A_33, %dma_wait3A_259] : memref<10000x128xf32, #tpu.memory_space<vmem_shared>> -> memref<40x128xf32, #tpu.memory_space<vmem_shared>>
      %dma_wait3A_261 = arith.constant 0 : i32
      %dma_wait3A_262 = tpu.memref_slice %arg16[%add3A_33, %dma_wait3A_261] : memref<10000x128xf32, #tpu.memory_space<vmem_shared>> -> memref<40x128xf32, #tpu.memory_space<vmem_shared>>
      tpu.wait_dma2 semaphore(%run_scoped3A_254 : memref<!tpu.dma_semaphore, #tpu.memory_space<semaphore_mem>>) src(%arg10 : memref<40x128xf32, #tpu.memory_space<vmem>>) dst(%dma_wait3A_262 : memref<40x128xf32, #tpu.memory_space<vmem_shared>>)
      tpu.yield
    }) : () -> ()
    %add3A_34 = arith.constant 520 : i32
    %add3A_35 = arith.addi %mul3A_7, %add3A_34 : i32
    "tpu.region"() ({
      %run_scoped3A_254 = tpu.sem_alloc : memref<!tpu.dma_semaphore, #tpu.memory_space<semaphore_mem>>
      %dma_start3A_255 = arith.constant 0 : i32
      %dma_start3A_256 = tpu.memref_slice %arg16[%add3A_35, %dma_start3A_255] : memref<10000x128xf32, #tpu.memory_space<vmem_shared>> -> memref<40x128xf32, #tpu.memory_space<vmem_shared>>
      %dma_start3A_257 = arith.constant 0 : i32
      %dma_start3A_258 = tpu.memref_slice %arg16[%add3A_35, %dma_start3A_257] : memref<10000x128xf32, #tpu.memory_space<vmem_shared>> -> memref<40x128xf32, #tpu.memory_space<vmem_shared>>
      tpu.enqueue_dma source(%arg10 : memref<40x128xf32, #tpu.memory_space<vmem>>) target(%dma_start3A_258 : memref<40x128xf32, #tpu.memory_space<vmem_shared>>) target_semaphore(%run_scoped3A_254 : memref<!tpu.dma_semaphore, #tpu.memory_space<semaphore_mem>>)
      %dma_wait3A_259 = arith.constant 0 : i32
      %dma_wait3A_260 = tpu.memref_slice %arg16[%add3A_35, %dma_wait3A_259] : memref<10000x128xf32, #tpu.memory_space<vmem_shared>> -> memref<40x128xf32, #tpu.memory_space<vmem_shared>>
      %dma_wait3A_261 = arith.constant 0 : i32
      %dma_wait3A_262 = tpu.memref_slice %arg16[%add3A_35, %dma_wait3A_261] : memref<10000x128xf32, #tpu.memory_space<vmem_shared>> -> memref<40x128xf32, #tpu.memory_space<vmem_shared>>
      tpu.wait_dma2 semaphore(%run_scoped3A_254 : memref<!tpu.dma_semaphore, #tpu.memory_space<semaphore_mem>>) src(%arg10 : memref<40x128xf32, #tpu.memory_space<vmem>>) dst(%dma_wait3A_262 : memref<40x128xf32, #tpu.memory_space<vmem_shared>>)
      tpu.yield
    }) : () -> ()
    %add3A_36 = arith.constant 560 : i32
    %add3A_37 = arith.addi %mul3A_7, %add3A_36 : i32
    "tpu.region"() ({
      %run_scoped3A_254 = tpu.sem_alloc : memref<!tpu.dma_semaphore, #tpu.memory_space<semaphore_mem>>
      %dma_start3A_255 = arith.constant 0 : i32
      %dma_start3A_256 = tpu.memref_slice %arg16[%add3A_37, %dma_start3A_255] : memref<10000x128xf32, #tpu.memory_space<vmem_shared>> -> memref<40x128xf32, #tpu.memory_space<vmem_shared>>
      %dma_start3A_257 = arith.constant 0 : i32
      %dma_start3A_258 = tpu.memref_slice %arg16[%add3A_37, %dma_start3A_257] : memref<10000x128xf32, #tpu.memory_space<vmem_shared>> -> memref<40x128xf32, #tpu.memory_space<vmem_shared>>
      tpu.enqueue_dma source(%arg10 : memref<40x128xf32, #tpu.memory_space<vmem>>) target(%dma_start3A_258 : memref<40x128xf32, #tpu.memory_space<vmem_shared>>) target_semaphore(%run_scoped3A_254 : memref<!tpu.dma_semaphore, #tpu.memory_space<semaphore_mem>>)
      %dma_wait3A_259 = arith.constant 0 : i32
      %dma_wait3A_260 = tpu.memref_slice %arg16[%add3A_37, %dma_wait3A_259] : memref<10000x128xf32, #tpu.memory_space<vmem_shared>> -> memref<40x128xf32, #tpu.memory_space<vmem_shared>>
      %dma_wait3A_261 = arith.constant 0 : i32
      %dma_wait3A_262 = tpu.memref_slice %arg16[%add3A_37, %dma_wait3A_261] : memref<10000x128xf32, #tpu.memory_space<vmem_shared>> -> memref<40x128xf32, #tpu.memory_space<vmem_shared>>
      tpu.wait_dma2 semaphore(%run_scoped3A_254 : memref<!tpu.dma_semaphore, #tpu.memory_space<semaphore_mem>>) src(%arg10 : memref<40x128xf32, #tpu.memory_space<vmem>>) dst(%dma_wait3A_262 : memref<40x128xf32, #tpu.memory_space<vmem_shared>>)
      tpu.yield
    }) : () -> ()
    %add3A_38 = arith.constant 624 : i32
    %add3A_39 = arith.addi %mul3A_7, %add3A_38 : i32
    %sub3A = arith.constant 24 : i32
    %sub3A_40 = arith.subi %add3A_39, %sub3A : i32
    "tpu.region"() ({
      %run_scoped3A_254 = tpu.sem_alloc : memref<!tpu.dma_semaphore, #tpu.memory_space<semaphore_mem>>
      %dma_start3A_255 = arith.constant 0 : i32
      %dma_start3A_256 = arith.constant 0 : i32
      %dma_start3A_257 = tpu.memref_slice %arg10[%dma_start3A_255, %dma_start3A_256] : memref<40x128xf32, #tpu.memory_space<vmem>> -> memref<24x128xf32, #tpu.memory_space<vmem>>
      %dma_start3A_258 = arith.constant 0 : i32
      %dma_start3A_259 = tpu.memref_slice %arg16[%sub3A_40, %dma_start3A_258] : memref<10000x128xf32, #tpu.memory_space<vmem_shared>> -> memref<24x128xf32, #tpu.memory_space<vmem_shared>>
      %dma_start3A_260 = arith.constant 0 : i32
      %dma_start3A_261 = tpu.memref_slice %arg16[%sub3A_40, %dma_start3A_260] : memref<10000x128xf32, #tpu.memory_space<vmem_shared>> -> memref<24x128xf32, #tpu.memory_space<vmem_shared>>
      %dma_start3A_262 = arith.constant 0 : i32
      %dma_start3A_263 = arith.constant 0 : i32
      %dma_start3A_264 = tpu.memref_slice %arg10[%dma_start3A_262, %dma_start3A_263] : memref<40x128xf32, #tpu.memory_space<vmem>> -> memref<24x128xf32, #tpu.memory_space<vmem>>
      tpu.enqueue_dma source(%dma_start3A_264 : memref<24x128xf32, #tpu.memory_space<vmem>>) target(%dma_start3A_261 : memref<24x128xf32, #tpu.memory_space<vmem_shared>>) target_semaphore(%run_scoped3A_254 : memref<!tpu.dma_semaphore, #tpu.memory_space<semaphore_mem>>)
      %dma_wait3A_265 = arith.constant 0 : i32
      %dma_wait3A_266 = arith.constant 0 : i32
      %dma_wait3A_267 = tpu.memref_slice %arg10[%dma_wait3A_265, %dma_wait3A_266] : memref<40x128xf32, #tpu.memory_space<vmem>> -> memref<24x128xf32, #tpu.memory_space<vmem>>
      %dma_wait3A_268 = arith.constant 0 : i32
      %dma_wait3A_269 = tpu.memref_slice %arg16[%sub3A_40, %dma_wait3A_268] : memref<10000x128xf32, #tpu.memory_space<vmem_shared>> -> memref<24x128xf32, #tpu.memory_space<vmem_shared>>
      %dma_wait3A_270 = arith.constant 0 : i32
      %dma_wait3A_271 = tpu.memref_slice %arg16[%sub3A_40, %dma_wait3A_270] : memref<10000x128xf32, #tpu.memory_space<vmem_shared>> -> memref<24x128xf32, #tpu.memory_space<vmem_shared>>
      %dma_wait3A_272 = arith.constant 0 : i32
      %dma_wait3A_273 = arith.constant 0 : i32
      %dma_wait3A_274 = tpu.memref_slice %arg10[%dma_wait3A_272, %dma_wait3A_273] : memref<40x128xf32, #tpu.memory_space<vmem>> -> memref<24x128xf32, #tpu.memory_space<vmem>>
      tpu.wait_dma2 semaphore(%run_scoped3A_254 : memref<!tpu.dma_semaphore, #tpu.memory_space<semaphore_mem>>) src(%dma_wait3A_274 : memref<24x128xf32, #tpu.memory_space<vmem>>) dst(%dma_wait3A_271 : memref<24x128xf32, #tpu.memory_space<vmem_shared>>)
      tpu.yield
    }) : () -> ()
    %eq3A = arith.constant 15 : i32
    %eq3A_41 = arith.cmpi eq, %arg1, %eq3A : i32
    %convert_element_type3A = arith.extui %eq3A_41 : i1 to i32
    %cond3A = arith.constant 0 : i32
    %cond3A_42 = arith.cmpi ne, %convert_element_type3A, %cond3A : i32
    scf.if %cond3A_42 {
      "tpu.region"() ({
        %run_scoped3A_254 = tpu.sem_alloc : memref<!tpu.dma_semaphore, #tpu.memory_space<semaphore_mem>>
        %dma_start3A_255 = arith.constant 0 : i32
        %dma_start3A_256 = arith.constant 0 : i32
        %dma_start3A_257 = tpu.memref_slice %arg10[%dma_start3A_255, %dma_start3A_256] : memref<40x128xf32, #tpu.memory_space<vmem>> -> memref<16x128xf32, #tpu.memory_space<vmem>>
        %dma_start3A_258 = arith.constant 9984 : i32
        %dma_start3A_259 = arith.constant 0 : i32
        %dma_start3A_260 = tpu.memref_slice %arg16[%dma_start3A_258, %dma_start3A_259] : memref<10000x128xf32, #tpu.memory_space<vmem_shared>> -> memref<16x128xf32, #tpu.memory_space<vmem_shared>>
        %dma_start3A_261 = arith.constant 9984 : i32
        %dma_start3A_262 = arith.constant 0 : i32
        %dma_start3A_263 = tpu.memref_slice %arg16[%dma_start3A_261, %dma_start3A_262] : memref<10000x128xf32, #tpu.memory_space<vmem_shared>> -> memref<16x128xf32, #tpu.memory_space<vmem_shared>>
        %dma_start3A_264 = arith.constant 0 : i32
        %dma_start3A_265 = arith.constant 0 : i32
        %dma_start3A_266 = tpu.memref_slice %arg10[%dma_start3A_264, %dma_start3A_265] : memref<40x128xf32, #tpu.memory_space<vmem>> -> memref<16x128xf32, #tpu.memory_space<vmem>>
        tpu.enqueue_dma source(%dma_start3A_266 : memref<16x128xf32, #tpu.memory_space<vmem>>) target(%dma_start3A_263 : memref<16x128xf32, #tpu.memory_space<vmem_shared>>) target_semaphore(%run_scoped3A_254 : memref<!tpu.dma_semaphore, #tpu.memory_space<semaphore_mem>>)
        %dma_wait3A_267 = arith.constant 0 : i32
        %dma_wait3A_268 = arith.constant 0 : i32
        %dma_wait3A_269 = tpu.memref_slice %arg10[%dma_wait3A_267, %dma_wait3A_268] : memref<40x128xf32, #tpu.memory_space<vmem>> -> memref<16x128xf32, #tpu.memory_space<vmem>>
        %dma_wait3A_270 = arith.constant 9984 : i32
        %dma_wait3A_271 = arith.constant 0 : i32
        %dma_wait3A_272 = tpu.memref_slice %arg16[%dma_wait3A_270, %dma_wait3A_271] : memref<10000x128xf32, #tpu.memory_space<vmem_shared>> -> memref<16x128xf32, #tpu.memory_space<vmem_shared>>
        %dma_wait3A_273 = arith.constant 9984 : i32
        %dma_wait3A_274 = arith.constant 0 : i32
        %dma_wait3A_275 = tpu.memref_slice %arg16[%dma_wait3A_273, %dma_wait3A_274] : memref<10000x128xf32, #tpu.memory_space<vmem_shared>> -> memref<16x128xf32, #tpu.memory_space<vmem_shared>>
        %dma_wait3A_276 = arith.constant 0 : i32
        %dma_wait3A_277 = arith.constant 0 : i32
        %dma_wait3A_278 = tpu.memref_slice %arg10[%dma_wait3A_276, %dma_wait3A_277] : memref<40x128xf32, #tpu.memory_space<vmem>> -> memref<16x128xf32, #tpu.memory_space<vmem>>
        tpu.wait_dma2 semaphore(%run_scoped3A_254 : memref<!tpu.dma_semaphore, #tpu.memory_space<semaphore_mem>>) src(%dma_wait3A_278 : memref<16x128xf32, #tpu.memory_space<vmem>>) dst(%dma_wait3A_275 : memref<16x128xf32, #tpu.memory_space<vmem_shared>>)
        tpu.yield
      }) : () -> ()
    } else {
    }
    %barrier3A = arith.constant 0 : index
    tpu.barrier barrier_id(%barrier3A)
    %mul3A_43 = arith.constant 10000 : i32
    %mul3A_44 = arith.muli %add3A, %mul3A_43 : i32
    %add3A_45 = arith.constant 0 : i32
    %add3A_46 = arith.addi %mul3A_44, %add3A_45 : i32
    %dma_start3A = arith.constant 0 : i32
    %dma_start3A_47 = arith.constant 0 : i32
    %dma_start3A_48 = tpu.memref_slice %arg8[%dma_start3A, %dma_start3A_47] : memref<2x40xi32, #tpu.memory_space<vmem>> -> memref<1x40xi32, #tpu.memory_space<vmem>>
    %dma_start3A_49 = tpu.memref_squeeze %dma_start3A_48 : memref<1x40xi32, #tpu.memory_space<vmem>> -> memref<40xi32, #tpu.memory_space<vmem>>
    %dma_start3A_50 = tpu.memref_slice %arg4[%add3A_46] : memref<320000xi32, #tpu.memory_space<hbm>> -> memref<40xi32, #tpu.memory_space<hbm>>
    %dma_start3A_51 = arith.constant 0 : i32
    %dma_start3A_52 = tpu.memref_slice %arg8[%dma_start3A, %dma_start3A_51] : memref<2x40xi32, #tpu.memory_space<vmem>> -> memref<1x40xi32, #tpu.memory_space<vmem>>
    %dma_start3A_53 = tpu.memref_squeeze %dma_start3A_52 : memref<1x40xi32, #tpu.memory_space<vmem>> -> memref<40xi32, #tpu.memory_space<vmem>>
    %dma_start3A_54 = tpu.memref_slice %arg4[%add3A_46] : memref<320000xi32, #tpu.memory_space<hbm>> -> memref<40xi32, #tpu.memory_space<hbm>>
    tpu.enqueue_dma source(%dma_start3A_54 : memref<40xi32, #tpu.memory_space<hbm>>) target(%dma_start3A_53 : memref<40xi32, #tpu.memory_space<vmem>>) target_semaphore(%arg19 : memref<!tpu.dma_semaphore, #tpu.memory_space<semaphore_mem>>)
    %add3A_55 = arith.constant 0 : i32
    %add3A_56 = arith.addi %mul3A_44, %add3A_55 : i32
    %dma_start3A_57 = arith.constant 1 : i32
    %dma_start3A_58 = arith.constant 0 : i32
    %dma_start3A_59 = tpu.memref_slice %arg8[%dma_start3A_57, %dma_start3A_58] : memref<2x40xi32, #tpu.memory_space<vmem>> -> memref<1x40xi32, #tpu.memory_space<vmem>>
    %dma_start3A_60 = tpu.memref_squeeze %dma_start3A_59 : memref<1x40xi32, #tpu.memory_space<vmem>> -> memref<40xi32, #tpu.memory_space<vmem>>
    %dma_start3A_61 = tpu.memref_slice %arg5[%add3A_56] : memref<320000xi32, #tpu.memory_space<hbm>> -> memref<40xi32, #tpu.memory_space<hbm>>
    %dma_start3A_62 = arith.constant 0 : i32
    %dma_start3A_63 = tpu.memref_slice %arg8[%dma_start3A_57, %dma_start3A_62] : memref<2x40xi32, #tpu.memory_space<vmem>> -> memref<1x40xi32, #tpu.memory_space<vmem>>
    %dma_start3A_64 = tpu.memref_squeeze %dma_start3A_63 : memref<1x40xi32, #tpu.memory_space<vmem>> -> memref<40xi32, #tpu.memory_space<vmem>>
    %dma_start3A_65 = tpu.memref_slice %arg5[%add3A_56] : memref<320000xi32, #tpu.memory_space<hbm>> -> memref<40xi32, #tpu.memory_space<hbm>>
    tpu.enqueue_dma source(%dma_start3A_65 : memref<40xi32, #tpu.memory_space<hbm>>) target(%dma_start3A_64 : memref<40xi32, #tpu.memory_space<vmem>>) target_semaphore(%arg19 : memref<!tpu.dma_semaphore, #tpu.memory_space<semaphore_mem>>)
    %dma_wait3A = arith.constant 0 : i32
    %dma_wait3A_66 = arith.constant 0 : i32
    %dma_wait3A_67 = tpu.memref_slice %arg8[%dma_wait3A, %dma_wait3A_66] : memref<2x40xi32, #tpu.memory_space<vmem>> -> memref<1x40xi32, #tpu.memory_space<vmem>>
    %dma_wait3A_68 = tpu.memref_squeeze %dma_wait3A_67 : memref<1x40xi32, #tpu.memory_space<vmem>> -> memref<40xi32, #tpu.memory_space<vmem>>
    %dma_wait3A_69 = arith.constant 0 : i32
    %dma_wait3A_70 = tpu.memref_slice %arg4[%dma_wait3A_69] : memref<320000xi32, #tpu.memory_space<hbm>> -> memref<40xi32, #tpu.memory_space<hbm>>
    %dma_wait3A_71 = arith.constant 0 : i32
    %dma_wait3A_72 = tpu.memref_slice %arg8[%dma_wait3A, %dma_wait3A_71] : memref<2x40xi32, #tpu.memory_space<vmem>> -> memref<1x40xi32, #tpu.memory_space<vmem>>
    %dma_wait3A_73 = tpu.memref_squeeze %dma_wait3A_72 : memref<1x40xi32, #tpu.memory_space<vmem>> -> memref<40xi32, #tpu.memory_space<vmem>>
    %dma_wait3A_74 = arith.constant 0 : i32
    %dma_wait3A_75 = tpu.memref_slice %arg4[%dma_wait3A_74] : memref<320000xi32, #tpu.memory_space<hbm>> -> memref<40xi32, #tpu.memory_space<hbm>>
    tpu.wait_dma2 semaphore(%arg19 : memref<!tpu.dma_semaphore, #tpu.memory_space<semaphore_mem>>) src(%dma_wait3A_75 : memref<40xi32, #tpu.memory_space<hbm>>) dst(%dma_wait3A_73 : memref<40xi32, #tpu.memory_space<vmem>>)
    %dma_wait3A_76 = arith.constant 1 : i32
    %dma_wait3A_77 = arith.constant 0 : i32
    %dma_wait3A_78 = tpu.memref_slice %arg8[%dma_wait3A_76, %dma_wait3A_77] : memref<2x40xi32, #tpu.memory_space<vmem>> -> memref<1x40xi32, #tpu.memory_space<vmem>>
    %dma_wait3A_79 = tpu.memref_squeeze %dma_wait3A_78 : memref<1x40xi32, #tpu.memory_space<vmem>> -> memref<40xi32, #tpu.memory_space<vmem>>
    %dma_wait3A_80 = arith.constant 0 : i32
    %dma_wait3A_81 = tpu.memref_slice %arg4[%dma_wait3A_80] : memref<320000xi32, #tpu.memory_space<hbm>> -> memref<40xi32, #tpu.memory_space<hbm>>
    %dma_wait3A_82 = arith.constant 0 : i32
    %dma_wait3A_83 = tpu.memref_slice %arg8[%dma_wait3A_76, %dma_wait3A_82] : memref<2x40xi32, #tpu.memory_space<vmem>> -> memref<1x40xi32, #tpu.memory_space<vmem>>
    %dma_wait3A_84 = tpu.memref_squeeze %dma_wait3A_83 : memref<1x40xi32, #tpu.memory_space<vmem>> -> memref<40xi32, #tpu.memory_space<vmem>>
    %dma_wait3A_85 = arith.constant 0 : i32
    %dma_wait3A_86 = tpu.memref_slice %arg4[%dma_wait3A_85] : memref<320000xi32, #tpu.memory_space<hbm>> -> memref<40xi32, #tpu.memory_space<hbm>>
    tpu.wait_dma2 semaphore(%arg19 : memref<!tpu.dma_semaphore, #tpu.memory_space<semaphore_mem>>) src(%dma_wait3A_86 : memref<40xi32, #tpu.memory_space<hbm>>) dst(%dma_wait3A_84 : memref<40xi32, #tpu.memory_space<vmem>>)
    %dma_start3A_87 = arith.constant 0 : i32
    %dma_start3A_88 = arith.constant 0 : i32
    %dma_start3A_89 = tpu.memref_slice %arg8[%dma_start3A_87, %dma_start3A_88] : memref<2x40xi32, #tpu.memory_space<vmem>> -> memref<1x40xi32, #tpu.memory_space<vmem>>
    %dma_start3A_90 = tpu.memref_squeeze %dma_start3A_89 : memref<1x40xi32, #tpu.memory_space<vmem>> -> memref<40xi32, #tpu.memory_space<vmem>>
    %dma_start3A_91 = arith.constant 0 : i32
    %dma_start3A_92 = arith.constant 0 : i32
    %dma_start3A_93 = tpu.memref_slice %arg2[%dma_start3A_91, %dma_start3A_92] : memref<10000x128xf32, #tpu.memory_space<hbm>> -> memref<10000x128xf32, #tpu.memory_space<hbm>>
    tpu.enqueue_indirect_dma source(%dma_start3A_93 : memref<10000x128xf32, #tpu.memory_space<hbm>>) target(%arg10 : memref<40x128xf32, #tpu.memory_space<vmem>>) offsets(%dma_start3A_90 : memref<40xi32, #tpu.memory_space<vmem>>) semaphore(%arg17 : memref<!tpu.dma_semaphore, #tpu.memory_space<semaphore_mem>>)
    %dma_start3A_94 = arith.constant 1 : i32
    %dma_start3A_95 = arith.constant 0 : i32
    %dma_start3A_96 = tpu.memref_slice %arg8[%dma_start3A_94, %dma_start3A_95] : memref<2x40xi32, #tpu.memory_space<vmem>> -> memref<1x40xi32, #tpu.memory_space<vmem>>
    %dma_start3A_97 = tpu.memref_squeeze %dma_start3A_96 : memref<1x40xi32, #tpu.memory_space<vmem>> -> memref<40xi32, #tpu.memory_space<vmem>>
    %dma_start3A_98 = arith.constant 0 : i32
    %dma_start3A_99 = arith.constant 0 : i32
    %dma_start3A_100 = tpu.memref_slice %arg3[%dma_start3A_98, %dma_start3A_99] : memref<10000x128xf32, #tpu.memory_space<hbm>> -> memref<10000x128xf32, #tpu.memory_space<hbm>>
    tpu.enqueue_indirect_dma source(%dma_start3A_100 : memref<10000x128xf32, #tpu.memory_space<hbm>>) target(%arg11 : memref<40x128xf32, #tpu.memory_space<vmem>>) offsets(%dma_start3A_97 : memref<40xi32, #tpu.memory_space<vmem>>) semaphore(%arg17 : memref<!tpu.dma_semaphore, #tpu.memory_space<semaphore_mem>>)
    %mul3A_101 = arith.constant 250 : i32
    %mul3A_102 = arith.muli %add3A, %mul3A_101 : i32
    %add3A_103 = arith.constant 0 : i32
    %add3A_104 = arith.addi %mul3A_102, %add3A_103 : i32
    %dma_start3A_105 = arith.constant 0 : i32
    %dma_start3A_106 = arith.constant 0 : i32
    %dma_start3A_107 = tpu.memref_slice %arg6[%add3A_104, %dma_start3A_105, %dma_start3A_106] : memref<8000x40x128xf32, #tpu.memory_space<hbm>> -> memref<1x40x128xf32, #tpu.memory_space<hbm>>
    %dma_start3A_108 = tpu.memref_squeeze %dma_start3A_107 : memref<1x40x128xf32, #tpu.memory_space<hbm>> -> memref<40x128xf32, #tpu.memory_space<hbm>>
    %dma_start3A_109 = arith.constant 0 : i32
    %dma_start3A_110 = arith.constant 0 : i32
    %dma_start3A_111 = tpu.memref_slice %arg6[%add3A_104, %dma_start3A_109, %dma_start3A_110] : memref<8000x40x128xf32, #tpu.memory_space<hbm>> -> memref<1x40x128xf32, #tpu.memory_space<hbm>>
    %dma_start3A_112 = tpu.memref_squeeze %dma_start3A_111 : memref<1x40x128xf32, #tpu.memory_space<hbm>> -> memref<40x128xf32, #tpu.memory_space<hbm>>
    tpu.enqueue_dma source(%dma_start3A_112 : memref<40x128xf32, #tpu.memory_space<hbm>>) target(%arg12 : memref<40x128xf32, #tpu.memory_space<vmem>>) target_semaphore(%arg17 : memref<!tpu.dma_semaphore, #tpu.memory_space<semaphore_mem>>)
    %add3A_113 = arith.constant 40 : i32
    %add3A_114 = arith.addi %mul3A_44, %add3A_113 : i32
    %dma_start3A_115 = arith.constant 0 : i32
    %dma_start3A_116 = arith.constant 0 : i32
    %dma_start3A_117 = tpu.memref_slice %arg9[%dma_start3A_115, %dma_start3A_116] : memref<2x40xi32, #tpu.memory_space<vmem>> -> memref<1x40xi32, #tpu.memory_space<vmem>>
    %dma_start3A_118 = tpu.memref_squeeze %dma_start3A_117 : memref<1x40xi32, #tpu.memory_space<vmem>> -> memref<40xi32, #tpu.memory_space<vmem>>
    %dma_start3A_119 = tpu.memref_slice %arg4[%add3A_114] : memref<320000xi32, #tpu.memory_space<hbm>> -> memref<40xi32, #tpu.memory_space<hbm>>
    %dma_start3A_120 = arith.constant 0 : i32
    %dma_start3A_121 = tpu.memref_slice %arg9[%dma_start3A_115, %dma_start3A_120] : memref<2x40xi32, #tpu.memory_space<vmem>> -> memref<1x40xi32, #tpu.memory_space<vmem>>
    %dma_start3A_122 = tpu.memref_squeeze %dma_start3A_121 : memref<1x40xi32, #tpu.memory_space<vmem>> -> memref<40xi32, #tpu.memory_space<vmem>>
    %dma_start3A_123 = tpu.memref_slice %arg4[%add3A_114] : memref<320000xi32, #tpu.memory_space<hbm>> -> memref<40xi32, #tpu.memory_space<hbm>>
    tpu.enqueue_dma source(%dma_start3A_123 : memref<40xi32, #tpu.memory_space<hbm>>) target(%dma_start3A_122 : memref<40xi32, #tpu.memory_space<vmem>>) target_semaphore(%arg20 : memref<!tpu.dma_semaphore, #tpu.memory_space<semaphore_mem>>)
    %add3A_124 = arith.constant 40 : i32
    %add3A_125 = arith.addi %mul3A_44, %add3A_124 : i32
    %dma_start3A_126 = arith.constant 1 : i32
    %dma_start3A_127 = arith.constant 0 : i32
    %dma_start3A_128 = tpu.memref_slice %arg9[%dma_start3A_126, %dma_start3A_127] : memref<2x40xi32, #tpu.memory_space<vmem>> -> memref<1x40xi32, #tpu.memory_space<vmem>>
    %dma_start3A_129 = tpu.memref_squeeze %dma_start3A_128 : memref<1x40xi32, #tpu.memory_space<vmem>> -> memref<40xi32, #tpu.memory_space<vmem>>
    %dma_start3A_130 = tpu.memref_slice %arg5[%add3A_125] : memref<320000xi32, #tpu.memory_space<hbm>> -> memref<40xi32, #tpu.memory_space<hbm>>
    %dma_start3A_131 = arith.constant 0 : i32
    %dma_start3A_132 = tpu.memref_slice %arg9[%dma_start3A_126, %dma_start3A_131] : memref<2x40xi32, #tpu.memory_space<vmem>> -> memref<1x40xi32, #tpu.memory_space<vmem>>
    %dma_start3A_133 = tpu.memref_squeeze %dma_start3A_132 : memref<1x40xi32, #tpu.memory_space<vmem>> -> memref<40xi32, #tpu.memory_space<vmem>>
    %dma_start3A_134 = tpu.memref_slice %arg5[%add3A_125] : memref<320000xi32, #tpu.memory_space<hbm>> -> memref<40xi32, #tpu.memory_space<hbm>>
    tpu.enqueue_dma source(%dma_start3A_134 : memref<40xi32, #tpu.memory_space<hbm>>) target(%dma_start3A_133 : memref<40xi32, #tpu.memory_space<vmem>>) target_semaphore(%arg20 : memref<!tpu.dma_semaphore, #tpu.memory_space<semaphore_mem>>)
    %scan3A_135 = arith.constant 0 : i32
    %scan3A_136 = arith.constant 0 : i32
    %scan3A_137 = arith.constant 124 : i32
    %scan3A_138 = arith.addi %scan3A_136, %scan3A_137 : i32
    %scan3A_139 = arith.constant 1 : i32
    scf.for %scan3A_254 = %scan3A_136 to %scan3A_138 step %scan3A_139  : i32 {
      %mul3A_255 = arith.constant 2 : i32
      %mul3A_256 = arith.muli %mul3A_255, %scan3A_254 : i32
      %dma_wait3A_257 = arith.constant 0 : i32
      %dma_wait3A_258 = arith.constant 0 : i32
      %dma_wait3A_259 = tpu.memref_slice %arg8[%dma_wait3A_257, %dma_wait3A_258] : memref<2x40xi32, #tpu.memory_space<vmem>> -> memref<1x40xi32, #tpu.memory_space<vmem>>
      %dma_wait3A_260 = tpu.memref_squeeze %dma_wait3A_259 : memref<1x40xi32, #tpu.memory_space<vmem>> -> memref<40xi32, #tpu.memory_space<vmem>>
      %dma_wait3A_261 = arith.constant 0 : i32
      %dma_wait3A_262 = arith.constant 0 : i32
      %dma_wait3A_263 = tpu.memref_slice %arg2[%dma_wait3A_261, %dma_wait3A_262] : memref<10000x128xf32, #tpu.memory_space<hbm>> -> memref<10000x128xf32, #tpu.memory_space<hbm>>
      tpu.wait_indirect_dma semaphore(%arg17 : memref<!tpu.dma_semaphore, #tpu.memory_space<semaphore_mem>>) src(%dma_wait3A_263 : memref<10000x128xf32, #tpu.memory_space<hbm>>) dst(%arg10 : memref<40x128xf32, #tpu.memory_space<vmem>>)
      %dma_wait3A_264 = arith.constant 1 : i32
      %dma_wait3A_265 = arith.constant 0 : i32
      %dma_wait3A_266 = tpu.memref_slice %arg8[%dma_wait3A_264, %dma_wait3A_265] : memref<2x40xi32, #tpu.memory_space<vmem>> -> memref<1x40xi32, #tpu.memory_space<vmem>>
      %dma_wait3A_267 = tpu.memref_squeeze %dma_wait3A_266 : memref<1x40xi32, #tpu.memory_space<vmem>> -> memref<40xi32, #tpu.memory_space<vmem>>
      %dma_wait3A_268 = arith.constant 0 : i32
      %dma_wait3A_269 = arith.constant 0 : i32
      %dma_wait3A_270 = tpu.memref_slice %arg3[%dma_wait3A_268, %dma_wait3A_269] : memref<10000x128xf32, #tpu.memory_space<hbm>> -> memref<10000x128xf32, #tpu.memory_space<hbm>>
      tpu.wait_indirect_dma semaphore(%arg17 : memref<!tpu.dma_semaphore, #tpu.memory_space<semaphore_mem>>) src(%dma_wait3A_270 : memref<10000x128xf32, #tpu.memory_space<hbm>>) dst(%arg11 : memref<40x128xf32, #tpu.memory_space<vmem>>)
      %dma_wait3A_271 = arith.constant 0 : i32
      %dma_wait3A_272 = arith.constant 0 : i32
      %dma_wait3A_273 = arith.constant 0 : i32
      %dma_wait3A_274 = tpu.memref_slice %arg6[%dma_wait3A_271, %dma_wait3A_272, %dma_wait3A_273] : memref<8000x40x128xf32, #tpu.memory_space<hbm>> -> memref<1x40x128xf32, #tpu.memory_space<hbm>>
      %dma_wait3A_275 = tpu.memref_squeeze %dma_wait3A_274 : memref<1x40x128xf32, #tpu.memory_space<hbm>> -> memref<40x128xf32, #tpu.memory_space<hbm>>
      %dma_wait3A_276 = arith.constant 0 : i32
      %dma_wait3A_277 = arith.constant 0 : i32
      %dma_wait3A_278 = tpu.memref_slice %arg6[%dma_wait3A_271, %dma_wait3A_276, %dma_wait3A_277] : memref<8000x40x128xf32, #tpu.memory_space<hbm>> -> memref<1x40x128xf32, #tpu.memory_space<hbm>>
      %dma_wait3A_279 = tpu.memref_squeeze %dma_wait3A_278 : memref<1x40x128xf32, #tpu.memory_space<hbm>> -> memref<40x128xf32, #tpu.memory_space<hbm>>
      tpu.wait_dma2 semaphore(%arg17 : memref<!tpu.dma_semaphore, #tpu.memory_space<semaphore_mem>>) src(%dma_wait3A_279 : memref<40x128xf32, #tpu.memory_space<hbm>>) dst(%arg12 : memref<40x128xf32, #tpu.memory_space<vmem>>)
      %dma_wait3A_280 = arith.constant 0 : i32
      %dma_wait3A_281 = arith.constant 0 : i32
      %dma_wait3A_282 = tpu.memref_slice %arg9[%dma_wait3A_280, %dma_wait3A_281] : memref<2x40xi32, #tpu.memory_space<vmem>> -> memref<1x40xi32, #tpu.memory_space<vmem>>
      %dma_wait3A_283 = tpu.memref_squeeze %dma_wait3A_282 : memref<1x40xi32, #tpu.memory_space<vmem>> -> memref<40xi32, #tpu.memory_space<vmem>>
      %dma_wait3A_284 = arith.constant 0 : i32
      %dma_wait3A_285 = tpu.memref_slice %arg4[%dma_wait3A_284] : memref<320000xi32, #tpu.memory_space<hbm>> -> memref<40xi32, #tpu.memory_space<hbm>>
      %dma_wait3A_286 = arith.constant 0 : i32
      %dma_wait3A_287 = tpu.memref_slice %arg9[%dma_wait3A_280, %dma_wait3A_286] : memref<2x40xi32, #tpu.memory_space<vmem>> -> memref<1x40xi32, #tpu.memory_space<vmem>>
      %dma_wait3A_288 = tpu.memref_squeeze %dma_wait3A_287 : memref<1x40xi32, #tpu.memory_space<vmem>> -> memref<40xi32, #tpu.memory_space<vmem>>
      %dma_wait3A_289 = arith.constant 0 : i32
      %dma_wait3A_290 = tpu.memref_slice %arg4[%dma_wait3A_289] : memref<320000xi32, #tpu.memory_space<hbm>> -> memref<40xi32, #tpu.memory_space<hbm>>
      tpu.wait_dma2 semaphore(%arg20 : memref<!tpu.dma_semaphore, #tpu.memory_space<semaphore_mem>>) src(%dma_wait3A_290 : memref<40xi32, #tpu.memory_space<hbm>>) dst(%dma_wait3A_288 : memref<40xi32, #tpu.memory_space<vmem>>)
      %dma_wait3A_291 = arith.constant 1 : i32
      %dma_wait3A_292 = arith.constant 0 : i32
      %dma_wait3A_293 = tpu.memref_slice %arg9[%dma_wait3A_291, %dma_wait3A_292] : memref<2x40xi32, #tpu.memory_space<vmem>> -> memref<1x40xi32, #tpu.memory_space<vmem>>
      %dma_wait3A_294 = tpu.memref_squeeze %dma_wait3A_293 : memref<1x40xi32, #tpu.memory_space<vmem>> -> memref<40xi32, #tpu.memory_space<vmem>>
      %dma_wait3A_295 = arith.constant 0 : i32
      %dma_wait3A_296 = tpu.memref_slice %arg4[%dma_wait3A_295] : memref<320000xi32, #tpu.memory_space<hbm>> -> memref<40xi32, #tpu.memory_space<hbm>>
      %dma_wait3A_297 = arith.constant 0 : i32
      %dma_wait3A_298 = tpu.memref_slice %arg9[%dma_wait3A_291, %dma_wait3A_297] : memref<2x40xi32, #tpu.memory_space<vmem>> -> memref<1x40xi32, #tpu.memory_space<vmem>>
      %dma_wait3A_299 = tpu.memref_squeeze %dma_wait3A_298 : memref<1x40xi32, #tpu.memory_space<vmem>> -> memref<40xi32, #tpu.memory_space<vmem>>
      %dma_wait3A_300 = arith.constant 0 : i32
      %dma_wait3A_301 = tpu.memref_slice %arg4[%dma_wait3A_300] : memref<320000xi32, #tpu.memory_space<hbm>> -> memref<40xi32, #tpu.memory_space<hbm>>
      tpu.wait_dma2 semaphore(%arg20 : memref<!tpu.dma_semaphore, #tpu.memory_space<semaphore_mem>>) src(%dma_wait3A_301 : memref<40xi32, #tpu.memory_space<hbm>>) dst(%dma_wait3A_299 : memref<40xi32, #tpu.memory_space<vmem>>)
      %add3A_302 = arith.constant 1 : i32
      %add3A_303 = arith.addi %mul3A_256, %add3A_302 : i32
      %dma_start3A_304 = arith.constant 0 : i32
      %dma_start3A_305 = arith.constant 0 : i32
      %dma_start3A_306 = tpu.memref_slice %arg9[%dma_start3A_304, %dma_start3A_305] : memref<2x40xi32, #tpu.memory_space<vmem>> -> memref<1x40xi32, #tpu.memory_space<vmem>>
      %dma_start3A_307 = tpu.memref_squeeze %dma_start3A_306 : memref<1x40xi32, #tpu.memory_space<vmem>> -> memref<40xi32, #tpu.memory_space<vmem>>
      %dma_start3A_308 = arith.constant 0 : i32
      %dma_start3A_309 = arith.constant 0 : i32
      %dma_start3A_310 = tpu.memref_slice %arg2[%dma_start3A_308, %dma_start3A_309] : memref<10000x128xf32, #tpu.memory_space<hbm>> -> memref<10000x128xf32, #tpu.memory_space<hbm>>
      tpu.enqueue_indirect_dma source(%dma_start3A_310 : memref<10000x128xf32, #tpu.memory_space<hbm>>) target(%arg13 : memref<40x128xf32, #tpu.memory_space<vmem>>) offsets(%dma_start3A_307 : memref<40xi32, #tpu.memory_space<vmem>>) semaphore(%arg18 : memref<!tpu.dma_semaphore, #tpu.memory_space<semaphore_mem>>)
      %dma_start3A_311 = arith.constant 1 : i32
      %dma_start3A_312 = arith.constant 0 : i32
      %dma_start3A_313 = tpu.memref_slice %arg9[%dma_start3A_311, %dma_start3A_312] : memref<2x40xi32, #tpu.memory_space<vmem>> -> memref<1x40xi32, #tpu.memory_space<vmem>>
      %dma_start3A_314 = tpu.memref_squeeze %dma_start3A_313 : memref<1x40xi32, #tpu.memory_space<vmem>> -> memref<40xi32, #tpu.memory_space<vmem>>
      %dma_start3A_315 = arith.constant 0 : i32
      %dma_start3A_316 = arith.constant 0 : i32
      %dma_start3A_317 = tpu.memref_slice %arg3[%dma_start3A_315, %dma_start3A_316] : memref<10000x128xf32, #tpu.memory_space<hbm>> -> memref<10000x128xf32, #tpu.memory_space<hbm>>
      tpu.enqueue_indirect_dma source(%dma_start3A_317 : memref<10000x128xf32, #tpu.memory_space<hbm>>) target(%arg14 : memref<40x128xf32, #tpu.memory_space<vmem>>) offsets(%dma_start3A_314 : memref<40xi32, #tpu.memory_space<vmem>>) semaphore(%arg18 : memref<!tpu.dma_semaphore, #tpu.memory_space<semaphore_mem>>)
      %mul3A_318 = arith.constant 250 : i32
      %mul3A_319 = arith.muli %add3A, %mul3A_318 : i32
      %add3A_320 = arith.addi %mul3A_319, %add3A_303 : i32
      %dma_start3A_321 = arith.constant 0 : i32
      %dma_start3A_322 = arith.constant 0 : i32
      %dma_start3A_323 = tpu.memref_slice %arg6[%add3A_320, %dma_start3A_321, %dma_start3A_322] : memref<8000x40x128xf32, #tpu.memory_space<hbm>> -> memref<1x40x128xf32, #tpu.memory_space<hbm>>
      %dma_start3A_324 = tpu.memref_squeeze %dma_start3A_323 : memref<1x40x128xf32, #tpu.memory_space<hbm>> -> memref<40x128xf32, #tpu.memory_space<hbm>>
      %dma_start3A_325 = arith.constant 0 : i32
      %dma_start3A_326 = arith.constant 0 : i32
      %dma_start3A_327 = tpu.memref_slice %arg6[%add3A_320, %dma_start3A_325, %dma_start3A_326] : memref<8000x40x128xf32, #tpu.memory_space<hbm>> -> memref<1x40x128xf32, #tpu.memory_space<hbm>>
      %dma_start3A_328 = tpu.memref_squeeze %dma_start3A_327 : memref<1x40x128xf32, #tpu.memory_space<hbm>> -> memref<40x128xf32, #tpu.memory_space<hbm>>
      tpu.enqueue_dma source(%dma_start3A_328 : memref<40x128xf32, #tpu.memory_space<hbm>>) target(%arg15 : memref<40x128xf32, #tpu.memory_space<vmem>>) target_semaphore(%arg18 : memref<!tpu.dma_semaphore, #tpu.memory_space<semaphore_mem>>)
      %scan3A_329 = arith.constant 0 : i32
      %scan3A_330 = arith.constant 0 : i32
      %scan3A_331 = arith.constant 40 : i32
      %scan3A_332 = arith.addi %scan3A_330, %scan3A_331 : i32
      %scan3A_333 = arith.constant 1 : i32
      scf.for %scan3A_469 = %scan3A_330 to %scan3A_332 step %scan3A_333  : i32 {
        %get3A = arith.index_cast %scan3A_469 : i32 to index
        %get3A_470 = arith.constant 0 : index
        %get3A_471 = tpu.vector_load %arg10[%get3A, %get3A_470] {strides = array<i32>} : memref<40x128xf32, #tpu.memory_space<vmem>>, vector<1x16xf32>,
        %get3A_472 = vector.shape_cast %get3A_471 : vector<1x16xf32> to vector<16xf32>
        %get3A_473 = arith.index_cast %scan3A_469 : i32 to index
        %get3A_474 = arith.constant 0 : index
        %get3A_475 = tpu.vector_load %arg11[%get3A_473, %get3A_474] {strides = array<i32>} : memref<40x128xf32, #tpu.memory_space<vmem>>, vector<1x16xf32>,
        %get3A_476 = vector.shape_cast %get3A_475 : vector<1x16xf32> to vector<16xf32>
        %add3A_477 = arith.addf %get3A_472, %get3A_476 : vector<16xf32>
        %get3A_478 = arith.index_cast %scan3A_469 : i32 to index
        %get3A_479 = arith.constant 0 : index
        %get3A_480 = tpu.vector_load %arg12[%get3A_478, %get3A_479] {strides = array<i32>} : memref<40x128xf32, #tpu.memory_space<vmem>>, vector<1x16xf32>,
        %get3A_481 = vector.shape_cast %get3A_480 : vector<1x16xf32> to vector<16xf32>
        %add3A_482 = arith.addf %add3A_477, %get3A_481 : vector<16xf32>
        %max3A = arith.constant 0.000000e+00 : f32
        %max3A_483 = vector.broadcast %max3A : f32 to vector<16xf32>
        %max3A_484 = arith.maximumf %add3A_482, %max3A_483 : vector<16xf32>
        %swap3A = arith.index_cast %scan3A_469 : i32 to index
        %swap3A_485 = arith.constant 0 : index
        %swap3A_486 = tpu.vector_load %arg10[%swap3A, %swap3A_485] {strides = array<i32>} : memref<40x128xf32, #tpu.memory_space<vmem>>, vector<1x16xf32>,
        %swap3A_487 = vector.shape_cast %swap3A_486 : vector<1x16xf32> to vector<16xf32>
        %swap3A_488 = vector.shape_cast %max3A_484 : vector<16xf32> to vector<1x16xf32>
        tpu.vector_store %arg10[%swap3A, %swap3A_485], %swap3A_488 {strides = array<i32>} : memref<40x128xf32, #tpu.memory_space<vmem>>, vector<1x16xf32>,
        %get3A_489 = arith.index_cast %scan3A_469 : i32 to index
        %get3A_490 = arith.constant 16 : index
        %get3A_491 = tpu.vector_load %arg10[%get3A_489, %get3A_490] {strides = array<i32>} : memref<40x128xf32, #tpu.memory_space<vmem>>, vector<1x16xf32>,
        %get3A_492 = vector.shape_cast %get3A_491 : vector<1x16xf32> to vector<16xf32>
        %get3A_493 = arith.index_cast %scan3A_469 : i32 to index
        %get3A_494 = arith.constant 16 : index
        %get3A_495 = tpu.vector_load %arg11[%get3A_493, %get3A_494] {strides = array<i32>} : memref<40x128xf32, #tpu.memory_space<vmem>>, vector<1x16xf32>,
        %get3A_496 = vector.shape_cast %get3A_495 : vector<1x16xf32> to vector<16xf32>
        %add3A_497 = arith.addf %get3A_492, %get3A_496 : vector<16xf32>
        %get3A_498 = arith.index_cast %scan3A_469 : i32 to index
        %get3A_499 = arith.constant 16 : index
        %get3A_500 = tpu.vector_load %arg12[%get3A_498, %get3A_499] {strides = array<i32>} : memref<40x128xf32, #tpu.memory_space<vmem>>, vector<1x16xf32>,
        %get3A_501 = vector.shape_cast %get3A_500 : vector<1x16xf32> to vector<16xf32>
        %add3A_502 = arith.addf %add3A_497, %get3A_501 : vector<16xf32>
        %max3A_503 = arith.constant 0.000000e+00 : f32
        %max3A_504 = vector.broadcast %max3A_503 : f32 to vector<16xf32>
        %max3A_505 = arith.maximumf %add3A_502, %max3A_504 : vector<16xf32>
        %swap3A_506 = arith.index_cast %scan3A_469 : i32 to index
        %swap3A_507 = arith.constant 16 : index
        %swap3A_508 = tpu.vector_load %arg10[%swap3A_506, %swap3A_507] {strides = array<i32>} : memref<40x128xf32, #tpu.memory_space<vmem>>, vector<1x16xf32>,
        %swap3A_509 = vector.shape_cast %swap3A_508 : vector<1x16xf32> to vector<16xf32>
        %swap3A_510 = vector.shape_cast %max3A_505 : vector<16xf32> to vector<1x16xf32>
        tpu.vector_store %arg10[%swap3A_506, %swap3A_507], %swap3A_510 {strides = array<i32>} : memref<40x128xf32, #tpu.memory_space<vmem>>, vector<1x16xf32>,
        %get3A_511 = arith.index_cast %scan3A_469 : i32 to index
        %get3A_512 = arith.constant 32 : index
        %get3A_513 = tpu.vector_load %arg10[%get3A_511, %get3A_512] {strides = array<i32>} : memref<40x128xf32, #tpu.memory_space<vmem>>, vector<1x16xf32>,
        %get3A_514 = vector.shape_cast %get3A_513 : vector<1x16xf32> to vector<16xf32>
        %get3A_515 = arith.index_cast %scan3A_469 : i32 to index
        %get3A_516 = arith.constant 32 : index
        %get3A_517 = tpu.vector_load %arg11[%get3A_515, %get3A_516] {strides = array<i32>} : memref<40x128xf32, #tpu.memory_space<vmem>>, vector<1x16xf32>,
        %get3A_518 = vector.shape_cast %get3A_517 : vector<1x16xf32> to vector<16xf32>
        %add3A_519 = arith.addf %get3A_514, %get3A_518 : vector<16xf32>
        %get3A_520 = arith.index_cast %scan3A_469 : i32 to index
        %get3A_521 = arith.constant 32 : index
        %get3A_522 = tpu.vector_load %arg12[%get3A_520, %get3A_521] {strides = array<i32>} : memref<40x128xf32, #tpu.memory_space<vmem>>, vector<1x16xf32>,
        %get3A_523 = vector.shape_cast %get3A_522 : vector<1x16xf32> to vector<16xf32>
        %add3A_524 = arith.addf %add3A_519, %get3A_523 : vector<16xf32>
        %max3A_525 = arith.constant 0.000000e+00 : f32
        %max3A_526 = vector.broadcast %max3A_525 : f32 to vector<16xf32>
        %max3A_527 = arith.maximumf %add3A_524, %max3A_526 : vector<16xf32>
        %swap3A_528 = arith.index_cast %scan3A_469 : i32 to index
        %swap3A_529 = arith.constant 32 : index
        %swap3A_530 = tpu.vector_load %arg10[%swap3A_528, %swap3A_529] {strides = array<i32>} : memref<40x128xf32, #tpu.memory_space<vmem>>, vector<1x16xf32>,
        %swap3A_531 = vector.shape_cast %swap3A_530 : vector<1x16xf32> to vector<16xf32>
        %swap3A_532 = vector.shape_cast %max3A_527 : vector<16xf32> to vector<1x16xf32>
        tpu.vector_store %arg10[%swap3A_528, %swap3A_529], %swap3A_532 {strides = array<i32>} : memref<40x128xf32, #tpu.memory_space<vmem>>, vector<1x16xf32>,
        %get3A_533 = arith.index_cast %scan3A_469 : i32 to index
        %get3A_534 = arith.constant 48 : index
        %get3A_535 = tpu.vector_load %arg10[%get3A_533, %get3A_534] {strides = array<i32>} : memref<40x128xf32, #tpu.memory_space<vmem>>, vector<1x16xf32>,
        %get3A_536 = vector.shape_cast %get3A_535 : vector<1x16xf32> to vector<16xf32>
        %get3A_537 = arith.index_cast %scan3A_469 : i32 to index
        %get3A_538 = arith.constant 48 : index
        %get3A_539 = tpu.vector_load %arg11[%get3A_537, %get3A_538] {strides = array<i32>} : memref<40x128xf32, #tpu.memory_space<vmem>>, vector<1x16xf32>,
        %get3A_540 = vector.shape_cast %get3A_539 : vector<1x16xf32> to vector<16xf32>
        %add3A_541 = arith.addf %get3A_536, %get3A_540 : vector<16xf32>
        %get3A_542 = arith.index_cast %scan3A_469 : i32 to index
        %get3A_543 = arith.constant 48 : index
        %get3A_544 = tpu.vector_load %arg12[%get3A_542, %get3A_543] {strides = array<i32>} : memref<40x128xf32, #tpu.memory_space<vmem>>, vector<1x16xf32>,
        %get3A_545 = vector.shape_cast %get3A_544 : vector<1x16xf32> to vector<16xf32>
        %add3A_546 = arith.addf %add3A_541, %get3A_545 : vector<16xf32>
        %max3A_547 = arith.constant 0.000000e+00 : f32
        %max3A_548 = vector.broadcast %max3A_547 : f32 to vector<16xf32>
        %max3A_549 = arith.maximumf %add3A_546, %max3A_548 : vector<16xf32>
        %swap3A_550 = arith.index_cast %scan3A_469 : i32 to index
        %swap3A_551 = arith.constant 48 : index
        %swap3A_552 = tpu.vector_load %arg10[%swap3A_550, %swap3A_551] {strides = array<i32>} : memref<40x128xf32, #tpu.memory_space<vmem>>, vector<1x16xf32>,
        %swap3A_553 = vector.shape_cast %swap3A_552 : vector<1x16xf32> to vector<16xf32>
        %swap3A_554 = vector.shape_cast %max3A_549 : vector<16xf32> to vector<1x16xf32>
        tpu.vector_store %arg10[%swap3A_550, %swap3A_551], %swap3A_554 {strides = array<i32>} : memref<40x128xf32, #tpu.memory_space<vmem>>, vector<1x16xf32>,
        %get3A_555 = arith.index_cast %scan3A_469 : i32 to index
        %get3A_556 = arith.constant 64 : index
        %get3A_557 = tpu.vector_load %arg10[%get3A_555, %get3A_556] {strides = array<i32>} : memref<40x128xf32, #tpu.memory_space<vmem>>, vector<1x16xf32>,
        %get3A_558 = vector.shape_cast %get3A_557 : vector<1x16xf32> to vector<16xf32>
        %get3A_559 = arith.index_cast %scan3A_469 : i32 to index
        %get3A_560 = arith.constant 64 : index
        %get3A_561 = tpu.vector_load %arg11[%get3A_559, %get3A_560] {strides = array<i32>} : memref<40x128xf32, #tpu.memory_space<vmem>>, vector<1x16xf32>,
        %get3A_562 = vector.shape_cast %get3A_561 : vector<1x16xf32> to vector<16xf32>
        %add3A_563 = arith.addf %get3A_558, %get3A_562 : vector<16xf32>
        %get3A_564 = arith.index_cast %scan3A_469 : i32 to index
        %get3A_565 = arith.constant 64 : index
        %get3A_566 = tpu.vector_load %arg12[%get3A_564, %get3A_565] {strides = array<i32>} : memref<40x128xf32, #tpu.memory_space<vmem>>, vector<1x16xf32>,
        %get3A_567 = vector.shape_cast %get3A_566 : vector<1x16xf32> to vector<16xf32>
        %add3A_568 = arith.addf %add3A_563, %get3A_567 : vector<16xf32>
        %max3A_569 = arith.constant 0.000000e+00 : f32
        %max3A_570 = vector.broadcast %max3A_569 : f32 to vector<16xf32>
        %max3A_571 = arith.maximumf %add3A_568, %max3A_570 : vector<16xf32>
        %swap3A_572 = arith.index_cast %scan3A_469 : i32 to index
        %swap3A_573 = arith.constant 64 : index
        %swap3A_574 = tpu.vector_load %arg10[%swap3A_572, %swap3A_573] {strides = array<i32>} : memref<40x128xf32, #tpu.memory_space<vmem>>, vector<1x16xf32>,
        %swap3A_575 = vector.shape_cast %swap3A_574 : vector<1x16xf32> to vector<16xf32>
        %swap3A_576 = vector.shape_cast %max3A_571 : vector<16xf32> to vector<1x16xf32>
        tpu.vector_store %arg10[%swap3A_572, %swap3A_573], %swap3A_576 {strides = array<i32>} : memref<40x128xf32, #tpu.memory_space<vmem>>, vector<1x16xf32>,
        %get3A_577 = arith.index_cast %scan3A_469 : i32 to index
        %get3A_578 = arith.constant 80 : index
        %get3A_579 = tpu.vector_load %arg10[%get3A_577, %get3A_578] {strides = array<i32>} : memref<40x128xf32, #tpu.memory_space<vmem>>, vector<1x16xf32>,
        %get3A_580 = vector.shape_cast %get3A_579 : vector<1x16xf32> to vector<16xf32>
        %get3A_581 = arith.index_cast %scan3A_469 : i32 to index
        %get3A_582 = arith.constant 80 : index
        %get3A_583 = tpu.vector_load %arg11[%get3A_581, %get3A_582] {strides = array<i32>} : memref<40x128xf32, #tpu.memory_space<vmem>>, vector<1x16xf32>,
        %get3A_584 = vector.shape_cast %get3A_583 : vector<1x16xf32> to vector<16xf32>
        %add3A_585 = arith.addf %get3A_580, %get3A_584 : vector<16xf32>
        %get3A_586 = arith.index_cast %scan3A_469 : i32 to index
        %get3A_587 = arith.constant 80 : index
        %get3A_588 = tpu.vector_load %arg12[%get3A_586, %get3A_587] {strides = array<i32>} : memref<40x128xf32, #tpu.memory_space<vmem>>, vector<1x16xf32>,
        %get3A_589 = vector.shape_cast %get3A_588 : vector<1x16xf32> to vector<16xf32>
        %add3A_590 = arith.addf %add3A_585, %get3A_589 : vector<16xf32>
        %max3A_591 = arith.constant 0.000000e+00 : f32
        %max3A_592 = vector.broadcast %max3A_591 : f32 to vector<16xf32>
        %max3A_593 = arith.maximumf %add3A_590, %max3A_592 : vector<16xf32>
        %swap3A_594 = arith.index_cast %scan3A_469 : i32 to index
        %swap3A_595 = arith.constant 80 : index
        %swap3A_596 = tpu.vector_load %arg10[%swap3A_594, %swap3A_595] {strides = array<i32>} : memref<40x128xf32, #tpu.memory_space<vmem>>, vector<1x16xf32>,
        %swap3A_597 = vector.shape_cast %swap3A_596 : vector<1x16xf32> to vector<16xf32>
        %swap3A_598 = vector.shape_cast %max3A_593 : vector<16xf32> to vector<1x16xf32>
        tpu.vector_store %arg10[%swap3A_594, %swap3A_595], %swap3A_598 {strides = array<i32>} : memref<40x128xf32, #tpu.memory_space<vmem>>, vector<1x16xf32>,
        %get3A_599 = arith.index_cast %scan3A_469 : i32 to index
        %get3A_600 = arith.constant 96 : index
        %get3A_601 = tpu.vector_load %arg10[%get3A_599, %get3A_600] {strides = array<i32>} : memref<40x128xf32, #tpu.memory_space<vmem>>, vector<1x16xf32>,
        %get3A_602 = vector.shape_cast %get3A_601 : vector<1x16xf32> to vector<16xf32>
        %get3A_603 = arith.index_cast %scan3A_469 : i32 to index
        %get3A_604 = arith.constant 96 : index
        %get3A_605 = tpu.vector_load %arg11[%get3A_603, %get3A_604] {strides = array<i32>} : memref<40x128xf32, #tpu.memory_space<vmem>>, vector<1x16xf32>,
        %get3A_606 = vector.shape_cast %get3A_605 : vector<1x16xf32> to vector<16xf32>
        %add3A_607 = arith.addf %get3A_602, %get3A_606 : vector<16xf32>
        %get3A_608 = arith.index_cast %scan3A_469 : i32 to index
        %get3A_609 = arith.constant 96 : index
        %get3A_610 = tpu.vector_load %arg12[%get3A_608, %get3A_609] {strides = array<i32>} : memref<40x128xf32, #tpu.memory_space<vmem>>, vector<1x16xf32>,
        %get3A_611 = vector.shape_cast %get3A_610 : vector<1x16xf32> to vector<16xf32>
        %add3A_612 = arith.addf %add3A_607, %get3A_611 : vector<16xf32>
        %max3A_613 = arith.constant 0.000000e+00 : f32
        %max3A_614 = vector.broadcast %max3A_613 : f32 to vector<16xf32>
        %max3A_615 = arith.maximumf %add3A_612, %max3A_614 : vector<16xf32>
        %swap3A_616 = arith.index_cast %scan3A_469 : i32 to index
        %swap3A_617 = arith.constant 96 : index
        %swap3A_618 = tpu.vector_load %arg10[%swap3A_616, %swap3A_617] {strides = array<i32>} : memref<40x128xf32, #tpu.memory_space<vmem>>, vector<1x16xf32>,
        %swap3A_619 = vector.shape_cast %swap3A_618 : vector<1x16xf32> to vector<16xf32>
        %swap3A_620 = vector.shape_cast %max3A_615 : vector<16xf32> to vector<1x16xf32>
        tpu.vector_store %arg10[%swap3A_616, %swap3A_617], %swap3A_620 {strides = array<i32>} : memref<40x128xf32, #tpu.memory_space<vmem>>, vector<1x16xf32>,
        %get3A_621 = arith.index_cast %scan3A_469 : i32 to index
        %get3A_622 = arith.constant 112 : index
        %get3A_623 = tpu.vector_load %arg10[%get3A_621, %get3A_622] {strides = array<i32>} : memref<40x128xf32, #tpu.memory_space<vmem>>, vector<1x16xf32>,
        %get3A_624 = vector.shape_cast %get3A_623 : vector<1x16xf32> to vector<16xf32>
        %get3A_625 = arith.index_cast %scan3A_469 : i32 to index
        %get3A_626 = arith.constant 112 : index
        %get3A_627 = tpu.vector_load %arg11[%get3A_625, %get3A_626] {strides = array<i32>} : memref<40x128xf32, #tpu.memory_space<vmem>>, vector<1x16xf32>,
        %get3A_628 = vector.shape_cast %get3A_627 : vector<1x16xf32> to vector<16xf32>
        %add3A_629 = arith.addf %get3A_624, %get3A_628 : vector<16xf32>
        %get3A_630 = arith.index_cast %scan3A_469 : i32 to index
        %get3A_631 = arith.constant 112 : index
        %get3A_632 = tpu.vector_load %arg12[%get3A_630, %get3A_631] {strides = array<i32>} : memref<40x128xf32, #tpu.memory_space<vmem>>, vector<1x16xf32>,
        %get3A_633 = vector.shape_cast %get3A_632 : vector<1x16xf32> to vector<16xf32>
        %add3A_634 = arith.addf %add3A_629, %get3A_633 : vector<16xf32>
        %max3A_635 = arith.constant 0.000000e+00 : f32
        %max3A_636 = vector.broadcast %max3A_635 : f32 to vector<16xf32>
        %max3A_637 = arith.maximumf %add3A_634, %max3A_636 : vector<16xf32>
        %swap3A_638 = arith.index_cast %scan3A_469 : i32 to index
        %swap3A_639 = arith.constant 112 : index
        %swap3A_640 = tpu.vector_load %arg10[%swap3A_638, %swap3A_639] {strides = array<i32>} : memref<40x128xf32, #tpu.memory_space<vmem>>, vector<1x16xf32>,
        %swap3A_641 = vector.shape_cast %swap3A_640 : vector<1x16xf32> to vector<16xf32>
        %swap3A_642 = vector.shape_cast %max3A_637 : vector<16xf32> to vector<1x16xf32>
        tpu.vector_store %arg10[%swap3A_638, %swap3A_639], %swap3A_642 {strides = array<i32>} : memref<40x128xf32, #tpu.memory_space<vmem>>, vector<1x16xf32>,
      }
      %scan3A_334 = arith.constant 40 : i32
      %run_scoped3A_335 = arith.constant 1 : i32
      "tpu.region"() ({
        %run_scoped3A_469 = tpu.sem_alloc : memref<!tpu.dma_semaphore, #tpu.memory_space<semaphore_mem>>
        %dma_start3A_470 = arith.constant 0 : i32
        %dma_start3A_471 = tpu.memref_slice %arg8[%run_scoped3A_335, %dma_start3A_470] : memref<2x40xi32, #tpu.memory_space<vmem>> -> memref<1x40xi32, #tpu.memory_space<vmem>>
        %dma_start3A_472 = tpu.memref_squeeze %dma_start3A_471 : memref<1x40xi32, #tpu.memory_space<vmem>> -> memref<40xi32, #tpu.memory_space<vmem>>
        %dma_start3A_473 = arith.constant 0 : i32
        %dma_start3A_474 = arith.constant 0 : i32
        %dma_start3A_475 = tpu.memref_slice %arg16[%dma_start3A_473, %dma_start3A_474] : memref<10000x128xf32, #tpu.memory_space<vmem_shared>> -> memref<10000x128xf32, #tpu.memory_space<vmem_shared>>
        tpu.enqueue_indirect_dma source(%arg10 : memref<40x128xf32, #tpu.memory_space<vmem>>) target(%dma_start3A_475 : memref<10000x128xf32, #tpu.memory_space<vmem_shared>>) offsets(%dma_start3A_472 : memref<40xi32, #tpu.memory_space<vmem>>) semaphore(%run_scoped3A_469 : memref<!tpu.dma_semaphore, #tpu.memory_space<semaphore_mem>>) {add = true}
        %dma_wait3A_476 = arith.constant 0 : i32
        %dma_wait3A_477 = tpu.memref_slice %arg8[%run_scoped3A_335, %dma_wait3A_476] : memref<2x40xi32, #tpu.memory_space<vmem>> -> memref<1x40xi32, #tpu.memory_space<vmem>>
        %dma_wait3A_478 = tpu.memref_squeeze %dma_wait3A_477 : memref<1x40xi32, #tpu.memory_space<vmem>> -> memref<40xi32, #tpu.memory_space<vmem>>
        %dma_wait3A_479 = arith.constant 0 : i32
        %dma_wait3A_480 = arith.constant 0 : i32
        %dma_wait3A_481 = tpu.memref_slice %arg16[%dma_wait3A_479, %dma_wait3A_480] : memref<10000x128xf32, #tpu.memory_space<vmem_shared>> -> memref<10000x128xf32, #tpu.memory_space<vmem_shared>>
        tpu.wait_indirect_dma semaphore(%run_scoped3A_469 : memref<!tpu.dma_semaphore, #tpu.memory_space<semaphore_mem>>) src(%arg10 : memref<40x128xf32, #tpu.memory_space<vmem>>) dst(%dma_wait3A_481 : memref<10000x128xf32, #tpu.memory_space<vmem_shared>>)
        tpu.yield
      }) : () -> ()
      %add3A_336 = arith.constant 2 : i32
      %add3A_337 = arith.addi %mul3A_256, %add3A_336 : i32
      %mul3A_338 = arith.constant 40 : i32
      %mul3A_339 = arith.muli %add3A_337, %mul3A_338 : i32
      %add3A_340 = arith.addi %mul3A_44, %mul3A_339 : i32
      %dma_start3A_341 = arith.constant 0 : i32
      %dma_start3A_342 = arith.constant 0 : i32
      %dma_start3A_343 = tpu.memref_slice %arg8[%dma_start3A_341, %dma_start3A_342] : memref<2x40xi32, #tpu.memory_space<vmem>> -> memref<1x40xi32, #tpu.memory_space<vmem>>
      %dma_start3A_344 = tpu.memref_squeeze %dma_start3A_343 : memref<1x40xi32, #tpu.memory_space<vmem>> -> memref<40xi32, #tpu.memory_space<vmem>>
      %dma_start3A_345 = tpu.memref_slice %arg4[%add3A_340] : memref<320000xi32, #tpu.memory_space<hbm>> -> memref<40xi32, #tpu.memory_space<hbm>>
      %dma_start3A_346 = arith.constant 0 : i32
      %dma_start3A_347 = tpu.memref_slice %arg8[%dma_start3A_341, %dma_start3A_346] : memref<2x40xi32, #tpu.memory_space<vmem>> -> memref<1x40xi32, #tpu.memory_space<vmem>>
      %dma_start3A_348 = tpu.memref_squeeze %dma_start3A_347 : memref<1x40xi32, #tpu.memory_space<vmem>> -> memref<40xi32, #tpu.memory_space<vmem>>
      %dma_start3A_349 = tpu.memref_slice %arg4[%add3A_340] : memref<320000xi32, #tpu.memory_space<hbm>> -> memref<40xi32, #tpu.memory_space<hbm>>
      tpu.enqueue_dma source(%dma_start3A_349 : memref<40xi32, #tpu.memory_space<hbm>>) target(%dma_start3A_348 : memref<40xi32, #tpu.memory_space<vmem>>) target_semaphore(%arg19 : memref<!tpu.dma_semaphore, #tpu.memory_space<semaphore_mem>>)
      %mul3A_350 = arith.constant 40 : i32
      %mul3A_351 = arith.muli %add3A_337, %mul3A_350 : i32
      %add3A_352 = arith.addi %mul3A_44, %mul3A_351 : i32
      %dma_start3A_353 = arith.constant 1 : i32
      %dma_start3A_354 = arith.constant 0 : i32
      %dma_start3A_355 = tpu.memref_slice %arg8[%dma_start3A_353, %dma_start3A_354] : memref<2x40xi32, #tpu.memory_space<vmem>> -> memref<1x40xi32, #tpu.memory_space<vmem>>
      %dma_start3A_356 = tpu.memref_squeeze %dma_start3A_355 : memref<1x40xi32, #tpu.memory_space<vmem>> -> memref<40xi32, #tpu.memory_space<vmem>>
      %dma_start3A_357 = tpu.memref_slice %arg5[%add3A_352] : memref<320000xi32, #tpu.memory_space<hbm>> -> memref<40xi32, #tpu.memory_space<hbm>>
      %dma_start3A_358 = arith.constant 0 : i32
      %dma_start3A_359 = tpu.memref_slice %arg8[%dma_start3A_353, %dma_start3A_358] : memref<2x40xi32, #tpu.memory_space<vmem>> -> memref<1x40xi32, #tpu.memory_space<vmem>>
      %dma_start3A_360 = tpu.memref_squeeze %dma_start3A_359 : memref<1x40xi32, #tpu.memory_space<vmem>> -> memref<40xi32, #tpu.memory_space<vmem>>
      %dma_start3A_361 = tpu.memref_slice %arg5[%add3A_352] : memref<320000xi32, #tpu.memory_space<hbm>> -> memref<40xi32, #tpu.memory_space<hbm>>
      tpu.enqueue_dma source(%dma_start3A_361 : memref<40xi32, #tpu.memory_space<hbm>>) target(%dma_start3A_360 : memref<40xi32, #tpu.memory_space<vmem>>) target_semaphore(%arg19 : memref<!tpu.dma_semaphore, #tpu.memory_space<semaphore_mem>>)
      %add3A_362 = arith.constant 1 : i32
      %add3A_363 = arith.addi %mul3A_256, %add3A_362 : i32
      %dma_wait3A_364 = arith.constant 0 : i32
      %dma_wait3A_365 = arith.constant 0 : i32
      %dma_wait3A_366 = tpu.memref_slice %arg9[%dma_wait3A_364, %dma_wait3A_365] : memref<2x40xi32, #tpu.memory_space<vmem>> -> memref<1x40xi32, #tpu.memory_space<vmem>>
      %dma_wait3A_367 = tpu.memref_squeeze %dma_wait3A_366 : memref<1x40xi32, #tpu.memory_space<vmem>> -> memref<40xi32, #tpu.memory_space<vmem>>
      %dma_wait3A_368 = arith.constant 0 : i32
      %dma_wait3A_369 = arith.constant 0 : i32
      %dma_wait3A_370 = tpu.memref_slice %arg2[%dma_wait3A_368, %dma_wait3A_369] : memref<10000x128xf32, #tpu.memory_space<hbm>> -> memref<10000x128xf32, #tpu.memory_space<hbm>>
      tpu.wait_indirect_dma semaphore(%arg18 : memref<!tpu.dma_semaphore, #tpu.memory_space<semaphore_mem>>) src(%dma_wait3A_370 : memref<10000x128xf32, #tpu.memory_space<hbm>>) dst(%arg13 : memref<40x128xf32, #tpu.memory_space<vmem>>)
      %dma_wait3A_371 = arith.constant 1 : i32
      %dma_wait3A_372 = arith.constant 0 : i32
      %dma_wait3A_373 = tpu.memref_slice %arg9[%dma_wait3A_371, %dma_wait3A_372] : memref<2x40xi32, #tpu.memory_space<vmem>> -> memref<1x40xi32, #tpu.memory_space<vmem>>
      %dma_wait3A_374 = tpu.memref_squeeze %dma_wait3A_373 : memref<1x40xi32, #tpu.memory_space<vmem>> -> memref<40xi32, #tpu.memory_space<vmem>>
      %dma_wait3A_375 = arith.constant 0 : i32
      %dma_wait3A_376 = arith.constant 0 : i32
      %dma_wait3A_377 = tpu.memref_slice %arg3[%dma_wait3A_375, %dma_wait3A_376] : memref<10000x128xf32, #tpu.memory_space<hbm>> -> memref<10000x128xf32, #tpu.memory_space<hbm>>
      tpu.wait_indirect_dma semaphore(%arg18 : memref<!tpu.dma_semaphore, #tpu.memory_space<semaphore_mem>>) src(%dma_wait3A_377 : memref<10000x128xf32, #tpu.memory_space<hbm>>) dst(%arg14 : memref<40x128xf32, #tpu.memory_space<vmem>>)
      %dma_wait3A_378 = arith.constant 0 : i32
      %dma_wait3A_379 = arith.constant 0 : i32
      %dma_wait3A_380 = arith.constant 0 : i32
      %dma_wait3A_381 = tpu.memref_slice %arg6[%dma_wait3A_378, %dma_wait3A_379, %dma_wait3A_380] : memref<8000x40x128xf32, #tpu.memory_space<hbm>> -> memref<1x40x128xf32, #tpu.memory_space<hbm>>
      %dma_wait3A_382 = tpu.memref_squeeze %dma_wait3A_381 : memref<1x40x128xf32, #tpu.memory_space<hbm>> -> memref<40x128xf32, #tpu.memory_space<hbm>>
      %dma_wait3A_383 = arith.constant 0 : i32
      %dma_wait3A_384 = arith.constant 0 : i32
      %dma_wait3A_385 = tpu.memref_slice %arg6[%dma_wait3A_378, %dma_wait3A_383, %dma_wait3A_384] : memref<8000x40x128xf32, #tpu.memory_space<hbm>> -> memref<1x40x128xf32, #tpu.memory_space<hbm>>
      %dma_wait3A_386 = tpu.memref_squeeze %dma_wait3A_385 : memref<1x40x128xf32, #tpu.memory_space<hbm>> -> memref<40x128xf32, #tpu.memory_space<hbm>>
      tpu.wait_dma2 semaphore(%arg18 : memref<!tpu.dma_semaphore, #tpu.memory_space<semaphore_mem>>) src(%dma_wait3A_386 : memref<40x128xf32, #tpu.memory_space<hbm>>) dst(%arg15 : memref<40x128xf32, #tpu.memory_space<vmem>>)
      %dma_wait3A_387 = arith.constant 0 : i32
      %dma_wait3A_388 = arith.constant 0 : i32
      %dma_wait3A_389 = tpu.memref_slice %arg8[%dma_wait3A_387, %dma_wait3A_388] : memref<2x40xi32, #tpu.memory_space<vmem>> -> memref<1x40xi32, #tpu.memory_space<vmem>>
      %dma_wait3A_390 = tpu.memref_squeeze %dma_wait3A_389 : memref<1x40xi32, #tpu.memory_space<vmem>> -> memref<40xi32, #tpu.memory_space<vmem>>
      %dma_wait3A_391 = arith.constant 0 : i32
      %dma_wait3A_392 = tpu.memref_slice %arg4[%dma_wait3A_391] : memref<320000xi32, #tpu.memory_space<hbm>> -> memref<40xi32, #tpu.memory_space<hbm>>
      %dma_wait3A_393 = arith.constant 0 : i32
      %dma_wait3A_394 = tpu.memref_slice %arg8[%dma_wait3A_387, %dma_wait3A_393] : memref<2x40xi32, #tpu.memory_space<vmem>> -> memref<1x40xi32, #tpu.memory_space<vmem>>
      %dma_wait3A_395 = tpu.memref_squeeze %dma_wait3A_394 : memref<1x40xi32, #tpu.memory_space<vmem>> -> memref<40xi32, #tpu.memory_space<vmem>>
      %dma_wait3A_396 = arith.constant 0 : i32
      %dma_wait3A_397 = tpu.memref_slice %arg4[%dma_wait3A_396] : memref<320000xi32, #tpu.memory_space<hbm>> -> memref<40xi32, #tpu.memory_space<hbm>>
      tpu.wait_dma2 semaphore(%arg19 : memref<!tpu.dma_semaphore, #tpu.memory_space<semaphore_mem>>) src(%dma_wait3A_397 : memref<40xi32, #tpu.memory_space<hbm>>) dst(%dma_wait3A_395 : memref<40xi32, #tpu.memory_space<vmem>>)
      %dma_wait3A_398 = arith.constant 1 : i32
      %dma_wait3A_399 = arith.constant 0 : i32
      %dma_wait3A_400 = tpu.memref_slice %arg8[%dma_wait3A_398, %dma_wait3A_399] : memref<2x40xi32, #tpu.memory_space<vmem>> -> memref<1x40xi32, #tpu.memory_space<vmem>>
      %dma_wait3A_401 = tpu.memref_squeeze %dma_wait3A_400 : memref<1x40xi32, #tpu.memory_space<vmem>> -> memref<40xi32, #tpu.memory_space<vmem>>
      %dma_wait3A_402 = arith.constant 0 : i32
      %dma_wait3A_403 = tpu.memref_slice %arg4[%dma_wait3A_402] : memref<320000xi32, #tpu.memory_space<hbm>> -> memref<40xi32, #tpu.memory_space<hbm>>
      %dma_wait3A_404 = arith.constant 0 : i32
      %dma_wait3A_405 = tpu.memref_slice %arg8[%dma_wait3A_398, %dma_wait3A_404] : memref<2x40xi32, #tpu.memory_space<vmem>> -> memref<1x40xi32, #tpu.memory_space<vmem>>
      %dma_wait3A_406 = tpu.memref_squeeze %dma_wait3A_405 : memref<1x40xi32, #tpu.memory_space<vmem>> -> memref<40xi32, #tpu.memory_space<vmem>>
      %dma_wait3A_407 = arith.constant 0 : i32
      %dma_wait3A_408 = tpu.memref_slice %arg4[%dma_wait3A_407] : memref<320000xi32, #tpu.memory_space<hbm>> -> memref<40xi32, #tpu.memory_space<hbm>>
      tpu.wait_dma2 semaphore(%arg19 : memref<!tpu.dma_semaphore, #tpu.memory_space<semaphore_mem>>) src(%dma_wait3A_408 : memref<40xi32, #tpu.memory_space<hbm>>) dst(%dma_wait3A_406 : memref<40xi32, #tpu.memory_space<vmem>>)
      %add3A_409 = arith.constant 1 : i32
      %add3A_410 = arith.addi %add3A_363, %add3A_409 : i32
      %dma_start3A_411 = arith.constant 0 : i32
      %dma_start3A_412 = arith.constant 0 : i32
      %dma_start3A_413 = tpu.memref_slice %arg8[%dma_start3A_411, %dma_start3A_412] : memref<2x40xi32, #tpu.memory_space<vmem>> -> memref<1x40xi32, #tpu.memory_space<vmem>>
      %dma_start3A_414 = tpu.memref_squeeze %dma_start3A_413 : memref<1x40xi32, #tpu.memory_space<vmem>> -> memref<40xi32, #tpu.memory_space<vmem>>
      %dma_start3A_415 = arith.constant 0 : i32
      %dma_start3A_416 = arith.constant 0 : i32
      %dma_start3A_417 = tpu.memref_slice %arg2[%dma_start3A_415, %dma_start3A_416] : memref<10000x128xf32, #tpu.memory_space<hbm>> -> memref<10000x128xf32, #tpu.memory_space<hbm>>
      tpu.enqueue_indirect_dma source(%dma_start3A_417 : memref<10000x128xf32, #tpu.memory_space<hbm>>) target(%arg10 : memref<40x128xf32, #tpu.memory_space<vmem>>) offsets(%dma_start3A_414 : memref<40xi32, #tpu.memory_space<vmem>>) semaphore(%arg17 : memref<!tpu.dma_semaphore, #tpu.memory_space<semaphore_mem>>)
      %dma_start3A_418 = arith.constant 1 : i32
      %dma_start3A_419 = arith.constant 0 : i32
      %dma_start3A_420 = tpu.memref_slice %arg8[%dma_start3A_418, %dma_start3A_419] : memref<2x40xi32, #tpu.memory_space<vmem>> -> memref<1x40xi32, #tpu.memory_space<vmem>>
      %dma_start3A_421 = tpu.memref_squeeze %dma_start3A_420 : memref<1x40xi32, #tpu.memory_space<vmem>> -> memref<40xi32, #tpu.memory_space<vmem>>
      %dma_start3A_422 = arith.constant 0 : i32
      %dma_start3A_423 = arith.constant 0 : i32
      %dma_start3A_424 = tpu.memref_slice %arg3[%dma_start3A_422, %dma_start3A_423] : memref<10000x128xf32, #tpu.memory_space<hbm>> -> memref<10000x128xf32, #tpu.memory_space<hbm>>
      tpu.enqueue_indirect_dma source(%dma_start3A_424 : memref<10000x128xf32, #tpu.memory_space<hbm>>) target(%arg11 : memref<40x128xf32, #tpu.memory_space<vmem>>) offsets(%dma_start3A_421 : memref<40xi32, #tpu.memory_space<vmem>>) semaphore(%arg17 : memref<!tpu.dma_semaphore, #tpu.memory_space<semaphore_mem>>)
      %mul3A_425 = arith.constant 250 : i32
      %mul3A_426 = arith.muli %add3A, %mul3A_425 : i32
      %add3A_427 = arith.addi %mul3A_426, %add3A_410 : i32
      %dma_start3A_428 = arith.constant 0 : i32
      %dma_start3A_429 = arith.constant 0 : i32
      %dma_start3A_430 = tpu.memref_slice %arg6[%add3A_427, %dma_start3A_428, %dma_start3A_429] : memref<8000x40x128xf32, #tpu.memory_space<hbm>> -> memref<1x40x128xf32, #tpu.memory_space<hbm>>
      %dma_start3A_431 = tpu.memref_squeeze %dma_start3A_430 : memref<1x40x128xf32, #tpu.memory_space<hbm>> -> memref<40x128xf32, #tpu.memory_space<hbm>>
      %dma_start3A_432 = arith.constant 0 : i32
      %dma_start3A_433 = arith.constant 0 : i32
      %dma_start3A_434 = tpu.memref_slice %arg6[%add3A_427, %dma_start3A_432, %dma_start3A_433] : memref<8000x40x128xf32, #tpu.memory_space<hbm>> -> memref<1x40x128xf32, #tpu.memory_space<hbm>>
      %dma_start3A_435 = tpu.memref_squeeze %dma_start3A_434 : memref<1x40x128xf32, #tpu.memory_space<hbm>> -> memref<40x128xf32, #tpu.memory_space<hbm>>
      tpu.enqueue_dma source(%dma_start3A_435 : memref<40x128xf32, #tpu.memory_space<hbm>>) target(%arg12 : memref<40x128xf32, #tpu.memory_space<vmem>>) target_semaphore(%arg17 : memref<!tpu.dma_semaphore, #tpu.memory_space<semaphore_mem>>)
      %scan3A_436 = arith.constant 0 : i32
      %scan3A_437 = arith.constant 0 : i32
      %scan3A_438 = arith.constant 40 : i32
      %scan3A_439 = arith.addi %scan3A_437, %scan3A_438 : i32
      %scan3A_440 = arith.constant 1 : i32
      scf.for %scan3A_469 = %scan3A_437 to %scan3A_439 step %scan3A_440  : i32 {
        %get3A = arith.index_cast %scan3A_469 : i32 to index
        %get3A_470 = arith.constant 0 : index
        %get3A_471 = tpu.vector_load %arg13[%get3A, %get3A_470] {strides = array<i32>} : memref<40x128xf32, #tpu.memory_space<vmem>>, vector<1x16xf32>,
        %get3A_472 = vector.shape_cast %get3A_471 : vector<1x16xf32> to vector<16xf32>
        %get3A_473 = arith.index_cast %scan3A_469 : i32 to index
        %get3A_474 = arith.constant 0 : index
        %get3A_475 = tpu.vector_load %arg14[%get3A_473, %get3A_474] {strides = array<i32>} : memref<40x128xf32, #tpu.memory_space<vmem>>, vector<1x16xf32>,
        %get3A_476 = vector.shape_cast %get3A_475 : vector<1x16xf32> to vector<16xf32>
        %add3A_477 = arith.addf %get3A_472, %get3A_476 : vector<16xf32>
        %get3A_478 = arith.index_cast %scan3A_469 : i32 to index
        %get3A_479 = arith.constant 0 : index
        %get3A_480 = tpu.vector_load %arg15[%get3A_478, %get3A_479] {strides = array<i32>} : memref<40x128xf32, #tpu.memory_space<vmem>>, vector<1x16xf32>,
        %get3A_481 = vector.shape_cast %get3A_480 : vector<1x16xf32> to vector<16xf32>
        %add3A_482 = arith.addf %add3A_477, %get3A_481 : vector<16xf32>
        %max3A = arith.constant 0.000000e+00 : f32
        %max3A_483 = vector.broadcast %max3A : f32 to vector<16xf32>
        %max3A_484 = arith.maximumf %add3A_482, %max3A_483 : vector<16xf32>
        %swap3A = arith.index_cast %scan3A_469 : i32 to index
        %swap3A_485 = arith.constant 0 : index
        %swap3A_486 = tpu.vector_load %arg13[%swap3A, %swap3A_485] {strides = array<i32>} : memref<40x128xf32, #tpu.memory_space<vmem>>, vector<1x16xf32>,
        %swap3A_487 = vector.shape_cast %swap3A_486 : vector<1x16xf32> to vector<16xf32>
        %swap3A_488 = vector.shape_cast %max3A_484 : vector<16xf32> to vector<1x16xf32>
        tpu.vector_store %arg13[%swap3A, %swap3A_485], %swap3A_488 {strides = array<i32>} : memref<40x128xf32, #tpu.memory_space<vmem>>, vector<1x16xf32>,
        %get3A_489 = arith.index_cast %scan3A_469 : i32 to index
        %get3A_490 = arith.constant 16 : index
        %get3A_491 = tpu.vector_load %arg13[%get3A_489, %get3A_490] {strides = array<i32>} : memref<40x128xf32, #tpu.memory_space<vmem>>, vector<1x16xf32>,
        %get3A_492 = vector.shape_cast %get3A_491 : vector<1x16xf32> to vector<16xf32>
        %get3A_493 = arith.index_cast %scan3A_469 : i32 to index
        %get3A_494 = arith.constant 16 : index
        %get3A_495 = tpu.vector_load %arg14[%get3A_493, %get3A_494] {strides = array<i32>} : memref<40x128xf32, #tpu.memory_space<vmem>>, vector<1x16xf32>,
        %get3A_496 = vector.shape_cast %get3A_495 : vector<1x16xf32> to vector<16xf32>
        %add3A_497 = arith.addf %get3A_492, %get3A_496 : vector<16xf32>
        %get3A_498 = arith.index_cast %scan3A_469 : i32 to index
        %get3A_499 = arith.constant 16 : index
        %get3A_500 = tpu.vector_load %arg15[%get3A_498, %get3A_499] {strides = array<i32>} : memref<40x128xf32, #tpu.memory_space<vmem>>, vector<1x16xf32>,
        %get3A_501 = vector.shape_cast %get3A_500 : vector<1x16xf32> to vector<16xf32>
        %add3A_502 = arith.addf %add3A_497, %get3A_501 : vector<16xf32>
        %max3A_503 = arith.constant 0.000000e+00 : f32
        %max3A_504 = vector.broadcast %max3A_503 : f32 to vector<16xf32>
        %max3A_505 = arith.maximumf %add3A_502, %max3A_504 : vector<16xf32>
        %swap3A_506 = arith.index_cast %scan3A_469 : i32 to index
        %swap3A_507 = arith.constant 16 : index
        %swap3A_508 = tpu.vector_load %arg13[%swap3A_506, %swap3A_507] {strides = array<i32>} : memref<40x128xf32, #tpu.memory_space<vmem>>, vector<1x16xf32>,
        %swap3A_509 = vector.shape_cast %swap3A_508 : vector<1x16xf32> to vector<16xf32>
        %swap3A_510 = vector.shape_cast %max3A_505 : vector<16xf32> to vector<1x16xf32>
        tpu.vector_store %arg13[%swap3A_506, %swap3A_507], %swap3A_510 {strides = array<i32>} : memref<40x128xf32, #tpu.memory_space<vmem>>, vector<1x16xf32>,
        %get3A_511 = arith.index_cast %scan3A_469 : i32 to index
        %get3A_512 = arith.constant 32 : index
        %get3A_513 = tpu.vector_load %arg13[%get3A_511, %get3A_512] {strides = array<i32>} : memref<40x128xf32, #tpu.memory_space<vmem>>, vector<1x16xf32>,
        %get3A_514 = vector.shape_cast %get3A_513 : vector<1x16xf32> to vector<16xf32>
        %get3A_515 = arith.index_cast %scan3A_469 : i32 to index
        %get3A_516 = arith.constant 32 : index
        %get3A_517 = tpu.vector_load %arg14[%get3A_515, %get3A_516] {strides = array<i32>} : memref<40x128xf32, #tpu.memory_space<vmem>>, vector<1x16xf32>,
        %get3A_518 = vector.shape_cast %get3A_517 : vector<1x16xf32> to vector<16xf32>
        %add3A_519 = arith.addf %get3A_514, %get3A_518 : vector<16xf32>
        %get3A_520 = arith.index_cast %scan3A_469 : i32 to index
        %get3A_521 = arith.constant 32 : index
        %get3A_522 = tpu.vector_load %arg15[%get3A_520, %get3A_521] {strides = array<i32>} : memref<40x128xf32, #tpu.memory_space<vmem>>, vector<1x16xf32>,
        %get3A_523 = vector.shape_cast %get3A_522 : vector<1x16xf32> to vector<16xf32>
        %add3A_524 = arith.addf %add3A_519, %get3A_523 : vector<16xf32>
        %max3A_525 = arith.constant 0.000000e+00 : f32
        %max3A_526 = vector.broadcast %max3A_525 : f32 to vector<16xf32>
        %max3A_527 = arith.maximumf %add3A_524, %max3A_526 : vector<16xf32>
        %swap3A_528 = arith.index_cast %scan3A_469 : i32 to index
        %swap3A_529 = arith.constant 32 : index
        %swap3A_530 = tpu.vector_load %arg13[%swap3A_528, %swap3A_529] {strides = array<i32>} : memref<40x128xf32, #tpu.memory_space<vmem>>, vector<1x16xf32>,
        %swap3A_531 = vector.shape_cast %swap3A_530 : vector<1x16xf32> to vector<16xf32>
        %swap3A_532 = vector.shape_cast %max3A_527 : vector<16xf32> to vector<1x16xf32>
        tpu.vector_store %arg13[%swap3A_528, %swap3A_529], %swap3A_532 {strides = array<i32>} : memref<40x128xf32, #tpu.memory_space<vmem>>, vector<1x16xf32>,
        %get3A_533 = arith.index_cast %scan3A_469 : i32 to index
        %get3A_534 = arith.constant 48 : index
        %get3A_535 = tpu.vector_load %arg13[%get3A_533, %get3A_534] {strides = array<i32>} : memref<40x128xf32, #tpu.memory_space<vmem>>, vector<1x16xf32>,
        %get3A_536 = vector.shape_cast %get3A_535 : vector<1x16xf32> to vector<16xf32>
        %get3A_537 = arith.index_cast %scan3A_469 : i32 to index
        %get3A_538 = arith.constant 48 : index
        %get3A_539 = tpu.vector_load %arg14[%get3A_537, %get3A_538] {strides = array<i32>} : memref<40x128xf32, #tpu.memory_space<vmem>>, vector<1x16xf32>,
        %get3A_540 = vector.shape_cast %get3A_539 : vector<1x16xf32> to vector<16xf32>
        %add3A_541 = arith.addf %get3A_536, %get3A_540 : vector<16xf32>
        %get3A_542 = arith.index_cast %scan3A_469 : i32 to index
        %get3A_543 = arith.constant 48 : index
        %get3A_544 = tpu.vector_load %arg15[%get3A_542, %get3A_543] {strides = array<i32>} : memref<40x128xf32, #tpu.memory_space<vmem>>, vector<1x16xf32>,
        %get3A_545 = vector.shape_cast %get3A_544 : vector<1x16xf32> to vector<16xf32>
        %add3A_546 = arith.addf %add3A_541, %get3A_545 : vector<16xf32>
        %max3A_547 = arith.constant 0.000000e+00 : f32
        %max3A_548 = vector.broadcast %max3A_547 : f32 to vector<16xf32>
        %max3A_549 = arith.maximumf %add3A_546, %max3A_548 : vector<16xf32>
        %swap3A_550 = arith.index_cast %scan3A_469 : i32 to index
        %swap3A_551 = arith.constant 48 : index
        %swap3A_552 = tpu.vector_load %arg13[%swap3A_550, %swap3A_551] {strides = array<i32>} : memref<40x128xf32, #tpu.memory_space<vmem>>, vector<1x16xf32>,
        %swap3A_553 = vector.shape_cast %swap3A_552 : vector<1x16xf32> to vector<16xf32>
        %swap3A_554 = vector.shape_cast %max3A_549 : vector<16xf32> to vector<1x16xf32>
        tpu.vector_store %arg13[%swap3A_550, %swap3A_551], %swap3A_554 {strides = array<i32>} : memref<40x128xf32, #tpu.memory_space<vmem>>, vector<1x16xf32>,
        %get3A_555 = arith.index_cast %scan3A_469 : i32 to index
        %get3A_556 = arith.constant 64 : index
        %get3A_557 = tpu.vector_load %arg13[%get3A_555, %get3A_556] {strides = array<i32>} : memref<40x128xf32, #tpu.memory_space<vmem>>, vector<1x16xf32>,
        %get3A_558 = vector.shape_cast %get3A_557 : vector<1x16xf32> to vector<16xf32>
        %get3A_559 = arith.index_cast %scan3A_469 : i32 to index
        %get3A_560 = arith.constant 64 : index
        %get3A_561 = tpu.vector_load %arg14[%get3A_559, %get3A_560] {strides = array<i32>} : memref<40x128xf32, #tpu.memory_space<vmem>>, vector<1x16xf32>,
        %get3A_562 = vector.shape_cast %get3A_561 : vector<1x16xf32> to vector<16xf32>
        %add3A_563 = arith.addf %get3A_558, %get3A_562 : vector<16xf32>
        %get3A_564 = arith.index_cast %scan3A_469 : i32 to index
        %get3A_565 = arith.constant 64 : index
        %get3A_566 = tpu.vector_load %arg15[%get3A_564, %get3A_565] {strides = array<i32>} : memref<40x128xf32, #tpu.memory_space<vmem>>, vector<1x16xf32>,
        %get3A_567 = vector.shape_cast %get3A_566 : vector<1x16xf32> to vector<16xf32>
        %add3A_568 = arith.addf %add3A_563, %get3A_567 : vector<16xf32>
        %max3A_569 = arith.constant 0.000000e+00 : f32
        %max3A_570 = vector.broadcast %max3A_569 : f32 to vector<16xf32>
        %max3A_571 = arith.maximumf %add3A_568, %max3A_570 : vector<16xf32>
        %swap3A_572 = arith.index_cast %scan3A_469 : i32 to index
        %swap3A_573 = arith.constant 64 : index
        %swap3A_574 = tpu.vector_load %arg13[%swap3A_572, %swap3A_573] {strides = array<i32>} : memref<40x128xf32, #tpu.memory_space<vmem>>, vector<1x16xf32>,
        %swap3A_575 = vector.shape_cast %swap3A_574 : vector<1x16xf32> to vector<16xf32>
        %swap3A_576 = vector.shape_cast %max3A_571 : vector<16xf32> to vector<1x16xf32>
        tpu.vector_store %arg13[%swap3A_572, %swap3A_573], %swap3A_576 {strides = array<i32>} : memref<40x128xf32, #tpu.memory_space<vmem>>, vector<1x16xf32>,
        %get3A_577 = arith.index_cast %scan3A_469 : i32 to index
        %get3A_578 = arith.constant 80 : index
        %get3A_579 = tpu.vector_load %arg13[%get3A_577, %get3A_578] {strides = array<i32>} : memref<40x128xf32, #tpu.memory_space<vmem>>, vector<1x16xf32>,
        %get3A_580 = vector.shape_cast %get3A_579 : vector<1x16xf32> to vector<16xf32>
        %get3A_581 = arith.index_cast %scan3A_469 : i32 to index
        %get3A_582 = arith.constant 80 : index
        %get3A_583 = tpu.vector_load %arg14[%get3A_581, %get3A_582] {strides = array<i32>} : memref<40x128xf32, #tpu.memory_space<vmem>>, vector<1x16xf32>,
        %get3A_584 = vector.shape_cast %get3A_583 : vector<1x16xf32> to vector<16xf32>
        %add3A_585 = arith.addf %get3A_580, %get3A_584 : vector<16xf32>
        %get3A_586 = arith.index_cast %scan3A_469 : i32 to index
        %get3A_587 = arith.constant 80 : index
        %get3A_588 = tpu.vector_load %arg15[%get3A_586, %get3A_587] {strides = array<i32>} : memref<40x128xf32, #tpu.memory_space<vmem>>, vector<1x16xf32>,
        %get3A_589 = vector.shape_cast %get3A_588 : vector<1x16xf32> to vector<16xf32>
        %add3A_590 = arith.addf %add3A_585, %get3A_589 : vector<16xf32>
        %max3A_591 = arith.constant 0.000000e+00 : f32
        %max3A_592 = vector.broadcast %max3A_591 : f32 to vector<16xf32>
        %max3A_593 = arith.maximumf %add3A_590, %max3A_592 : vector<16xf32>
        %swap3A_594 = arith.index_cast %scan3A_469 : i32 to index
        %swap3A_595 = arith.constant 80 : index
        %swap3A_596 = tpu.vector_load %arg13[%swap3A_594, %swap3A_595] {strides = array<i32>} : memref<40x128xf32, #tpu.memory_space<vmem>>, vector<1x16xf32>,
        %swap3A_597 = vector.shape_cast %swap3A_596 : vector<1x16xf32> to vector<16xf32>
        %swap3A_598 = vector.shape_cast %max3A_593 : vector<16xf32> to vector<1x16xf32>
        tpu.vector_store %arg13[%swap3A_594, %swap3A_595], %swap3A_598 {strides = array<i32>} : memref<40x128xf32, #tpu.memory_space<vmem>>, vector<1x16xf32>,
        %get3A_599 = arith.index_cast %scan3A_469 : i32 to index
        %get3A_600 = arith.constant 96 : index
        %get3A_601 = tpu.vector_load %arg13[%get3A_599, %get3A_600] {strides = array<i32>} : memref<40x128xf32, #tpu.memory_space<vmem>>, vector<1x16xf32>,
        %get3A_602 = vector.shape_cast %get3A_601 : vector<1x16xf32> to vector<16xf32>
        %get3A_603 = arith.index_cast %scan3A_469 : i32 to index
        %get3A_604 = arith.constant 96 : index
        %get3A_605 = tpu.vector_load %arg14[%get3A_603, %get3A_604] {strides = array<i32>} : memref<40x128xf32, #tpu.memory_space<vmem>>, vector<1x16xf32>,
        %get3A_606 = vector.shape_cast %get3A_605 : vector<1x16xf32> to vector<16xf32>
        %add3A_607 = arith.addf %get3A_602, %get3A_606 : vector<16xf32>
        %get3A_608 = arith.index_cast %scan3A_469 : i32 to index
        %get3A_609 = arith.constant 96 : index
        %get3A_610 = tpu.vector_load %arg15[%get3A_608, %get3A_609] {strides = array<i32>} : memref<40x128xf32, #tpu.memory_space<vmem>>, vector<1x16xf32>,
        %get3A_611 = vector.shape_cast %get3A_610 : vector<1x16xf32> to vector<16xf32>
        %add3A_612 = arith.addf %add3A_607, %get3A_611 : vector<16xf32>
        %max3A_613 = arith.constant 0.000000e+00 : f32
        %max3A_614 = vector.broadcast %max3A_613 : f32 to vector<16xf32>
        %max3A_615 = arith.maximumf %add3A_612, %max3A_614 : vector<16xf32>
        %swap3A_616 = arith.index_cast %scan3A_469 : i32 to index
        %swap3A_617 = arith.constant 96 : index
        %swap3A_618 = tpu.vector_load %arg13[%swap3A_616, %swap3A_617] {strides = array<i32>} : memref<40x128xf32, #tpu.memory_space<vmem>>, vector<1x16xf32>,
        %swap3A_619 = vector.shape_cast %swap3A_618 : vector<1x16xf32> to vector<16xf32>
        %swap3A_620 = vector.shape_cast %max3A_615 : vector<16xf32> to vector<1x16xf32>
        tpu.vector_store %arg13[%swap3A_616, %swap3A_617], %swap3A_620 {strides = array<i32>} : memref<40x128xf32, #tpu.memory_space<vmem>>, vector<1x16xf32>,
        %get3A_621 = arith.index_cast %scan3A_469 : i32 to index
        %get3A_622 = arith.constant 112 : index
        %get3A_623 = tpu.vector_load %arg13[%get3A_621, %get3A_622] {strides = array<i32>} : memref<40x128xf32, #tpu.memory_space<vmem>>, vector<1x16xf32>,
        %get3A_624 = vector.shape_cast %get3A_623 : vector<1x16xf32> to vector<16xf32>
        %get3A_625 = arith.index_cast %scan3A_469 : i32 to index
        %get3A_626 = arith.constant 112 : index
        %get3A_627 = tpu.vector_load %arg14[%get3A_625, %get3A_626] {strides = array<i32>} : memref<40x128xf32, #tpu.memory_space<vmem>>, vector<1x16xf32>,
        %get3A_628 = vector.shape_cast %get3A_627 : vector<1x16xf32> to vector<16xf32>
        %add3A_629 = arith.addf %get3A_624, %get3A_628 : vector<16xf32>
        %get3A_630 = arith.index_cast %scan3A_469 : i32 to index
        %get3A_631 = arith.constant 112 : index
        %get3A_632 = tpu.vector_load %arg15[%get3A_630, %get3A_631] {strides = array<i32>} : memref<40x128xf32, #tpu.memory_space<vmem>>, vector<1x16xf32>,
        %get3A_633 = vector.shape_cast %get3A_632 : vector<1x16xf32> to vector<16xf32>
        %add3A_634 = arith.addf %add3A_629, %get3A_633 : vector<16xf32>
        %max3A_635 = arith.constant 0.000000e+00 : f32
        %max3A_636 = vector.broadcast %max3A_635 : f32 to vector<16xf32>
        %max3A_637 = arith.maximumf %add3A_634, %max3A_636 : vector<16xf32>
        %swap3A_638 = arith.index_cast %scan3A_469 : i32 to index
        %swap3A_639 = arith.constant 112 : index
        %swap3A_640 = tpu.vector_load %arg13[%swap3A_638, %swap3A_639] {strides = array<i32>} : memref<40x128xf32, #tpu.memory_space<vmem>>, vector<1x16xf32>,
        %swap3A_641 = vector.shape_cast %swap3A_640 : vector<1x16xf32> to vector<16xf32>
        %swap3A_642 = vector.shape_cast %max3A_637 : vector<16xf32> to vector<1x16xf32>
        tpu.vector_store %arg13[%swap3A_638, %swap3A_639], %swap3A_642 {strides = array<i32>} : memref<40x128xf32, #tpu.memory_space<vmem>>, vector<1x16xf32>,
      }
      %scan3A_441 = arith.constant 40 : i32
      %run_scoped3A_442 = arith.constant 1 : i32
      "tpu.region"() ({
        %run_scoped3A_469 = tpu.sem_alloc : memref<!tpu.dma_semaphore, #tpu.memory_space<semaphore_mem>>
        %dma_start3A_470 = arith.constant 0 : i32
        %dma_start3A_471 = tpu.memref_slice %arg9[%run_scoped3A_442, %dma_start3A_470] : memref<2x40xi32, #tpu.memory_space<vmem>> -> memref<1x40xi32, #tpu.memory_space<vmem>>
        %dma_start3A_472 = tpu.memref_squeeze %dma_start3A_471 : memref<1x40xi32, #tpu.memory_space<vmem>> -> memref<40xi32, #tpu.memory_space<vmem>>
        %dma_start3A_473 = arith.constant 0 : i32
        %dma_start3A_474 = arith.constant 0 : i32
        %dma_start3A_475 = tpu.memref_slice %arg16[%dma_start3A_473, %dma_start3A_474] : memref<10000x128xf32, #tpu.memory_space<vmem_shared>> -> memref<10000x128xf32, #tpu.memory_space<vmem_shared>>
        tpu.enqueue_indirect_dma source(%arg13 : memref<40x128xf32, #tpu.memory_space<vmem>>) target(%dma_start3A_475 : memref<10000x128xf32, #tpu.memory_space<vmem_shared>>) offsets(%dma_start3A_472 : memref<40xi32, #tpu.memory_space<vmem>>) semaphore(%run_scoped3A_469 : memref<!tpu.dma_semaphore, #tpu.memory_space<semaphore_mem>>) {add = true}
        %dma_wait3A_476 = arith.constant 0 : i32
        %dma_wait3A_477 = tpu.memref_slice %arg9[%run_scoped3A_442, %dma_wait3A_476] : memref<2x40xi32, #tpu.memory_space<vmem>> -> memref<1x40xi32, #tpu.memory_space<vmem>>
        %dma_wait3A_478 = tpu.memref_squeeze %dma_wait3A_477 : memref<1x40xi32, #tpu.memory_space<vmem>> -> memref<40xi32, #tpu.memory_space<vmem>>
        %dma_wait3A_479 = arith.constant 0 : i32
        %dma_wait3A_480 = arith.constant 0 : i32
        %dma_wait3A_481 = tpu.memref_slice %arg16[%dma_wait3A_479, %dma_wait3A_480] : memref<10000x128xf32, #tpu.memory_space<vmem_shared>> -> memref<10000x128xf32, #tpu.memory_space<vmem_shared>>
        tpu.wait_indirect_dma semaphore(%run_scoped3A_469 : memref<!tpu.dma_semaphore, #tpu.memory_space<semaphore_mem>>) src(%arg13 : memref<40x128xf32, #tpu.memory_space<vmem>>) dst(%dma_wait3A_481 : memref<10000x128xf32, #tpu.memory_space<vmem_shared>>)
        tpu.yield
      }) : () -> ()
      %add3A_443 = arith.constant 2 : i32
      %add3A_444 = arith.addi %add3A_363, %add3A_443 : i32
      %mul3A_445 = arith.constant 40 : i32
      %mul3A_446 = arith.muli %add3A_444, %mul3A_445 : i32
      %add3A_447 = arith.addi %mul3A_44, %mul3A_446 : i32
      %dma_start3A_448 = arith.constant 0 : i32
      %dma_start3A_449 = arith.constant 0 : i32
      %dma_start3A_450 = tpu.memref_slice %arg9[%dma_start3A_448, %dma_start3A_449] : memref<2x40xi32, #tpu.memory_space<vmem>> -> memref<1x40xi32, #tpu.memory_space<vmem>>
      %dma_start3A_451 = tpu.memref_squeeze %dma_start3A_450 : memref<1x40xi32, #tpu.memory_space<vmem>> -> memref<40xi32, #tpu.memory_space<vmem>>
      %dma_start3A_452 = tpu.memref_slice %arg4[%add3A_447] : memref<320000xi32, #tpu.memory_space<hbm>> -> memref<40xi32, #tpu.memory_space<hbm>>
      %dma_start3A_453 = arith.constant 0 : i32
      %dma_start3A_454 = tpu.memref_slice %arg9[%dma_start3A_448, %dma_start3A_453] : memref<2x40xi32, #tpu.memory_space<vmem>> -> memref<1x40xi32, #tpu.memory_space<vmem>>
      %dma_start3A_455 = tpu.memref_squeeze %dma_start3A_454 : memref<1x40xi32, #tpu.memory_space<vmem>> -> memref<40xi32, #tpu.memory_space<vmem>>
      %dma_start3A_456 = tpu.memref_slice %arg4[%add3A_447] : memref<320000xi32, #tpu.memory_space<hbm>> -> memref<40xi32, #tpu.memory_space<hbm>>
      tpu.enqueue_dma source(%dma_start3A_456 : memref<40xi32, #tpu.memory_space<hbm>>) target(%dma_start3A_455 : memref<40xi32, #tpu.memory_space<vmem>>) target_semaphore(%arg20 : memref<!tpu.dma_semaphore, #tpu.memory_space<semaphore_mem>>)
      %mul3A_457 = arith.constant 40 : i32
      %mul3A_458 = arith.muli %add3A_444, %mul3A_457 : i32
      %add3A_459 = arith.addi %mul3A_44, %mul3A_458 : i32
      %dma_start3A_460 = arith.constant 1 : i32
      %dma_start3A_461 = arith.constant 0 : i32
      %dma_start3A_462 = tpu.memref_slice %arg9[%dma_start3A_460, %dma_start3A_461] : memref<2x40xi32, #tpu.memory_space<vmem>> -> memref<1x40xi32, #tpu.memory_space<vmem>>
      %dma_start3A_463 = tpu.memref_squeeze %dma_start3A_462 : memref<1x40xi32, #tpu.memory_space<vmem>> -> memref<40xi32, #tpu.memory_space<vmem>>
      %dma_start3A_464 = tpu.memref_slice %arg5[%add3A_459] : memref<320000xi32, #tpu.memory_space<hbm>> -> memref<40xi32, #tpu.memory_space<hbm>>
      %dma_start3A_465 = arith.constant 0 : i32
      %dma_start3A_466 = tpu.memref_slice %arg9[%dma_start3A_460, %dma_start3A_465] : memref<2x40xi32, #tpu.memory_space<vmem>> -> memref<1x40xi32, #tpu.memory_space<vmem>>
      %dma_start3A_467 = tpu.memref_squeeze %dma_start3A_466 : memref<1x40xi32, #tpu.memory_space<vmem>> -> memref<40xi32, #tpu.memory_space<vmem>>
      %dma_start3A_468 = tpu.memref_slice %arg5[%add3A_459] : memref<320000xi32, #tpu.memory_space<hbm>> -> memref<40xi32, #tpu.memory_space<hbm>>
      tpu.enqueue_dma source(%dma_start3A_468 : memref<40xi32, #tpu.memory_space<hbm>>) target(%dma_start3A_467 : memref<40xi32, #tpu.memory_space<vmem>>) target_semaphore(%arg20 : memref<!tpu.dma_semaphore, #tpu.memory_space<semaphore_mem>>)
    }
    %scan3A_140 = arith.constant 124 : i32
    %dma_wait3A_141 = arith.constant 0 : i32
    %dma_wait3A_142 = arith.constant 0 : i32
    %dma_wait3A_143 = tpu.memref_slice %arg8[%dma_wait3A_141, %dma_wait3A_142] : memref<2x40xi32, #tpu.memory_space<vmem>> -> memref<1x40xi32, #tpu.memory_space<vmem>>
    %dma_wait3A_144 = tpu.memref_squeeze %dma_wait3A_143 : memref<1x40xi32, #tpu.memory_space<vmem>> -> memref<40xi32, #tpu.memory_space<vmem>>
    %dma_wait3A_145 = arith.constant 0 : i32
    %dma_wait3A_146 = arith.constant 0 : i32
    %dma_wait3A_147 = tpu.memref_slice %arg2[%dma_wait3A_145, %dma_wait3A_146] : memref<10000x128xf32, #tpu.memory_space<hbm>> -> memref<10000x128xf32, #tpu.memory_space<hbm>>
    tpu.wait_indirect_dma semaphore(%arg17 : memref<!tpu.dma_semaphore, #tpu.memory_space<semaphore_mem>>) src(%dma_wait3A_147 : memref<10000x128xf32, #tpu.memory_space<hbm>>) dst(%arg10 : memref<40x128xf32, #tpu.memory_space<vmem>>)
    %dma_wait3A_148 = arith.constant 1 : i32
    %dma_wait3A_149 = arith.constant 0 : i32
    %dma_wait3A_150 = tpu.memref_slice %arg8[%dma_wait3A_148, %dma_wait3A_149] : memref<2x40xi32, #tpu.memory_space<vmem>> -> memref<1x40xi32, #tpu.memory_space<vmem>>
    %dma_wait3A_151 = tpu.memref_squeeze %dma_wait3A_150 : memref<1x40xi32, #tpu.memory_space<vmem>> -> memref<40xi32, #tpu.memory_space<vmem>>
    %dma_wait3A_152 = arith.constant 0 : i32
    %dma_wait3A_153 = arith.constant 0 : i32
    %dma_wait3A_154 = tpu.memref_slice %arg3[%dma_wait3A_152, %dma_wait3A_153] : memref<10000x128xf32, #tpu.memory_space<hbm>> -> memref<10000x128xf32, #tpu.memory_space<hbm>>
    tpu.wait_indirect_dma semaphore(%arg17 : memref<!tpu.dma_semaphore, #tpu.memory_space<semaphore_mem>>) src(%dma_wait3A_154 : memref<10000x128xf32, #tpu.memory_space<hbm>>) dst(%arg11 : memref<40x128xf32, #tpu.memory_space<vmem>>)
    %dma_wait3A_155 = arith.constant 0 : i32
    %dma_wait3A_156 = arith.constant 0 : i32
    %dma_wait3A_157 = arith.constant 0 : i32
    %dma_wait3A_158 = tpu.memref_slice %arg6[%dma_wait3A_155, %dma_wait3A_156, %dma_wait3A_157] : memref<8000x40x128xf32, #tpu.memory_space<hbm>> -> memref<1x40x128xf32, #tpu.memory_space<hbm>>
    %dma_wait3A_159 = tpu.memref_squeeze %dma_wait3A_158 : memref<1x40x128xf32, #tpu.memory_space<hbm>> -> memref<40x128xf32, #tpu.memory_space<hbm>>
    %dma_wait3A_160 = arith.constant 0 : i32
    %dma_wait3A_161 = arith.constant 0 : i32
    %dma_wait3A_162 = tpu.memref_slice %arg6[%dma_wait3A_155, %dma_wait3A_160, %dma_wait3A_161] : memref<8000x40x128xf32, #tpu.memory_space<hbm>> -> memref<1x40x128xf32, #tpu.memory_space<hbm>>
    %dma_wait3A_163 = tpu.memref_squeeze %dma_wait3A_162 : memref<1x40x128xf32, #tpu.memory_space<hbm>> -> memref<40x128xf32, #tpu.memory_space<hbm>>
    tpu.wait_dma2 semaphore(%arg17 : memref<!tpu.dma_semaphore, #tpu.memory_space<semaphore_mem>>) src(%dma_wait3A_163 : memref<40x128xf32, #tpu.memory_space<hbm>>) dst(%arg12 : memref<40x128xf32, #tpu.memory_space<vmem>>)
    %dma_wait3A_164 = arith.constant 0 : i32
    %dma_wait3A_165 = arith.constant 0 : i32
    %dma_wait3A_166 = tpu.memref_slice %arg9[%dma_wait3A_164, %dma_wait3A_165] : memref<2x40xi32, #tpu.memory_space<vmem>> -> memref<1x40xi32, #tpu.memory_space<vmem>>
    %dma_wait3A_167 = tpu.memref_squeeze %dma_wait3A_166 : memref<1x40xi32, #tpu.memory_space<vmem>> -> memref<40xi32, #tpu.memory_space<vmem>>
    %dma_wait3A_168 = arith.constant 0 : i32
    %dma_wait3A_169 = tpu.memref_slice %arg4[%dma_wait3A_168] : memref<320000xi32, #tpu.memory_space<hbm>> -> memref<40xi32, #tpu.memory_space<hbm>>
    %dma_wait3A_170 = arith.constant 0 : i32
    %dma_wait3A_171 = tpu.memref_slice %arg9[%dma_wait3A_164, %dma_wait3A_170] : memref<2x40xi32, #tpu.memory_space<vmem>> -> memref<1x40xi32, #tpu.memory_space<vmem>>
    %dma_wait3A_172 = tpu.memref_squeeze %dma_wait3A_171 : memref<1x40xi32, #tpu.memory_space<vmem>> -> memref<40xi32, #tpu.memory_space<vmem>>
    %dma_wait3A_173 = arith.constant 0 : i32
    %dma_wait3A_174 = tpu.memref_slice %arg4[%dma_wait3A_173] : memref<320000xi32, #tpu.memory_space<hbm>> -> memref<40xi32, #tpu.memory_space<hbm>>
    tpu.wait_dma2 semaphore(%arg20 : memref<!tpu.dma_semaphore, #tpu.memory_space<semaphore_mem>>) src(%dma_wait3A_174 : memref<40xi32, #tpu.memory_space<hbm>>) dst(%dma_wait3A_172 : memref<40xi32, #tpu.memory_space<vmem>>)
    %dma_wait3A_175 = arith.constant 1 : i32
    %dma_wait3A_176 = arith.constant 0 : i32
    %dma_wait3A_177 = tpu.memref_slice %arg9[%dma_wait3A_175, %dma_wait3A_176] : memref<2x40xi32, #tpu.memory_space<vmem>> -> memref<1x40xi32, #tpu.memory_space<vmem>>
    %dma_wait3A_178 = tpu.memref_squeeze %dma_wait3A_177 : memref<1x40xi32, #tpu.memory_space<vmem>> -> memref<40xi32, #tpu.memory_space<vmem>>
    %dma_wait3A_179 = arith.constant 0 : i32
    %dma_wait3A_180 = tpu.memref_slice %arg4[%dma_wait3A_179] : memref<320000xi32, #tpu.memory_space<hbm>> -> memref<40xi32, #tpu.memory_space<hbm>>
    %dma_wait3A_181 = arith.constant 0 : i32
    %dma_wait3A_182 = tpu.memref_slice %arg9[%dma_wait3A_175, %dma_wait3A_181] : memref<2x40xi32, #tpu.memory_space<vmem>> -> memref<1x40xi32, #tpu.memory_space<vmem>>
    %dma_wait3A_183 = tpu.memref_squeeze %dma_wait3A_182 : memref<1x40xi32, #tpu.memory_space<vmem>> -> memref<40xi32, #tpu.memory_space<vmem>>
    %dma_wait3A_184 = arith.constant 0 : i32
    %dma_wait3A_185 = tpu.memref_slice %arg4[%dma_wait3A_184] : memref<320000xi32, #tpu.memory_space<hbm>> -> memref<40xi32, #tpu.memory_space<hbm>>
    tpu.wait_dma2 semaphore(%arg20 : memref<!tpu.dma_semaphore, #tpu.memory_space<semaphore_mem>>) src(%dma_wait3A_185 : memref<40xi32, #tpu.memory_space<hbm>>) dst(%dma_wait3A_183 : memref<40xi32, #tpu.memory_space<vmem>>)
    %dma_start3A_186 = arith.constant 0 : i32
    %dma_start3A_187 = arith.constant 0 : i32
    %dma_start3A_188 = tpu.memref_slice %arg9[%dma_start3A_186, %dma_start3A_187] : memref<2x40xi32, #tpu.memory_space<vmem>> -> memref<1x40xi32, #tpu.memory_space<vmem>>
    %dma_start3A_189 = tpu.memref_squeeze %dma_start3A_188 : memref<1x40xi32, #tpu.memory_space<vmem>> -> memref<40xi32, #tpu.memory_space<vmem>>
    %dma_start3A_190 = arith.constant 0 : i32
    %dma_start3A_191 = arith.constant 0 : i32
    %dma_start3A_192 = tpu.memref_slice %arg2[%dma_start3A_190, %dma_start3A_191] : memref<10000x128xf32, #tpu.memory_space<hbm>> -> memref<10000x128xf32, #tpu.memory_space<hbm>>
    tpu.enqueue_indirect_dma source(%dma_start3A_192 : memref<10000x128xf32, #tpu.memory_space<hbm>>) target(%arg13 : memref<40x128xf32, #tpu.memory_space<vmem>>) offsets(%dma_start3A_189 : memref<40xi32, #tpu.memory_space<vmem>>) semaphore(%arg18 : memref<!tpu.dma_semaphore, #tpu.memory_space<semaphore_mem>>)
    %dma_start3A_193 = arith.constant 1 : i32
    %dma_start3A_194 = arith.constant 0 : i32
    %dma_start3A_195 = tpu.memref_slice %arg9[%dma_start3A_193, %dma_start3A_194] : memref<2x40xi32, #tpu.memory_space<vmem>> -> memref<1x40xi32, #tpu.memory_space<vmem>>
    %dma_start3A_196 = tpu.memref_squeeze %dma_start3A_195 : memref<1x40xi32, #tpu.memory_space<vmem>> -> memref<40xi32, #tpu.memory_space<vmem>>
    %dma_start3A_197 = arith.constant 0 : i32
    %dma_start3A_198 = arith.constant 0 : i32
    %dma_start3A_199 = tpu.memref_slice %arg3[%dma_start3A_197, %dma_start3A_198] : memref<10000x128xf32, #tpu.memory_space<hbm>> -> memref<10000x128xf32, #tpu.memory_space<hbm>>
    tpu.enqueue_indirect_dma source(%dma_start3A_199 : memref<10000x128xf32, #tpu.memory_space<hbm>>) target(%arg14 : memref<40x128xf32, #tpu.memory_space<vmem>>) offsets(%dma_start3A_196 : memref<40xi32, #tpu.memory_space<vmem>>) semaphore(%arg18 : memref<!tpu.dma_semaphore, #tpu.memory_space<semaphore_mem>>)
    %mul3A_200 = arith.constant 250 : i32
    %mul3A_201 = arith.muli %add3A, %mul3A_200 : i32
    %add3A_202 = arith.constant 249 : i32
    %add3A_203 = arith.addi %mul3A_201, %add3A_202 : i32
    %dma_start3A_204 = arith.constant 0 : i32
    %dma_start3A_205 = arith.constant 0 : i32
    %dma_start3A_206 = tpu.memref_slice %arg6[%add3A_203, %dma_start3A_204, %dma_start3A_205] : memref<8000x40x128xf32, #tpu.memory_space<hbm>> -> memref<1x40x128xf32, #tpu.memory_space<hbm>>
    %dma_start3A_207 = tpu.memref_squeeze %dma_start3A_206 : memref<1x40x128xf32, #tpu.memory_space<hbm>> -> memref<40x128xf32, #tpu.memory_space<hbm>>
    %dma_start3A_208 = arith.constant 0 : i32
    %dma_start3A_209 = arith.constant 0 : i32
    %dma_start3A_210 = tpu.memref_slice %arg6[%add3A_203, %dma_start3A_208, %dma_start3A_209] : memref<8000x40x128xf32, #tpu.memory_space<hbm>> -> memref<1x40x128xf32, #tpu.memory_space<hbm>>
    %dma_start3A_211 = tpu.memref_squeeze %dma_start3A_210 : memref<1x40x128xf32, #tpu.memory_space<hbm>> -> memref<40x128xf32, #tpu.memory_space<hbm>>
    tpu.enqueue_dma source(%dma_start3A_211 : memref<40x128xf32, #tpu.memory_space<hbm>>) target(%arg15 : memref<40x128xf32, #tpu.memory_space<vmem>>) target_semaphore(%arg18 : memref<!tpu.dma_semaphore, #tpu.memory_space<semaphore_mem>>)
    %scan3A_212 = arith.constant 0 : i32
    %scan3A_213 = arith.constant 0 : i32
    %scan3A_214 = arith.constant 40 : i32
    %scan3A_215 = arith.addi %scan3A_213, %scan3A_214 : i32
    %scan3A_216 = arith.constant 1 : i32
    scf.for %scan3A_254 = %scan3A_213 to %scan3A_215 step %scan3A_216  : i32 {
      %get3A = arith.index_cast %scan3A_254 : i32 to index
      %get3A_255 = arith.constant 0 : index
      %get3A_256 = tpu.vector_load %arg10[%get3A, %get3A_255] {strides = array<i32>} : memref<40x128xf32, #tpu.memory_space<vmem>>, vector<1x16xf32>,
      %get3A_257 = vector.shape_cast %get3A_256 : vector<1x16xf32> to vector<16xf32>
      %get3A_258 = arith.index_cast %scan3A_254 : i32 to index
      %get3A_259 = arith.constant 0 : index
      %get3A_260 = tpu.vector_load %arg11[%get3A_258, %get3A_259] {strides = array<i32>} : memref<40x128xf32, #tpu.memory_space<vmem>>, vector<1x16xf32>,
      %get3A_261 = vector.shape_cast %get3A_260 : vector<1x16xf32> to vector<16xf32>
      %add3A_262 = arith.addf %get3A_257, %get3A_261 : vector<16xf32>
      %get3A_263 = arith.index_cast %scan3A_254 : i32 to index
      %get3A_264 = arith.constant 0 : index
      %get3A_265 = tpu.vector_load %arg12[%get3A_263, %get3A_264] {strides = array<i32>} : memref<40x128xf32, #tpu.memory_space<vmem>>, vector<1x16xf32>,
      %get3A_266 = vector.shape_cast %get3A_265 : vector<1x16xf32> to vector<16xf32>
      %add3A_267 = arith.addf %add3A_262, %get3A_266 : vector<16xf32>
      %max3A = arith.constant 0.000000e+00 : f32
      %max3A_268 = vector.broadcast %max3A : f32 to vector<16xf32>
      %max3A_269 = arith.maximumf %add3A_267, %max3A_268 : vector<16xf32>
      %swap3A = arith.index_cast %scan3A_254 : i32 to index
      %swap3A_270 = arith.constant 0 : index
      %swap3A_271 = tpu.vector_load %arg10[%swap3A, %swap3A_270] {strides = array<i32>} : memref<40x128xf32, #tpu.memory_space<vmem>>, vector<1x16xf32>,
      %swap3A_272 = vector.shape_cast %swap3A_271 : vector<1x16xf32> to vector<16xf32>
      %swap3A_273 = vector.shape_cast %max3A_269 : vector<16xf32> to vector<1x16xf32>
      tpu.vector_store %arg10[%swap3A, %swap3A_270], %swap3A_273 {strides = array<i32>} : memref<40x128xf32, #tpu.memory_space<vmem>>, vector<1x16xf32>,
      %get3A_274 = arith.index_cast %scan3A_254 : i32 to index
      %get3A_275 = arith.constant 16 : index
      %get3A_276 = tpu.vector_load %arg10[%get3A_274, %get3A_275] {strides = array<i32>} : memref<40x128xf32, #tpu.memory_space<vmem>>, vector<1x16xf32>,
      %get3A_277 = vector.shape_cast %get3A_276 : vector<1x16xf32> to vector<16xf32>
      %get3A_278 = arith.index_cast %scan3A_254 : i32 to index
      %get3A_279 = arith.constant 16 : index
      %get3A_280 = tpu.vector_load %arg11[%get3A_278, %get3A_279] {strides = array<i32>} : memref<40x128xf32, #tpu.memory_space<vmem>>, vector<1x16xf32>,
      %get3A_281 = vector.shape_cast %get3A_280 : vector<1x16xf32> to vector<16xf32>
      %add3A_282 = arith.addf %get3A_277, %get3A_281 : vector<16xf32>
      %get3A_283 = arith.index_cast %scan3A_254 : i32 to index
      %get3A_284 = arith.constant 16 : index
      %get3A_285 = tpu.vector_load %arg12[%get3A_283, %get3A_284] {strides = array<i32>} : memref<40x128xf32, #tpu.memory_space<vmem>>, vector<1x16xf32>,
      %get3A_286 = vector.shape_cast %get3A_285 : vector<1x16xf32> to vector<16xf32>
      %add3A_287 = arith.addf %add3A_282, %get3A_286 : vector<16xf32>
      %max3A_288 = arith.constant 0.000000e+00 : f32
      %max3A_289 = vector.broadcast %max3A_288 : f32 to vector<16xf32>
      %max3A_290 = arith.maximumf %add3A_287, %max3A_289 : vector<16xf32>
      %swap3A_291 = arith.index_cast %scan3A_254 : i32 to index
      %swap3A_292 = arith.constant 16 : index
      %swap3A_293 = tpu.vector_load %arg10[%swap3A_291, %swap3A_292] {strides = array<i32>} : memref<40x128xf32, #tpu.memory_space<vmem>>, vector<1x16xf32>,
      %swap3A_294 = vector.shape_cast %swap3A_293 : vector<1x16xf32> to vector<16xf32>
      %swap3A_295 = vector.shape_cast %max3A_290 : vector<16xf32> to vector<1x16xf32>
      tpu.vector_store %arg10[%swap3A_291, %swap3A_292], %swap3A_295 {strides = array<i32>} : memref<40x128xf32, #tpu.memory_space<vmem>>, vector<1x16xf32>,
      %get3A_296 = arith.index_cast %scan3A_254 : i32 to index
      %get3A_297 = arith.constant 32 : index
      %get3A_298 = tpu.vector_load %arg10[%get3A_296, %get3A_297] {strides = array<i32>} : memref<40x128xf32, #tpu.memory_space<vmem>>, vector<1x16xf32>,
      %get3A_299 = vector.shape_cast %get3A_298 : vector<1x16xf32> to vector<16xf32>
      %get3A_300 = arith.index_cast %scan3A_254 : i32 to index
      %get3A_301 = arith.constant 32 : index
      %get3A_302 = tpu.vector_load %arg11[%get3A_300, %get3A_301] {strides = array<i32>} : memref<40x128xf32, #tpu.memory_space<vmem>>, vector<1x16xf32>,
      %get3A_303 = vector.shape_cast %get3A_302 : vector<1x16xf32> to vector<16xf32>
      %add3A_304 = arith.addf %get3A_299, %get3A_303 : vector<16xf32>
      %get3A_305 = arith.index_cast %scan3A_254 : i32 to index
      %get3A_306 = arith.constant 32 : index
      %get3A_307 = tpu.vector_load %arg12[%get3A_305, %get3A_306] {strides = array<i32>} : memref<40x128xf32, #tpu.memory_space<vmem>>, vector<1x16xf32>,
      %get3A_308 = vector.shape_cast %get3A_307 : vector<1x16xf32> to vector<16xf32>
      %add3A_309 = arith.addf %add3A_304, %get3A_308 : vector<16xf32>
      %max3A_310 = arith.constant 0.000000e+00 : f32
      %max3A_311 = vector.broadcast %max3A_310 : f32 to vector<16xf32>
      %max3A_312 = arith.maximumf %add3A_309, %max3A_311 : vector<16xf32>
      %swap3A_313 = arith.index_cast %scan3A_254 : i32 to index
      %swap3A_314 = arith.constant 32 : index
      %swap3A_315 = tpu.vector_load %arg10[%swap3A_313, %swap3A_314] {strides = array<i32>} : memref<40x128xf32, #tpu.memory_space<vmem>>, vector<1x16xf32>,
      %swap3A_316 = vector.shape_cast %swap3A_315 : vector<1x16xf32> to vector<16xf32>
      %swap3A_317 = vector.shape_cast %max3A_312 : vector<16xf32> to vector<1x16xf32>
      tpu.vector_store %arg10[%swap3A_313, %swap3A_314], %swap3A_317 {strides = array<i32>} : memref<40x128xf32, #tpu.memory_space<vmem>>, vector<1x16xf32>,
      %get3A_318 = arith.index_cast %scan3A_254 : i32 to index
      %get3A_319 = arith.constant 48 : index
      %get3A_320 = tpu.vector_load %arg10[%get3A_318, %get3A_319] {strides = array<i32>} : memref<40x128xf32, #tpu.memory_space<vmem>>, vector<1x16xf32>,
      %get3A_321 = vector.shape_cast %get3A_320 : vector<1x16xf32> to vector<16xf32>
      %get3A_322 = arith.index_cast %scan3A_254 : i32 to index
      %get3A_323 = arith.constant 48 : index
      %get3A_324 = tpu.vector_load %arg11[%get3A_322, %get3A_323] {strides = array<i32>} : memref<40x128xf32, #tpu.memory_space<vmem>>, vector<1x16xf32>,
      %get3A_325 = vector.shape_cast %get3A_324 : vector<1x16xf32> to vector<16xf32>
      %add3A_326 = arith.addf %get3A_321, %get3A_325 : vector<16xf32>
      %get3A_327 = arith.index_cast %scan3A_254 : i32 to index
      %get3A_328 = arith.constant 48 : index
      %get3A_329 = tpu.vector_load %arg12[%get3A_327, %get3A_328] {strides = array<i32>} : memref<40x128xf32, #tpu.memory_space<vmem>>, vector<1x16xf32>,
      %get3A_330 = vector.shape_cast %get3A_329 : vector<1x16xf32> to vector<16xf32>
      %add3A_331 = arith.addf %add3A_326, %get3A_330 : vector<16xf32>
      %max3A_332 = arith.constant 0.000000e+00 : f32
      %max3A_333 = vector.broadcast %max3A_332 : f32 to vector<16xf32>
      %max3A_334 = arith.maximumf %add3A_331, %max3A_333 : vector<16xf32>
      %swap3A_335 = arith.index_cast %scan3A_254 : i32 to index
      %swap3A_336 = arith.constant 48 : index
      %swap3A_337 = tpu.vector_load %arg10[%swap3A_335, %swap3A_336] {strides = array<i32>} : memref<40x128xf32, #tpu.memory_space<vmem>>, vector<1x16xf32>,
      %swap3A_338 = vector.shape_cast %swap3A_337 : vector<1x16xf32> to vector<16xf32>
      %swap3A_339 = vector.shape_cast %max3A_334 : vector<16xf32> to vector<1x16xf32>
      tpu.vector_store %arg10[%swap3A_335, %swap3A_336], %swap3A_339 {strides = array<i32>} : memref<40x128xf32, #tpu.memory_space<vmem>>, vector<1x16xf32>,
      %get3A_340 = arith.index_cast %scan3A_254 : i32 to index
      %get3A_341 = arith.constant 64 : index
      %get3A_342 = tpu.vector_load %arg10[%get3A_340, %get3A_341] {strides = array<i32>} : memref<40x128xf32, #tpu.memory_space<vmem>>, vector<1x16xf32>,
      %get3A_343 = vector.shape_cast %get3A_342 : vector<1x16xf32> to vector<16xf32>
      %get3A_344 = arith.index_cast %scan3A_254 : i32 to index
      %get3A_345 = arith.constant 64 : index
      %get3A_346 = tpu.vector_load %arg11[%get3A_344, %get3A_345] {strides = array<i32>} : memref<40x128xf32, #tpu.memory_space<vmem>>, vector<1x16xf32>,
      %get3A_347 = vector.shape_cast %get3A_346 : vector<1x16xf32> to vector<16xf32>
      %add3A_348 = arith.addf %get3A_343, %get3A_347 : vector<16xf32>
      %get3A_349 = arith.index_cast %scan3A_254 : i32 to index
      %get3A_350 = arith.constant 64 : index
      %get3A_351 = tpu.vector_load %arg12[%get3A_349, %get3A_350] {strides = array<i32>} : memref<40x128xf32, #tpu.memory_space<vmem>>, vector<1x16xf32>,
      %get3A_352 = vector.shape_cast %get3A_351 : vector<1x16xf32> to vector<16xf32>
      %add3A_353 = arith.addf %add3A_348, %get3A_352 : vector<16xf32>
      %max3A_354 = arith.constant 0.000000e+00 : f32
      %max3A_355 = vector.broadcast %max3A_354 : f32 to vector<16xf32>
      %max3A_356 = arith.maximumf %add3A_353, %max3A_355 : vector<16xf32>
      %swap3A_357 = arith.index_cast %scan3A_254 : i32 to index
      %swap3A_358 = arith.constant 64 : index
      %swap3A_359 = tpu.vector_load %arg10[%swap3A_357, %swap3A_358] {strides = array<i32>} : memref<40x128xf32, #tpu.memory_space<vmem>>, vector<1x16xf32>,
      %swap3A_360 = vector.shape_cast %swap3A_359 : vector<1x16xf32> to vector<16xf32>
      %swap3A_361 = vector.shape_cast %max3A_356 : vector<16xf32> to vector<1x16xf32>
      tpu.vector_store %arg10[%swap3A_357, %swap3A_358], %swap3A_361 {strides = array<i32>} : memref<40x128xf32, #tpu.memory_space<vmem>>, vector<1x16xf32>,
      %get3A_362 = arith.index_cast %scan3A_254 : i32 to index
      %get3A_363 = arith.constant 80 : index
      %get3A_364 = tpu.vector_load %arg10[%get3A_362, %get3A_363] {strides = array<i32>} : memref<40x128xf32, #tpu.memory_space<vmem>>, vector<1x16xf32>,
      %get3A_365 = vector.shape_cast %get3A_364 : vector<1x16xf32> to vector<16xf32>
      %get3A_366 = arith.index_cast %scan3A_254 : i32 to index
      %get3A_367 = arith.constant 80 : index
      %get3A_368 = tpu.vector_load %arg11[%get3A_366, %get3A_367] {strides = array<i32>} : memref<40x128xf32, #tpu.memory_space<vmem>>, vector<1x16xf32>,
      %get3A_369 = vector.shape_cast %get3A_368 : vector<1x16xf32> to vector<16xf32>
      %add3A_370 = arith.addf %get3A_365, %get3A_369 : vector<16xf32>
      %get3A_371 = arith.index_cast %scan3A_254 : i32 to index
      %get3A_372 = arith.constant 80 : index
      %get3A_373 = tpu.vector_load %arg12[%get3A_371, %get3A_372] {strides = array<i32>} : memref<40x128xf32, #tpu.memory_space<vmem>>, vector<1x16xf32>,
      %get3A_374 = vector.shape_cast %get3A_373 : vector<1x16xf32> to vector<16xf32>
      %add3A_375 = arith.addf %add3A_370, %get3A_374 : vector<16xf32>
      %max3A_376 = arith.constant 0.000000e+00 : f32
      %max3A_377 = vector.broadcast %max3A_376 : f32 to vector<16xf32>
      %max3A_378 = arith.maximumf %add3A_375, %max3A_377 : vector<16xf32>
      %swap3A_379 = arith.index_cast %scan3A_254 : i32 to index
      %swap3A_380 = arith.constant 80 : index
      %swap3A_381 = tpu.vector_load %arg10[%swap3A_379, %swap3A_380] {strides = array<i32>} : memref<40x128xf32, #tpu.memory_space<vmem>>, vector<1x16xf32>,
      %swap3A_382 = vector.shape_cast %swap3A_381 : vector<1x16xf32> to vector<16xf32>
      %swap3A_383 = vector.shape_cast %max3A_378 : vector<16xf32> to vector<1x16xf32>
      tpu.vector_store %arg10[%swap3A_379, %swap3A_380], %swap3A_383 {strides = array<i32>} : memref<40x128xf32, #tpu.memory_space<vmem>>, vector<1x16xf32>,
      %get3A_384 = arith.index_cast %scan3A_254 : i32 to index
      %get3A_385 = arith.constant 96 : index
      %get3A_386 = tpu.vector_load %arg10[%get3A_384, %get3A_385] {strides = array<i32>} : memref<40x128xf32, #tpu.memory_space<vmem>>, vector<1x16xf32>,
      %get3A_387 = vector.shape_cast %get3A_386 : vector<1x16xf32> to vector<16xf32>
      %get3A_388 = arith.index_cast %scan3A_254 : i32 to index
      %get3A_389 = arith.constant 96 : index
      %get3A_390 = tpu.vector_load %arg11[%get3A_388, %get3A_389] {strides = array<i32>} : memref<40x128xf32, #tpu.memory_space<vmem>>, vector<1x16xf32>,
      %get3A_391 = vector.shape_cast %get3A_390 : vector<1x16xf32> to vector<16xf32>
      %add3A_392 = arith.addf %get3A_387, %get3A_391 : vector<16xf32>
      %get3A_393 = arith.index_cast %scan3A_254 : i32 to index
      %get3A_394 = arith.constant 96 : index
      %get3A_395 = tpu.vector_load %arg12[%get3A_393, %get3A_394] {strides = array<i32>} : memref<40x128xf32, #tpu.memory_space<vmem>>, vector<1x16xf32>,
      %get3A_396 = vector.shape_cast %get3A_395 : vector<1x16xf32> to vector<16xf32>
      %add3A_397 = arith.addf %add3A_392, %get3A_396 : vector<16xf32>
      %max3A_398 = arith.constant 0.000000e+00 : f32
      %max3A_399 = vector.broadcast %max3A_398 : f32 to vector<16xf32>
      %max3A_400 = arith.maximumf %add3A_397, %max3A_399 : vector<16xf32>
      %swap3A_401 = arith.index_cast %scan3A_254 : i32 to index
      %swap3A_402 = arith.constant 96 : index
      %swap3A_403 = tpu.vector_load %arg10[%swap3A_401, %swap3A_402] {strides = array<i32>} : memref<40x128xf32, #tpu.memory_space<vmem>>, vector<1x16xf32>,
      %swap3A_404 = vector.shape_cast %swap3A_403 : vector<1x16xf32> to vector<16xf32>
      %swap3A_405 = vector.shape_cast %max3A_400 : vector<16xf32> to vector<1x16xf32>
      tpu.vector_store %arg10[%swap3A_401, %swap3A_402], %swap3A_405 {strides = array<i32>} : memref<40x128xf32, #tpu.memory_space<vmem>>, vector<1x16xf32>,
      %get3A_406 = arith.index_cast %scan3A_254 : i32 to index
      %get3A_407 = arith.constant 112 : index
      %get3A_408 = tpu.vector_load %arg10[%get3A_406, %get3A_407] {strides = array<i32>} : memref<40x128xf32, #tpu.memory_space<vmem>>, vector<1x16xf32>,
      %get3A_409 = vector.shape_cast %get3A_408 : vector<1x16xf32> to vector<16xf32>
      %get3A_410 = arith.index_cast %scan3A_254 : i32 to index
      %get3A_411 = arith.constant 112 : index
      %get3A_412 = tpu.vector_load %arg11[%get3A_410, %get3A_411] {strides = array<i32>} : memref<40x128xf32, #tpu.memory_space<vmem>>, vector<1x16xf32>,
      %get3A_413 = vector.shape_cast %get3A_412 : vector<1x16xf32> to vector<16xf32>
      %add3A_414 = arith.addf %get3A_409, %get3A_413 : vector<16xf32>
      %get3A_415 = arith.index_cast %scan3A_254 : i32 to index
      %get3A_416 = arith.constant 112 : index
      %get3A_417 = tpu.vector_load %arg12[%get3A_415, %get3A_416] {strides = array<i32>} : memref<40x128xf32, #tpu.memory_space<vmem>>, vector<1x16xf32>,
      %get3A_418 = vector.shape_cast %get3A_417 : vector<1x16xf32> to vector<16xf32>
      %add3A_419 = arith.addf %add3A_414, %get3A_418 : vector<16xf32>
      %max3A_420 = arith.constant 0.000000e+00 : f32
      %max3A_421 = vector.broadcast %max3A_420 : f32 to vector<16xf32>
      %max3A_422 = arith.maximumf %add3A_419, %max3A_421 : vector<16xf32>
      %swap3A_423 = arith.index_cast %scan3A_254 : i32 to index
      %swap3A_424 = arith.constant 112 : index
      %swap3A_425 = tpu.vector_load %arg10[%swap3A_423, %swap3A_424] {strides = array<i32>} : memref<40x128xf32, #tpu.memory_space<vmem>>, vector<1x16xf32>,
      %swap3A_426 = vector.shape_cast %swap3A_425 : vector<1x16xf32> to vector<16xf32>
      %swap3A_427 = vector.shape_cast %max3A_422 : vector<16xf32> to vector<1x16xf32>
      tpu.vector_store %arg10[%swap3A_423, %swap3A_424], %swap3A_427 {strides = array<i32>} : memref<40x128xf32, #tpu.memory_space<vmem>>, vector<1x16xf32>,
    }
    %scan3A_217 = arith.constant 40 : i32
    %run_scoped3A = arith.constant 1 : i32
    "tpu.region"() ({
      %run_scoped3A_254 = tpu.sem_alloc : memref<!tpu.dma_semaphore, #tpu.memory_space<semaphore_mem>>
      %dma_start3A_255 = arith.constant 0 : i32
      %dma_start3A_256 = tpu.memref_slice %arg8[%run_scoped3A, %dma_start3A_255] : memref<2x40xi32, #tpu.memory_space<vmem>> -> memref<1x40xi32, #tpu.memory_space<vmem>>
      %dma_start3A_257 = tpu.memref_squeeze %dma_start3A_256 : memref<1x40xi32, #tpu.memory_space<vmem>> -> memref<40xi32, #tpu.memory_space<vmem>>
      %dma_start3A_258 = arith.constant 0 : i32
      %dma_start3A_259 = arith.constant 0 : i32
      %dma_start3A_260 = tpu.memref_slice %arg16[%dma_start3A_258, %dma_start3A_259] : memref<10000x128xf32, #tpu.memory_space<vmem_shared>> -> memref<10000x128xf32, #tpu.memory_space<vmem_shared>>
      tpu.enqueue_indirect_dma source(%arg10 : memref<40x128xf32, #tpu.memory_space<vmem>>) target(%dma_start3A_260 : memref<10000x128xf32, #tpu.memory_space<vmem_shared>>) offsets(%dma_start3A_257 : memref<40xi32, #tpu.memory_space<vmem>>) semaphore(%run_scoped3A_254 : memref<!tpu.dma_semaphore, #tpu.memory_space<semaphore_mem>>) {add = true}
      %dma_wait3A_261 = arith.constant 0 : i32
      %dma_wait3A_262 = tpu.memref_slice %arg8[%run_scoped3A, %dma_wait3A_261] : memref<2x40xi32, #tpu.memory_space<vmem>> -> memref<1x40xi32, #tpu.memory_space<vmem>>
      %dma_wait3A_263 = tpu.memref_squeeze %dma_wait3A_262 : memref<1x40xi32, #tpu.memory_space<vmem>> -> memref<40xi32, #tpu.memory_space<vmem>>
      %dma_wait3A_264 = arith.constant 0 : i32
      %dma_wait3A_265 = arith.constant 0 : i32
      %dma_wait3A_266 = tpu.memref_slice %arg16[%dma_wait3A_264, %dma_wait3A_265] : memref<10000x128xf32, #tpu.memory_space<vmem_shared>> -> memref<10000x128xf32, #tpu.memory_space<vmem_shared>>
      tpu.wait_indirect_dma semaphore(%run_scoped3A_254 : memref<!tpu.dma_semaphore, #tpu.memory_space<semaphore_mem>>) src(%arg10 : memref<40x128xf32, #tpu.memory_space<vmem>>) dst(%dma_wait3A_266 : memref<10000x128xf32, #tpu.memory_space<vmem_shared>>)
      tpu.yield
    }) : () -> ()
    %dma_wait3A_218 = arith.constant 0 : i32
    %dma_wait3A_219 = arith.constant 0 : i32
    %dma_wait3A_220 = tpu.memref_slice %arg9[%dma_wait3A_218, %dma_wait3A_219] : memref<2x40xi32, #tpu.memory_space<vmem>> -> memref<1x40xi32, #tpu.memory_space<vmem>>
    %dma_wait3A_221 = tpu.memref_squeeze %dma_wait3A_220 : memref<1x40xi32, #tpu.memory_space<vmem>> -> memref<40xi32, #tpu.memory_space<vmem>>
    %dma_wait3A_222 = arith.constant 0 : i32
    %dma_wait3A_223 = arith.constant 0 : i32
    %dma_wait3A_224 = tpu.memref_slice %arg2[%dma_wait3A_222, %dma_wait3A_223] : memref<10000x128xf32, #tpu.memory_space<hbm>> -> memref<10000x128xf32, #tpu.memory_space<hbm>>
    tpu.wait_indirect_dma semaphore(%arg18 : memref<!tpu.dma_semaphore, #tpu.memory_space<semaphore_mem>>) src(%dma_wait3A_224 : memref<10000x128xf32, #tpu.memory_space<hbm>>) dst(%arg13 : memref<40x128xf32, #tpu.memory_space<vmem>>)
    %dma_wait3A_225 = arith.constant 1 : i32
    %dma_wait3A_226 = arith.constant 0 : i32
    %dma_wait3A_227 = tpu.memref_slice %arg9[%dma_wait3A_225, %dma_wait3A_226] : memref<2x40xi32, #tpu.memory_space<vmem>> -> memref<1x40xi32, #tpu.memory_space<vmem>>
    %dma_wait3A_228 = tpu.memref_squeeze %dma_wait3A_227 : memref<1x40xi32, #tpu.memory_space<vmem>> -> memref<40xi32, #tpu.memory_space<vmem>>
    %dma_wait3A_229 = arith.constant 0 : i32
    %dma_wait3A_230 = arith.constant 0 : i32
    %dma_wait3A_231 = tpu.memref_slice %arg3[%dma_wait3A_229, %dma_wait3A_230] : memref<10000x128xf32, #tpu.memory_space<hbm>> -> memref<10000x128xf32, #tpu.memory_space<hbm>>
    tpu.wait_indirect_dma semaphore(%arg18 : memref<!tpu.dma_semaphore, #tpu.memory_space<semaphore_mem>>) src(%dma_wait3A_231 : memref<10000x128xf32, #tpu.memory_space<hbm>>) dst(%arg14 : memref<40x128xf32, #tpu.memory_space<vmem>>)
    %dma_wait3A_232 = arith.constant 0 : i32
    %dma_wait3A_233 = arith.constant 0 : i32
    %dma_wait3A_234 = arith.constant 0 : i32
    %dma_wait3A_235 = tpu.memref_slice %arg6[%dma_wait3A_232, %dma_wait3A_233, %dma_wait3A_234] : memref<8000x40x128xf32, #tpu.memory_space<hbm>> -> memref<1x40x128xf32, #tpu.memory_space<hbm>>
    %dma_wait3A_236 = tpu.memref_squeeze %dma_wait3A_235 : memref<1x40x128xf32, #tpu.memory_space<hbm>> -> memref<40x128xf32, #tpu.memory_space<hbm>>
    %dma_wait3A_237 = arith.constant 0 : i32
    %dma_wait3A_238 = arith.constant 0 : i32
    %dma_wait3A_239 = tpu.memref_slice %arg6[%dma_wait3A_232, %dma_wait3A_237, %dma_wait3A_238] : memref<8000x40x128xf32, #tpu.memory_space<hbm>> -> memref<1x40x128xf32, #tpu.memory_space<hbm>>
    %dma_wait3A_240 = tpu.memref_squeeze %dma_wait3A_239 : memref<1x40x128xf32, #tpu.memory_space<hbm>> -> memref<40x128xf32, #tpu.memory_space<hbm>>
    tpu.wait_dma2 semaphore(%arg18 : memref<!tpu.dma_semaphore, #tpu.memory_space<semaphore_mem>>) src(%dma_wait3A_240 : memref<40x128xf32, #tpu.memory_space<hbm>>) dst(%arg15 : memref<40x128xf32, #tpu.memory_space<vmem>>)
    %scan3A_241 = arith.constant 0 : i32
    %scan3A_242 = arith.constant 0 : i32
    %scan3A_243 = arith.constant 40 : i32
    %scan3A_244 = arith.addi %scan3A_242, %scan3A_243 : i32
    %scan3A_245 = arith.constant 1 : i32
    scf.for %scan3A_254 = %scan3A_242 to %scan3A_244 step %scan3A_245  : i32 {
      %get3A = arith.index_cast %scan3A_254 : i32 to index
      %get3A_255 = arith.constant 0 : index
      %get3A_256 = tpu.vector_load %arg13[%get3A, %get3A_255] {strides = array<i32>} : memref<40x128xf32, #tpu.memory_space<vmem>>, vector<1x16xf32>,
      %get3A_257 = vector.shape_cast %get3A_256 : vector<1x16xf32> to vector<16xf32>
      %get3A_258 = arith.index_cast %scan3A_254 : i32 to index
      %get3A_259 = arith.constant 0 : index
      %get3A_260 = tpu.vector_load %arg14[%get3A_258, %get3A_259] {strides = array<i32>} : memref<40x128xf32, #tpu.memory_space<vmem>>, vector<1x16xf32>,
      %get3A_261 = vector.shape_cast %get3A_260 : vector<1x16xf32> to vector<16xf32>
      %add3A_262 = arith.addf %get3A_257, %get3A_261 : vector<16xf32>
      %get3A_263 = arith.index_cast %scan3A_254 : i32 to index
      %get3A_264 = arith.constant 0 : index
      %get3A_265 = tpu.vector_load %arg15[%get3A_263, %get3A_264] {strides = array<i32>} : memref<40x128xf32, #tpu.memory_space<vmem>>, vector<1x16xf32>,
      %get3A_266 = vector.shape_cast %get3A_265 : vector<1x16xf32> to vector<16xf32>
      %add3A_267 = arith.addf %add3A_262, %get3A_266 : vector<16xf32>
      %max3A = arith.constant 0.000000e+00 : f32
      %max3A_268 = vector.broadcast %max3A : f32 to vector<16xf32>
      %max3A_269 = arith.maximumf %add3A_267, %max3A_268 : vector<16xf32>
      %swap3A = arith.index_cast %scan3A_254 : i32 to index
      %swap3A_270 = arith.constant 0 : index
      %swap3A_271 = tpu.vector_load %arg13[%swap3A, %swap3A_270] {strides = array<i32>} : memref<40x128xf32, #tpu.memory_space<vmem>>, vector<1x16xf32>,
      %swap3A_272 = vector.shape_cast %swap3A_271 : vector<1x16xf32> to vector<16xf32>
      %swap3A_273 = vector.shape_cast %max3A_269 : vector<16xf32> to vector<1x16xf32>
      tpu.vector_store %arg13[%swap3A, %swap3A_270], %swap3A_273 {strides = array<i32>} : memref<40x128xf32, #tpu.memory_space<vmem>>, vector<1x16xf32>,
      %get3A_274 = arith.index_cast %scan3A_254 : i32 to index
      %get3A_275 = arith.constant 16 : index
      %get3A_276 = tpu.vector_load %arg13[%get3A_274, %get3A_275] {strides = array<i32>} : memref<40x128xf32, #tpu.memory_space<vmem>>, vector<1x16xf32>,
      %get3A_277 = vector.shape_cast %get3A_276 : vector<1x16xf32> to vector<16xf32>
      %get3A_278 = arith.index_cast %scan3A_254 : i32 to index
      %get3A_279 = arith.constant 16 : index
      %get3A_280 = tpu.vector_load %arg14[%get3A_278, %get3A_279] {strides = array<i32>} : memref<40x128xf32, #tpu.memory_space<vmem>>, vector<1x16xf32>,
      %get3A_281 = vector.shape_cast %get3A_280 : vector<1x16xf32> to vector<16xf32>
      %add3A_282 = arith.addf %get3A_277, %get3A_281 : vector<16xf32>
      %get3A_283 = arith.index_cast %scan3A_254 : i32 to index
      %get3A_284 = arith.constant 16 : index
      %get3A_285 = tpu.vector_load %arg15[%get3A_283, %get3A_284] {strides = array<i32>} : memref<40x128xf32, #tpu.memory_space<vmem>>, vector<1x16xf32>,
      %get3A_286 = vector.shape_cast %get3A_285 : vector<1x16xf32> to vector<16xf32>
      %add3A_287 = arith.addf %add3A_282, %get3A_286 : vector<16xf32>
      %max3A_288 = arith.constant 0.000000e+00 : f32
      %max3A_289 = vector.broadcast %max3A_288 : f32 to vector<16xf32>
      %max3A_290 = arith.maximumf %add3A_287, %max3A_289 : vector<16xf32>
      %swap3A_291 = arith.index_cast %scan3A_254 : i32 to index
      %swap3A_292 = arith.constant 16 : index
      %swap3A_293 = tpu.vector_load %arg13[%swap3A_291, %swap3A_292] {strides = array<i32>} : memref<40x128xf32, #tpu.memory_space<vmem>>, vector<1x16xf32>,
      %swap3A_294 = vector.shape_cast %swap3A_293 : vector<1x16xf32> to vector<16xf32>
      %swap3A_295 = vector.shape_cast %max3A_290 : vector<16xf32> to vector<1x16xf32>
      tpu.vector_store %arg13[%swap3A_291, %swap3A_292], %swap3A_295 {strides = array<i32>} : memref<40x128xf32, #tpu.memory_space<vmem>>, vector<1x16xf32>,
      %get3A_296 = arith.index_cast %scan3A_254 : i32 to index
      %get3A_297 = arith.constant 32 : index
      %get3A_298 = tpu.vector_load %arg13[%get3A_296, %get3A_297] {strides = array<i32>} : memref<40x128xf32, #tpu.memory_space<vmem>>, vector<1x16xf32>,
      %get3A_299 = vector.shape_cast %get3A_298 : vector<1x16xf32> to vector<16xf32>
      %get3A_300 = arith.index_cast %scan3A_254 : i32 to index
      %get3A_301 = arith.constant 32 : index
      %get3A_302 = tpu.vector_load %arg14[%get3A_300, %get3A_301] {strides = array<i32>} : memref<40x128xf32, #tpu.memory_space<vmem>>, vector<1x16xf32>,
      %get3A_303 = vector.shape_cast %get3A_302 : vector<1x16xf32> to vector<16xf32>
      %add3A_304 = arith.addf %get3A_299, %get3A_303 : vector<16xf32>
      %get3A_305 = arith.index_cast %scan3A_254 : i32 to index
      %get3A_306 = arith.constant 32 : index
      %get3A_307 = tpu.vector_load %arg15[%get3A_305, %get3A_306] {strides = array<i32>} : memref<40x128xf32, #tpu.memory_space<vmem>>, vector<1x16xf32>,
      %get3A_308 = vector.shape_cast %get3A_307 : vector<1x16xf32> to vector<16xf32>
      %add3A_309 = arith.addf %add3A_304, %get3A_308 : vector<16xf32>
      %max3A_310 = arith.constant 0.000000e+00 : f32
      %max3A_311 = vector.broadcast %max3A_310 : f32 to vector<16xf32>
      %max3A_312 = arith.maximumf %add3A_309, %max3A_311 : vector<16xf32>
      %swap3A_313 = arith.index_cast %scan3A_254 : i32 to index
      %swap3A_314 = arith.constant 32 : index
      %swap3A_315 = tpu.vector_load %arg13[%swap3A_313, %swap3A_314] {strides = array<i32>} : memref<40x128xf32, #tpu.memory_space<vmem>>, vector<1x16xf32>,
      %swap3A_316 = vector.shape_cast %swap3A_315 : vector<1x16xf32> to vector<16xf32>
      %swap3A_317 = vector.shape_cast %max3A_312 : vector<16xf32> to vector<1x16xf32>
      tpu.vector_store %arg13[%swap3A_313, %swap3A_314], %swap3A_317 {strides = array<i32>} : memref<40x128xf32, #tpu.memory_space<vmem>>, vector<1x16xf32>,
      %get3A_318 = arith.index_cast %scan3A_254 : i32 to index
      %get3A_319 = arith.constant 48 : index
      %get3A_320 = tpu.vector_load %arg13[%get3A_318, %get3A_319] {strides = array<i32>} : memref<40x128xf32, #tpu.memory_space<vmem>>, vector<1x16xf32>,
      %get3A_321 = vector.shape_cast %get3A_320 : vector<1x16xf32> to vector<16xf32>
      %get3A_322 = arith.index_cast %scan3A_254 : i32 to index
      %get3A_323 = arith.constant 48 : index
      %get3A_324 = tpu.vector_load %arg14[%get3A_322, %get3A_323] {strides = array<i32>} : memref<40x128xf32, #tpu.memory_space<vmem>>, vector<1x16xf32>,
      %get3A_325 = vector.shape_cast %get3A_324 : vector<1x16xf32> to vector<16xf32>
      %add3A_326 = arith.addf %get3A_321, %get3A_325 : vector<16xf32>
      %get3A_327 = arith.index_cast %scan3A_254 : i32 to index
      %get3A_328 = arith.constant 48 : index
      %get3A_329 = tpu.vector_load %arg15[%get3A_327, %get3A_328] {strides = array<i32>} : memref<40x128xf32, #tpu.memory_space<vmem>>, vector<1x16xf32>,
      %get3A_330 = vector.shape_cast %get3A_329 : vector<1x16xf32> to vector<16xf32>
      %add3A_331 = arith.addf %add3A_326, %get3A_330 : vector<16xf32>
      %max3A_332 = arith.constant 0.000000e+00 : f32
      %max3A_333 = vector.broadcast %max3A_332 : f32 to vector<16xf32>
      %max3A_334 = arith.maximumf %add3A_331, %max3A_333 : vector<16xf32>
      %swap3A_335 = arith.index_cast %scan3A_254 : i32 to index
      %swap3A_336 = arith.constant 48 : index
      %swap3A_337 = tpu.vector_load %arg13[%swap3A_335, %swap3A_336] {strides = array<i32>} : memref<40x128xf32, #tpu.memory_space<vmem>>, vector<1x16xf32>,
      %swap3A_338 = vector.shape_cast %swap3A_337 : vector<1x16xf32> to vector<16xf32>
      %swap3A_339 = vector.shape_cast %max3A_334 : vector<16xf32> to vector<1x16xf32>
      tpu.vector_store %arg13[%swap3A_335, %swap3A_336], %swap3A_339 {strides = array<i32>} : memref<40x128xf32, #tpu.memory_space<vmem>>, vector<1x16xf32>,
      %get3A_340 = arith.index_cast %scan3A_254 : i32 to index
      %get3A_341 = arith.constant 64 : index
      %get3A_342 = tpu.vector_load %arg13[%get3A_340, %get3A_341] {strides = array<i32>} : memref<40x128xf32, #tpu.memory_space<vmem>>, vector<1x16xf32>,
      %get3A_343 = vector.shape_cast %get3A_342 : vector<1x16xf32> to vector<16xf32>
      %get3A_344 = arith.index_cast %scan3A_254 : i32 to index
      %get3A_345 = arith.constant 64 : index
      %get3A_346 = tpu.vector_load %arg14[%get3A_344, %get3A_345] {strides = array<i32>} : memref<40x128xf32, #tpu.memory_space<vmem>>, vector<1x16xf32>,
      %get3A_347 = vector.shape_cast %get3A_346 : vector<1x16xf32> to vector<16xf32>
      %add3A_348 = arith.addf %get3A_343, %get3A_347 : vector<16xf32>
      %get3A_349 = arith.index_cast %scan3A_254 : i32 to index
      %get3A_350 = arith.constant 64 : index
      %get3A_351 = tpu.vector_load %arg15[%get3A_349, %get3A_350] {strides = array<i32>} : memref<40x128xf32, #tpu.memory_space<vmem>>, vector<1x16xf32>,
      %get3A_352 = vector.shape_cast %get3A_351 : vector<1x16xf32> to vector<16xf32>
      %add3A_353 = arith.addf %add3A_348, %get3A_352 : vector<16xf32>
      %max3A_354 = arith.constant 0.000000e+00 : f32
      %max3A_355 = vector.broadcast %max3A_354 : f32 to vector<16xf32>
      %max3A_356 = arith.maximumf %add3A_353, %max3A_355 : vector<16xf32>
      %swap3A_357 = arith.index_cast %scan3A_254 : i32 to index
      %swap3A_358 = arith.constant 64 : index
      %swap3A_359 = tpu.vector_load %arg13[%swap3A_357, %swap3A_358] {strides = array<i32>} : memref<40x128xf32, #tpu.memory_space<vmem>>, vector<1x16xf32>,
      %swap3A_360 = vector.shape_cast %swap3A_359 : vector<1x16xf32> to vector<16xf32>
      %swap3A_361 = vector.shape_cast %max3A_356 : vector<16xf32> to vector<1x16xf32>
      tpu.vector_store %arg13[%swap3A_357, %swap3A_358], %swap3A_361 {strides = array<i32>} : memref<40x128xf32, #tpu.memory_space<vmem>>, vector<1x16xf32>,
      %get3A_362 = arith.index_cast %scan3A_254 : i32 to index
      %get3A_363 = arith.constant 80 : index
      %get3A_364 = tpu.vector_load %arg13[%get3A_362, %get3A_363] {strides = array<i32>} : memref<40x128xf32, #tpu.memory_space<vmem>>, vector<1x16xf32>,
      %get3A_365 = vector.shape_cast %get3A_364 : vector<1x16xf32> to vector<16xf32>
      %get3A_366 = arith.index_cast %scan3A_254 : i32 to index
      %get3A_367 = arith.constant 80 : index
      %get3A_368 = tpu.vector_load %arg14[%get3A_366, %get3A_367] {strides = array<i32>} : memref<40x128xf32, #tpu.memory_space<vmem>>, vector<1x16xf32>,
      %get3A_369 = vector.shape_cast %get3A_368 : vector<1x16xf32> to vector<16xf32>
      %add3A_370 = arith.addf %get3A_365, %get3A_369 : vector<16xf32>
      %get3A_371 = arith.index_cast %scan3A_254 : i32 to index
      %get3A_372 = arith.constant 80 : index
      %get3A_373 = tpu.vector_load %arg15[%get3A_371, %get3A_372] {strides = array<i32>} : memref<40x128xf32, #tpu.memory_space<vmem>>, vector<1x16xf32>,
      %get3A_374 = vector.shape_cast %get3A_373 : vector<1x16xf32> to vector<16xf32>
      %add3A_375 = arith.addf %add3A_370, %get3A_374 : vector<16xf32>
      %max3A_376 = arith.constant 0.000000e+00 : f32
      %max3A_377 = vector.broadcast %max3A_376 : f32 to vector<16xf32>
      %max3A_378 = arith.maximumf %add3A_375, %max3A_377 : vector<16xf32>
      %swap3A_379 = arith.index_cast %scan3A_254 : i32 to index
      %swap3A_380 = arith.constant 80 : index
      %swap3A_381 = tpu.vector_load %arg13[%swap3A_379, %swap3A_380] {strides = array<i32>} : memref<40x128xf32, #tpu.memory_space<vmem>>, vector<1x16xf32>,
      %swap3A_382 = vector.shape_cast %swap3A_381 : vector<1x16xf32> to vector<16xf32>
      %swap3A_383 = vector.shape_cast %max3A_378 : vector<16xf32> to vector<1x16xf32>
      tpu.vector_store %arg13[%swap3A_379, %swap3A_380], %swap3A_383 {strides = array<i32>} : memref<40x128xf32, #tpu.memory_space<vmem>>, vector<1x16xf32>,
      %get3A_384 = arith.index_cast %scan3A_254 : i32 to index
      %get3A_385 = arith.constant 96 : index
      %get3A_386 = tpu.vector_load %arg13[%get3A_384, %get3A_385] {strides = array<i32>} : memref<40x128xf32, #tpu.memory_space<vmem>>, vector<1x16xf32>,
      %get3A_387 = vector.shape_cast %get3A_386 : vector<1x16xf32> to vector<16xf32>
      %get3A_388 = arith.index_cast %scan3A_254 : i32 to index
      %get3A_389 = arith.constant 96 : index
      %get3A_390 = tpu.vector_load %arg14[%get3A_388, %get3A_389] {strides = array<i32>} : memref<40x128xf32, #tpu.memory_space<vmem>>, vector<1x16xf32>,
      %get3A_391 = vector.shape_cast %get3A_390 : vector<1x16xf32> to vector<16xf32>
      %add3A_392 = arith.addf %get3A_387, %get3A_391 : vector<16xf32>
      %get3A_393 = arith.index_cast %scan3A_254 : i32 to index
      %get3A_394 = arith.constant 96 : index
      %get3A_395 = tpu.vector_load %arg15[%get3A_393, %get3A_394] {strides = array<i32>} : memref<40x128xf32, #tpu.memory_space<vmem>>, vector<1x16xf32>,
      %get3A_396 = vector.shape_cast %get3A_395 : vector<1x16xf32> to vector<16xf32>
      %add3A_397 = arith.addf %add3A_392, %get3A_396 : vector<16xf32>
      %max3A_398 = arith.constant 0.000000e+00 : f32
      %max3A_399 = vector.broadcast %max3A_398 : f32 to vector<16xf32>
      %max3A_400 = arith.maximumf %add3A_397, %max3A_399 : vector<16xf32>
      %swap3A_401 = arith.index_cast %scan3A_254 : i32 to index
      %swap3A_402 = arith.constant 96 : index
      %swap3A_403 = tpu.vector_load %arg13[%swap3A_401, %swap3A_402] {strides = array<i32>} : memref<40x128xf32, #tpu.memory_space<vmem>>, vector<1x16xf32>,
      %swap3A_404 = vector.shape_cast %swap3A_403 : vector<1x16xf32> to vector<16xf32>
      %swap3A_405 = vector.shape_cast %max3A_400 : vector<16xf32> to vector<1x16xf32>
      tpu.vector_store %arg13[%swap3A_401, %swap3A_402], %swap3A_405 {strides = array<i32>} : memref<40x128xf32, #tpu.memory_space<vmem>>, vector<1x16xf32>,
      %get3A_406 = arith.index_cast %scan3A_254 : i32 to index
      %get3A_407 = arith.constant 112 : index
      %get3A_408 = tpu.vector_load %arg13[%get3A_406, %get3A_407] {strides = array<i32>} : memref<40x128xf32, #tpu.memory_space<vmem>>, vector<1x16xf32>,
      %get3A_409 = vector.shape_cast %get3A_408 : vector<1x16xf32> to vector<16xf32>
      %get3A_410 = arith.index_cast %scan3A_254 : i32 to index
      %get3A_411 = arith.constant 112 : index
      %get3A_412 = tpu.vector_load %arg14[%get3A_410, %get3A_411] {strides = array<i32>} : memref<40x128xf32, #tpu.memory_space<vmem>>, vector<1x16xf32>,
      %get3A_413 = vector.shape_cast %get3A_412 : vector<1x16xf32> to vector<16xf32>
      %add3A_414 = arith.addf %get3A_409, %get3A_413 : vector<16xf32>
      %get3A_415 = arith.index_cast %scan3A_254 : i32 to index
      %get3A_416 = arith.constant 112 : index
      %get3A_417 = tpu.vector_load %arg15[%get3A_415, %get3A_416] {strides = array<i32>} : memref<40x128xf32, #tpu.memory_space<vmem>>, vector<1x16xf32>,
      %get3A_418 = vector.shape_cast %get3A_417 : vector<1x16xf32> to vector<16xf32>
      %add3A_419 = arith.addf %add3A_414, %get3A_418 : vector<16xf32>
      %max3A_420 = arith.constant 0.000000e+00 : f32
      %max3A_421 = vector.broadcast %max3A_420 : f32 to vector<16xf32>
      %max3A_422 = arith.maximumf %add3A_419, %max3A_421 : vector<16xf32>
      %swap3A_423 = arith.index_cast %scan3A_254 : i32 to index
      %swap3A_424 = arith.constant 112 : index
      %swap3A_425 = tpu.vector_load %arg13[%swap3A_423, %swap3A_424] {strides = array<i32>} : memref<40x128xf32, #tpu.memory_space<vmem>>, vector<1x16xf32>,
      %swap3A_426 = vector.shape_cast %swap3A_425 : vector<1x16xf32> to vector<16xf32>
      %swap3A_427 = vector.shape_cast %max3A_422 : vector<16xf32> to vector<1x16xf32>
      tpu.vector_store %arg13[%swap3A_423, %swap3A_424], %swap3A_427 {strides = array<i32>} : memref<40x128xf32, #tpu.memory_space<vmem>>, vector<1x16xf32>,
    }
    %scan3A_246 = arith.constant 40 : i32
    %run_scoped3A_247 = arith.constant 1 : i32
    "tpu.region"() ({
      %run_scoped3A_254 = tpu.sem_alloc : memref<!tpu.dma_semaphore, #tpu.memory_space<semaphore_mem>>
      %dma_start3A_255 = arith.constant 0 : i32
      %dma_start3A_256 = tpu.memref_slice %arg9[%run_scoped3A_247, %dma_start3A_255] : memref<2x40xi32, #tpu.memory_space<vmem>> -> memref<1x40xi32, #tpu.memory_space<vmem>>
      %dma_start3A_257 = tpu.memref_squeeze %dma_start3A_256 : memref<1x40xi32, #tpu.memory_space<vmem>> -> memref<40xi32, #tpu.memory_space<vmem>>
      %dma_start3A_258 = arith.constant 0 : i32
      %dma_start3A_259 = arith.constant 0 : i32
      %dma_start3A_260 = tpu.memref_slice %arg16[%dma_start3A_258, %dma_start3A_259] : memref<10000x128xf32, #tpu.memory_space<vmem_shared>> -> memref<10000x128xf32, #tpu.memory_space<vmem_shared>>
      tpu.enqueue_indirect_dma source(%arg13 : memref<40x128xf32, #tpu.memory_space<vmem>>) target(%dma_start3A_260 : memref<10000x128xf32, #tpu.memory_space<vmem_shared>>) offsets(%dma_start3A_257 : memref<40xi32, #tpu.memory_space<vmem>>) semaphore(%run_scoped3A_254 : memref<!tpu.dma_semaphore, #tpu.memory_space<semaphore_mem>>) {add = true}
      %dma_wait3A_261 = arith.constant 0 : i32
      %dma_wait3A_262 = tpu.memref_slice %arg9[%run_scoped3A_247, %dma_wait3A_261] : memref<2x40xi32, #tpu.memory_space<vmem>> -> memref<1x40xi32, #tpu.memory_space<vmem>>
      %dma_wait3A_263 = tpu.memref_squeeze %dma_wait3A_262 : memref<1x40xi32, #tpu.memory_space<vmem>> -> memref<40xi32, #tpu.memory_space<vmem>>
      %dma_wait3A_264 = arith.constant 0 : i32
      %dma_wait3A_265 = arith.constant 0 : i32
      %dma_wait3A_266 = tpu.memref_slice %arg16[%dma_wait3A_264, %dma_wait3A_265] : memref<10000x128xf32, #tpu.memory_space<vmem_shared>> -> memref<10000x128xf32, #tpu.memory_space<vmem_shared>>
      tpu.wait_indirect_dma semaphore(%run_scoped3A_254 : memref<!tpu.dma_semaphore, #tpu.memory_space<semaphore_mem>>) src(%arg13 : memref<40x128xf32, #tpu.memory_space<vmem>>) dst(%dma_wait3A_266 : memref<10000x128xf32, #tpu.memory_space<vmem_shared>>)
      tpu.yield
    }) : () -> ()
    %barrier3A_248 = arith.constant 0 : index
    tpu.barrier barrier_id(%barrier3A_248)
    "tpu.region"() ({
      %run_scoped3A_254 = tpu.sem_alloc : memref<!tpu.dma_semaphore, #tpu.memory_space<semaphore_mem>>
      %dma_start3A_255 = arith.constant 0 : i32
      %dma_start3A_256 = tpu.memref_slice %arg7[%arg0, %mul3A_7, %dma_start3A_255] : memref<2x10000x128xf32, #tpu.memory_space<hbm>> -> memref<1x624x128xf32, #tpu.memory_space<hbm>>
      %dma_start3A_257 = tpu.memref_squeeze %dma_start3A_256 : memref<1x624x128xf32, #tpu.memory_space<hbm>> -> memref<624x128xf32, #tpu.memory_space<hbm>>
      %dma_start3A_258 = arith.constant 0 : i32
      %dma_start3A_259 = tpu.memref_slice %arg16[%mul3A_7, %dma_start3A_258] : memref<10000x128xf32, #tpu.memory_space<vmem_shared>> -> memref<624x128xf32, #tpu.memory_space<vmem_shared>>
      tpu.enqueue_dma source(%dma_start3A_259 : memref<624x128xf32, #tpu.memory_space<vmem_shared>>) target(%dma_start3A_257 : memref<624x128xf32, #tpu.memory_space<hbm>>) target_semaphore(%run_scoped3A_254 : memref<!tpu.dma_semaphore, #tpu.memory_space<semaphore_mem>>)
      %dma_wait3A_260 = arith.constant 0 : i32
      %dma_wait3A_261 = tpu.memref_slice %arg7[%arg0, %mul3A_7, %dma_wait3A_260] : memref<2x10000x128xf32, #tpu.memory_space<hbm>> -> memref<1x624x128xf32, #tpu.memory_space<hbm>>
      %dma_wait3A_262 = tpu.memref_squeeze %dma_wait3A_261 : memref<1x624x128xf32, #tpu.memory_space<hbm>> -> memref<624x128xf32, #tpu.memory_space<hbm>>
      %dma_wait3A_263 = arith.constant 0 : i32
      %dma_wait3A_264 = tpu.memref_slice %arg16[%mul3A_7, %dma_wait3A_263] : memref<10000x128xf32, #tpu.memory_space<vmem_shared>> -> memref<624x128xf32, #tpu.memory_space<vmem_shared>>
      tpu.wait_dma2 semaphore(%run_scoped3A_254 : memref<!tpu.dma_semaphore, #tpu.memory_space<semaphore_mem>>) src(%dma_wait3A_264 : memref<624x128xf32, #tpu.memory_space<vmem_shared>>) dst(%dma_wait3A_262 : memref<624x128xf32, #tpu.memory_space<hbm>>)
      tpu.yield
    }) : () -> ()
    %eq3A_249 = arith.constant 15 : i32
    %eq3A_250 = arith.cmpi eq, %arg1, %eq3A_249 : i32
    %convert_element_type3A_251 = arith.extui %eq3A_250 : i1 to i32
    %cond3A_252 = arith.constant 0 : i32
    %cond3A_253 = arith.cmpi ne, %convert_element_type3A_251, %cond3A_252 : i32
    scf.if %cond3A_253 {
      "tpu.region"() ({
        %run_scoped3A_254 = tpu.sem_alloc : memref<!tpu.dma_semaphore, #tpu.memory_space<semaphore_mem>>
        %dma_start3A_255 = arith.constant 9984 : i32
        %dma_start3A_256 = arith.constant 0 : i32
        %dma_start3A_257 = tpu.memref_slice %arg7[%arg0, %dma_start3A_255, %dma_start3A_256] : memref<2x10000x128xf32, #tpu.memory_space<hbm>> -> memref<1x16x128xf32, #tpu.memory_space<hbm>>
        %dma_start3A_258 = tpu.memref_squeeze %dma_start3A_257 : memref<1x16x128xf32, #tpu.memory_space<hbm>> -> memref<16x128xf32, #tpu.memory_space<hbm>>
        %dma_start3A_259 = arith.constant 9984 : i32
        %dma_start3A_260 = arith.constant 0 : i32
        %dma_start3A_261 = tpu.memref_slice %arg16[%dma_start3A_259, %dma_start3A_260] : memref<10000x128xf32, #tpu.memory_space<vmem_shared>> -> memref<16x128xf32, #tpu.memory_space<vmem_shared>>
        tpu.enqueue_dma source(%dma_start3A_261 : memref<16x128xf32, #tpu.memory_space<vmem_shared>>) target(%dma_start3A_258 : memref<16x128xf32, #tpu.memory_space<hbm>>) target_semaphore(%run_scoped3A_254 : memref<!tpu.dma_semaphore, #tpu.memory_space<semaphore_mem>>)
        %dma_wait3A_262 = arith.constant 9984 : i32
        %dma_wait3A_263 = arith.constant 0 : i32
        %dma_wait3A_264 = tpu.memref_slice %arg7[%arg0, %dma_wait3A_262, %dma_wait3A_263] : memref<2x10000x128xf32, #tpu.memory_space<hbm>> -> memref<1x16x128xf32, #tpu.memory_space<hbm>>
        %dma_wait3A_265 = tpu.memref_squeeze %dma_wait3A_264 : memref<1x16x128xf32, #tpu.memory_space<hbm>> -> memref<16x128xf32, #tpu.memory_space<hbm>>
        %dma_wait3A_266 = arith.constant 9984 : i32
        %dma_wait3A_267 = arith.constant 0 : i32
        %dma_wait3A_268 = tpu.memref_slice %arg16[%dma_wait3A_266, %dma_wait3A_267] : memref<10000x128xf32, #tpu.memory_space<vmem_shared>> -> memref<16x128xf32, #tpu.memory_space<vmem_shared>>
        tpu.wait_dma2 semaphore(%run_scoped3A_254 : memref<!tpu.dma_semaphore, #tpu.memory_space<semaphore_mem>>) src(%dma_wait3A_268 : memref<16x128xf32, #tpu.memory_space<vmem_shared>>) dst(%dma_wait3A_265 : memref<16x128xf32, #tpu.memory_space<hbm>>)
        tpu.yield
      }) : () -> ()
    } else {
    }
    return
  }
}

module attributes {stable_mosaic.version = 14 : i64} {
  func.func @_split_body(%arg0: i32, %arg1: memref<2x320000xi32, #tpu.memory_space<vmem>>, %arg2: memref<320000xi32, #tpu.memory_space<vmem>>, %arg3: memref<320000xi32, #tpu.memory_space<vmem>>) attributes {dimension_semantics = [#tpu.dimension_semantics<arbitrary>], iteration_bounds = array<i64: 1>, scalar_prefetch = 0 : i64, scratch_operands = 0 : i64, tpu.core_type = #tpu.core_type<tc>, window_params = [{transform_indices = @transform_0, window_bounds = array<i64: 2, 320000>}, {transform_indices = @transform_1, window_bounds = array<i64: 320000>}, {transform_indices = @transform_2, window_bounds = array<i64: 320000>}]} {
    %get3A = arith.constant 0 : index
    %get3A_0 = arith.constant 0 : index
    %get3A_1 = vector.load %arg1[%get3A, %get3A_0] : memref<2x320000xi32, #tpu.memory_space<vmem>>, vector<1x320000xi32>
    %get3A_2 = vector.shape_cast %get3A_1 : vector<1x320000xi32> to vector<320000xi32>
    %swap3A = arith.constant 0 : index
    %swap3A_3 = vector.load %arg2[%swap3A] : memref<320000xi32, #tpu.memory_space<vmem>>, vector<320000xi32>
    tpu.vector_store %arg2[%swap3A], %get3A_2 {strides = array<i32>} : memref<320000xi32, #tpu.memory_space<vmem>>, vector<320000xi32>,
    %get3A_4 = arith.constant 1 : index
    %get3A_5 = arith.constant 0 : index
    %get3A_6 = vector.load %arg1[%get3A_4, %get3A_5] : memref<2x320000xi32, #tpu.memory_space<vmem>>, vector<1x320000xi32>
    %get3A_7 = vector.shape_cast %get3A_6 : vector<1x320000xi32> to vector<320000xi32>
    %swap3A_8 = arith.constant 0 : index
    %swap3A_9 = vector.load %arg3[%swap3A_8] : memref<320000xi32, #tpu.memory_space<vmem>>, vector<320000xi32>
    tpu.vector_store %arg3[%swap3A_8], %get3A_7 {strides = array<i32>} : memref<320000xi32, #tpu.memory_space<vmem>>, vector<320000xi32>,
    return
  }
  func.func @transform_0(%arg0: i32) -> (i32, i32) {
    %c0_i32 = arith.constant 0 : i32
    %c0_i32_0 = arith.constant 0 : i32
    return %c0_i32, %arg0 : i32, i32
  }
  func.func @transform_1(%arg0: i32) -> i32 {
    %c0_i32 = arith.constant 0 : i32
    return %arg0 : i32
  }
  func.func @transform_2(%arg0: i32) -> i32 {
    %c0_i32 = arith.constant 0 : i32
    return %arg0 : i32
  }
}

module attributes {stable_mosaic.version = 14 : i64} {
  func.func @_proj_body(%arg0: i32, %arg1: memref<1000x128xf32, #tpu.memory_space<vmem>>, %arg2: memref<128x128xf32, #tpu.memory_space<vmem>>, %arg3: memref<128x128xf32, #tpu.memory_space<vmem>>, %arg4: memref<128xf32, #tpu.memory_space<vmem>>, %arg5: memref<1000x128xf32, #tpu.memory_space<vmem>>, %arg6: memref<1000x128xf32, #tpu.memory_space<vmem>>) attributes {dimension_semantics = [#tpu.dimension_semantics<arbitrary>], iteration_bounds = array<i64: 10>, scalar_prefetch = 0 : i64, scratch_operands = 0 : i64, tpu.core_type = #tpu.core_type<tc>, window_params = [{transform_indices = @transform_0, window_bounds = array<i64: 1000, 128>}, {transform_indices = @transform_1, window_bounds = array<i64: 128, 128>}, {transform_indices = @transform_2, window_bounds = array<i64: 128, 128>}, {pipeline_mode = #tpu.pipeline_mode<synchronous>, transform_indices = @transform_3, window_bounds = array<i64: 128>}, {transform_indices = @transform_4, window_bounds = array<i64: 1000, 128>}, {transform_indices = @transform_5, window_bounds = array<i64: 1000, 128>}]} {
    %get3A = arith.constant 0 : index
    %get3A_0 = arith.constant 0 : index
    %get3A_1 = vector.load %arg1[%get3A, %get3A_0] : memref<1000x128xf32, #tpu.memory_space<vmem>>, vector<1000x128xf32>
    %get3A_2 = arith.constant 0 : index
    %get3A_3 = arith.constant 0 : index
    %get3A_4 = vector.load %arg2[%get3A_2, %get3A_3] : memref<128x128xf32, #tpu.memory_space<vmem>>, vector<128x128xf32>
    %dot_general3A = arith.constant dense<0.000000e+00> : vector<1000x128xf32>
    %dot_general3A_5 = tpu.matmul %get3A_1, %get3A_4, %dot_general3A {dimension_numbers = #tpu.dot_dimension_numbers<[1], [0], [0], [1], [0, 0, 1, 1], [], []>, transpose_lhs_hint = false} : vector<1000x128xf32>, vector<128x128xf32>, vector<1000x128xf32> -> vector<1000x128xf32>
    %get3A_6 = arith.constant 0 : index
    %get3A_7 = vector.load %arg4[%get3A_6] : memref<128xf32, #tpu.memory_space<vmem>>, vector<128xf32>
    %broadcast_in_dim3A = vector.shape_cast %get3A_7 : vector<128xf32> to vector<1x128xf32>
    %add3A = vector.broadcast %broadcast_in_dim3A : vector<1x128xf32> to vector<1000x128xf32>
    %add3A_8 = arith.addf %dot_general3A_5, %add3A : vector<1000x128xf32>
    %swap3A = arith.constant 0 : index
    %swap3A_9 = arith.constant 0 : index
    %swap3A_10 = vector.load %arg5[%swap3A, %swap3A_9] : memref<1000x128xf32, #tpu.memory_space<vmem>>, vector<1000x128xf32>
    tpu.vector_store %arg5[%swap3A, %swap3A_9], %add3A_8 {strides = array<i32>} : memref<1000x128xf32, #tpu.memory_space<vmem>>, vector<1000x128xf32>,
    %get3A_11 = arith.constant 0 : index
    %get3A_12 = arith.constant 0 : index
    %get3A_13 = vector.load %arg3[%get3A_11, %get3A_12] : memref<128x128xf32, #tpu.memory_space<vmem>>, vector<128x128xf32>
    %dot_general3A_14 = arith.constant dense<0.000000e+00> : vector<1000x128xf32>
    %dot_general3A_15 = tpu.matmul %get3A_1, %get3A_13, %dot_general3A_14 {dimension_numbers = #tpu.dot_dimension_numbers<[1], [0], [0], [1], [0, 0, 1, 1], [], []>, transpose_lhs_hint = false} : vector<1000x128xf32>, vector<128x128xf32>, vector<1000x128xf32> -> vector<1000x128xf32>
    %swap3A_16 = arith.constant 0 : index
    %swap3A_17 = arith.constant 0 : index
    %swap3A_18 = vector.load %arg6[%swap3A_16, %swap3A_17] : memref<1000x128xf32, #tpu.memory_space<vmem>>, vector<1000x128xf32>
    tpu.vector_store %arg6[%swap3A_16, %swap3A_17], %dot_general3A_15 {strides = array<i32>} : memref<1000x128xf32, #tpu.memory_space<vmem>>, vector<1000x128xf32>,
    return
  }
  func.func @transform_0(%arg0: i32) -> (i32, i32) {
    %c0_i32 = arith.constant 0 : i32
    %c0_i32_0 = arith.constant 0 : i32
    return %arg0, %c0_i32 : i32, i32
  }
  func.func @transform_1(%arg0: i32) -> (i32, i32) {
    %c0_i32 = arith.constant 0 : i32
    %c0_i32_0 = arith.constant 0 : i32
    %c0_i32_1 = arith.constant 0 : i32
    return %c0_i32, %c0_i32_0 : i32, i32
  }
  func.func @transform_2(%arg0: i32) -> (i32, i32) {
    %c1_i32 = arith.constant 1 : i32
    %c0_i32 = arith.constant 0 : i32
    %c0_i32_0 = arith.constant 0 : i32
    return %c1_i32, %c0_i32 : i32, i32
  }
  func.func @transform_3(%arg0: i32) -> i32 {
    %c0_i32 = arith.constant 0 : i32
    %c0_i32_0 = arith.constant 0 : i32
    return %c0_i32 : i32
  }
  func.func @transform_4(%arg0: i32) -> (i32, i32) {
    %c0_i32 = arith.constant 0 : i32
    %c0_i32_0 = arith.constant 0 : i32
    return %arg0, %c0_i32 : i32, i32
  }
  func.func @transform_5(%arg0: i32) -> (i32, i32) {
    %c0_i32 = arith.constant 0 : i32
    %c0_i32_0 = arith.constant 0 : i32
    return %arg0, %c0_i32 : i32, i32
  }
}

module attributes {stable_mosaic.version = 14 : i64} {
  func.func @_edge_term_body(%arg0: i32, %arg1: memref<8000x4xf32, #tpu.memory_space<vmem>>, %arg2: memref<8x128xf32, #tpu.memory_space<vmem>>, %arg3: memref<8000x128xf32, #tpu.memory_space<vmem>>) attributes {dimension_semantics = [#tpu.dimension_semantics<arbitrary>], iteration_bounds = array<i64: 40>, scalar_prefetch = 0 : i64, scratch_operands = 0 : i64, tpu.core_type = #tpu.core_type<tc>, window_params = [{transform_indices = @transform_0, window_bounds = array<i64: 8000, 4>}, {transform_indices = @transform_1, window_bounds = array<i64: 8, 128>}, {transform_indices = @transform_2, window_bounds = array<i64: 8000, 128>}]} {
    %get3A = arith.constant 0 : index
    %get3A_0 = arith.constant 0 : index
    %get3A_1 = vector.load %arg1[%get3A, %get3A_0] : memref<8000x4xf32, #tpu.memory_space<vmem>>, vector<8000x4xf32>
    %get3A_2 = arith.constant 0 : index
    %get3A_3 = arith.constant 0 : index
    %get3A_4 = vector.load %arg2[%get3A_2, %get3A_3] : memref<8x128xf32, #tpu.memory_space<vmem>>, vector<4x128xf32>
    %dot_general3A = arith.constant dense<0.000000e+00> : vector<8000x128xf32>
    %dot_general3A_5 = tpu.matmul %get3A_1, %get3A_4, %dot_general3A {dimension_numbers = #tpu.dot_dimension_numbers<[1], [0], [0], [1], [0, 0, 1, 1], [], []>, transpose_lhs_hint = false} : vector<8000x4xf32>, vector<4x128xf32>, vector<8000x128xf32> -> vector<8000x128xf32>
    %swap3A = arith.constant 0 : index
    %swap3A_6 = arith.constant 0 : index
    %swap3A_7 = vector.load %arg3[%swap3A, %swap3A_6] : memref<8000x128xf32, #tpu.memory_space<vmem>>, vector<8000x128xf32>
    tpu.vector_store %arg3[%swap3A, %swap3A_6], %dot_general3A_5 {strides = array<i32>} : memref<8000x128xf32, #tpu.memory_space<vmem>>, vector<8000x128xf32>,
    return
  }
  func.func @transform_0(%arg0: i32) -> (i32, i32) {
    %c0_i32 = arith.constant 0 : i32
    %c0_i32_0 = arith.constant 0 : i32
    return %arg0, %c0_i32 : i32, i32
  }
  func.func @transform_1(%arg0: i32) -> (i32, i32) {
    %c32_i32 = arith.constant 32 : i32
    %c0_i32 = arith.constant 0 : i32
    %c0_i32_0 = arith.constant 0 : i32
    return %c32_i32, %c0_i32 : i32, i32
  }
  func.func @transform_2(%arg0: i32) -> (i32, i32) {
    %c0_i32 = arith.constant 0 : i32
    %c0_i32_0 = arith.constant 0 : i32
    return %arg0, %c0_i32 : i32, i32
  }
}

module attributes {stable_mosaic.version = 14 : i64} {
  func.func @_update_body(%arg0: i32, %arg1: memref<1000x128xf32, #tpu.memory_space<vmem>>, %arg2: memref<2x1000x128xf32, #tpu.memory_space<vmem>>, %arg3: memref<128x128xf32, #tpu.memory_space<vmem>>, %arg4: memref<128x128xf32, #tpu.memory_space<vmem>>, %arg5: memref<128xf32, #tpu.memory_space<vmem>>, %arg6: memref<1000x128xf32, #tpu.memory_space<vmem>>) attributes {dimension_semantics = [#tpu.dimension_semantics<arbitrary>], iteration_bounds = array<i64: 10>, scalar_prefetch = 0 : i64, scratch_operands = 0 : i64, tpu.core_type = #tpu.core_type<tc>, window_params = [{transform_indices = @transform_0, window_bounds = array<i64: 1000, 128>}, {transform_indices = @transform_1, window_bounds = array<i64: 2, 1000, 128>}, {transform_indices = @transform_2, window_bounds = array<i64: 128, 128>}, {transform_indices = @transform_3, window_bounds = array<i64: 128, 128>}, {pipeline_mode = #tpu.pipeline_mode<synchronous>, transform_indices = @transform_4, window_bounds = array<i64: 128>}, {transform_indices = @transform_5, window_bounds = array<i64: 1000, 128>}]} {
    %get3A = arith.constant 0 : index
    %get3A_0 = arith.constant 0 : index
    %get3A_1 = vector.load %arg1[%get3A, %get3A_0] : memref<1000x128xf32, #tpu.memory_space<vmem>>, vector<1000x128xf32>
    %get3A_2 = arith.constant 0 : index
    %get3A_3 = arith.constant 0 : index
    %get3A_4 = arith.constant 0 : index
    %get3A_5 = vector.load %arg2[%get3A_2, %get3A_3, %get3A_4] : memref<2x1000x128xf32, #tpu.memory_space<vmem>>, vector<1x1000x128xf32>
    %get3A_6 = vector.shape_cast %get3A_5 : vector<1x1000x128xf32> to vector<1000x128xf32>
    %get3A_7 = arith.constant 1 : index
    %get3A_8 = arith.constant 0 : index
    %get3A_9 = arith.constant 0 : index
    %get3A_10 = vector.load %arg2[%get3A_7, %get3A_8, %get3A_9] : memref<2x1000x128xf32, #tpu.memory_space<vmem>>, vector<1x1000x128xf32>
    %get3A_11 = vector.shape_cast %get3A_10 : vector<1x1000x128xf32> to vector<1000x128xf32>
    %add3A = arith.addf %get3A_6, %get3A_11 : vector<1000x128xf32>
    %get3A_12 = arith.constant 0 : index
    %get3A_13 = arith.constant 0 : index
    %get3A_14 = vector.load %arg3[%get3A_12, %get3A_13] : memref<128x128xf32, #tpu.memory_space<vmem>>, vector<128x128xf32>
    %dot_general3A = arith.constant dense<0.000000e+00> : vector<1000x128xf32>
    %dot_general3A_15 = tpu.matmul %get3A_1, %get3A_14, %dot_general3A {dimension_numbers = #tpu.dot_dimension_numbers<[1], [0], [0], [1], [0, 0, 1, 1], [], []>, transpose_lhs_hint = false} : vector<1000x128xf32>, vector<128x128xf32>, vector<1000x128xf32> -> vector<1000x128xf32>
    %get3A_16 = arith.constant 0 : index
    %get3A_17 = arith.constant 0 : index
    %get3A_18 = vector.load %arg4[%get3A_16, %get3A_17] : memref<128x128xf32, #tpu.memory_space<vmem>>, vector<128x128xf32>
    %dot_general3A_19 = arith.constant dense<0.000000e+00> : vector<1000x128xf32>
    %dot_general3A_20 = tpu.matmul %add3A, %get3A_18, %dot_general3A_19 {dimension_numbers = #tpu.dot_dimension_numbers<[1], [0], [0], [1], [0, 0, 1, 1], [], []>, transpose_lhs_hint = false} : vector<1000x128xf32>, vector<128x128xf32>, vector<1000x128xf32> -> vector<1000x128xf32>
    %add3A_21 = arith.addf %dot_general3A_15, %dot_general3A_20 : vector<1000x128xf32>
    %get3A_22 = arith.constant 0 : index
    %get3A_23 = vector.load %arg5[%get3A_22] : memref<128xf32, #tpu.memory_space<vmem>>, vector<128xf32>
    %broadcast_in_dim3A = vector.shape_cast %get3A_23 : vector<128xf32> to vector<1x128xf32>
    %add3A_24 = vector.broadcast %broadcast_in_dim3A : vector<1x128xf32> to vector<1000x128xf32>
    %add3A_25 = arith.addf %add3A_21, %add3A_24 : vector<1000x128xf32>
    %max3A = arith.constant 0.000000e+00 : f32
    %max3A_26 = vector.broadcast %max3A : f32 to vector<1000x128xf32>
    %max3A_27 = arith.maximumf %add3A_25, %max3A_26 : vector<1000x128xf32>
    %add3A_28 = arith.addf %get3A_1, %max3A_27 : vector<1000x128xf32>
    %swap3A = arith.constant 0 : index
    %swap3A_29 = arith.constant 0 : index
    %swap3A_30 = vector.load %arg6[%swap3A, %swap3A_29] : memref<1000x128xf32, #tpu.memory_space<vmem>>, vector<1000x128xf32>
    tpu.vector_store %arg6[%swap3A, %swap3A_29], %add3A_28 {strides = array<i32>} : memref<1000x128xf32, #tpu.memory_space<vmem>>, vector<1000x128xf32>,
    return
  }
  func.func @transform_0(%arg0: i32) -> (i32, i32) {
    %c0_i32 = arith.constant 0 : i32
    %c0_i32_0 = arith.constant 0 : i32
    return %arg0, %c0_i32 : i32, i32
  }
  func.func @transform_1(%arg0: i32) -> (i32, i32, i32) {
    %c0_i32 = arith.constant 0 : i32
    %c0_i32_0 = arith.constant 0 : i32
    %c0_i32_1 = arith.constant 0 : i32
    return %c0_i32, %arg0, %c0_i32_0 : i32, i32, i32
  }
  func.func @transform_2(%arg0: i32) -> (i32, i32) {
    %c0_i32 = arith.constant 0 : i32
    %c0_i32_0 = arith.constant 0 : i32
    %c0_i32_1 = arith.constant 0 : i32
    return %c0_i32, %c0_i32_0 : i32, i32
  }
  func.func @transform_3(%arg0: i32) -> (i32, i32) {
    %c1_i32 = arith.constant 1 : i32
    %c0_i32 = arith.constant 0 : i32
    %c0_i32_0 = arith.constant 0 : i32
    return %c1_i32, %c0_i32 : i32, i32
  }
  func.func @transform_4(%arg0: i32) -> i32 {
    %c0_i32 = arith.constant 0 : i32
    %c0_i32_0 = arith.constant 0 : i32
    return %c0_i32 : i32
  }
  func.func @transform_5(%arg0: i32) -> (i32, i32) {
    %c0_i32 = arith.constant 0 : i32
    %c0_i32_0 = arith.constant 0 : i32
    return %arg0, %c0_i32 : i32, i32
  }
}

</mosaic_0001>

<sc_bundles>
// kernel: kernel.7.cloned.1.call-start
scs
__scs_entry_jumppad:
0x0: {  	(pc) =	sbr.rel $0x88, $3  }
0x1: {  	(tag) =	ssettag $0x0;
	lr =	simm.s32 $0x1  }
0x2: {  	[smem:$0x3F9A] =	sst lr;
	_ =	strace $0xD0000000  }
0x3: {  	_ = 	snop  }
0x4: {  	_ = 	snop  }
0x5: {  	_ = 	snop  }
0x6: {  	_ = 	snop  }
0x7: {  	_ = 	snop  }
__scs_overlays_trampoline_lowered:
0x8: {  	[smem:$0x3FA9] =	sst s0  }
0x9: {  	[smem:$0x3FAA] =	sst s1  }
0xa: {  	[smem:$0x3FAB] =	sst s2  }
0xb: {  	[smem:$0x3FAC] =	sst s3  }
0xc: {  	[smem:$0x3FAD] =	sst s4  }
0xd: {  	[smem:$0x3FAE] =	sst s5  }
0xe: {  	[smem:$0x3FAF] =	sst s6  }
0xf: {  	[smem:$0x3FB0] =	sst s7  }
0x10: {  	[smem:$0x3FB1] =	sst s8  }
0x11: {  	[smem:$0x3FB2] =	sst s9;
	s0 =	simm.s32 @!p0 $0x0  }
0x12: {  	s1 =	sld [smem:$0x3F98];
	s0 =	simm.s32 @p0 $0x1  }
0x13: {  	[smem:$0x3FB3] =	sst s0;
	s0 =	simm.s32 @!p1 $0x0  }
0x14: {  	s2 =	sld [smem:$0x3F97];
	s0 =	simm.s32 @p1 $0x1  }
0x15: {  	[smem:$0x3FB4] =	sst s0;
	s0 =	simm.s32 @!p2 $0x0  }
0x16: {  	s3 =	sld [smem:$0x3FDB];
	s0 =	simm.s32 @p2 $0x1  }
0x17: {  	s4 =	simm.s32 $0x1BF5;
	[smem:$0x3FB6] =	sst s0  }
0x18: {  	s0 =	sld [smem:$0x3F99];
	_ =	swait.ge [sflag:s4], $0x0  }
0x19: {  	s7 =	sld [smem:$0x3F9A]  }
0x1a: {  	s8 =	sadd.s32 $0xFFFFE003, lr  }
0x1b: {  	s9 =	sadd.s32 $0xFFFFFEF7, lr;
	s5 =	simm.s32 $0xFFFFFFFF;
	p2 =	slt.u32 s8, $0xFFFFF086  }
0x1c: {  	p1 =	slt.u32 s9, $0xF7A;
	s5 =	simm.s32 @!p2 $0x0  }
0x1d: {  	s5 =	simm.s32 @p1 $0x1;
	p0 =	seq.s32 s7, s2  }
0x1e: {  	s7 =	smul.u32 @!p0 $0xF7A, s2;
	p2 =	seq.s32 @!p0 s5, $0x0  }
0x1f: {  	s9 =	smul.u32 $0xF7A, s1;
	s8 =	simm.s32 @!p0 $0x1BF5;
	p2 =	por !p2, p0  }
0x20: {  	[sflag:s8] =	ssyncset.s32 @!p0 $0xFFFFF086;
	s6 =	sadd.s32 @!p0 s3, s7;
	s7 =	simm.s32 @!p0 $0x108  }
0x21: {  	s3 =	sadd.s32 s3, s9;
	s6 =	sadd.s32 @!p0 $0x88, s6;
	s7 =	simm.s32 @p2 $0x1082  }
0x22: {  	[simem:s7], [sflag:s8] =	dma.local @!p0 [hbm:s6], $0xF7A  }
0x23: {  	s9 =	sor.u32 $0xD0000000, s2;
	s6 =	simm.s32 $0x108;
	_ =	swait.ge @!p0 [sflag:s8], $0x0  }
0x24: {  	s3 =	sadd.s32 $0x88, s3;
	s6 =	simm.s32 @!p1 $0x1082;
	[sflag:s4] =	ssyncset.s32 $0xFFFFF086  }
0x25: {  	[simem:s6], [sflag:s4] =	dma.local [hbm:s3], $0xF7A  }
0x26: {  	[smem:$0x3F9A] =	sst s1;
	(tag) =	ssettag s2;
	_ =	strace s9  }
0x27: {  	s1 =	sld [smem:$0x3FAA]  }
0x28: {  	s2 =	sld [smem:$0x3FAB]  }
0x29: {  	s4 =	sld [smem:$0x3FAD]  }
0x2a: {  	p0 =	seq.s32 s5, $0x0;
	s5 =	sld [smem:$0x3FAE]  }
0x2b: {  	s6 =	sld [smem:$0x3FAF]  }
0x2c: {  	s7 =	sld [smem:$0x3FB0]  }
0x2d: {  	s3 =	simm.s32 $0x108;
	s8 =	sld [smem:$0x3FB1]  }
0x2e: {  	s3 =	simm.s32 @!p0 $0x1082;
	s9 =	sld [smem:$0x3FB2]  }
0x2f: {  	lr =	sadd.s32 s0, s3;
	s0 =	sld [smem:$0x3FA9]  }
0x30: {  	s3 =	sld [smem:$0x3FAC]  }
0x31: {  	[smem:$0x3FB5] =	sst s10  }
0x32: {  	s10 =	sld [smem:$0x3FB3];
	_ =	sdelay $0x3  }
0x33: {  	p0 =	seq.s32 s10, $0x1;
	s10 =	sld [smem:$0x3FB5];
	_ =	sdelay $0x3  }
0x34: {  	[smem:$0x3FB5] =	sst s10  }
0x35: {  	s10 =	sld [smem:$0x3FB4];
	_ =	sdelay $0x3  }
0x36: {  	p1 =	seq.s32 s10, $0x1;
	s10 =	sld [smem:$0x3FB5];
	_ =	sdelay $0x3  }
0x37: {  	[smem:$0x3FB5] =	sst s10  }
0x38: {  	s10 =	sld [smem:$0x3FB6]  }
0x39: {  	_ = 	snop;
	(pc) =	sbr.ind lr, $3  }
0x3a: {  	_ = 	snop  }
0x3b: {  	_ = 	snop  }
0x3c: {  	p2 =	seq.s32 s10, $0x1;
	s10 =	sld [smem:$0x3FB5]  }
0x3d: {  	_ =	shalt  }
0x3e: {  	_ =	shalt  }
0x3f: {  	_ =	shalt  }
0x40: {  	_ =	shalt  }
0x41: {  	_ =	shalt  }
0x42: {  	_ =	shalt  }
0x43: {  	_ =	shalt  }
0x44: {  	_ =	shalt  }
0x45: {  	_ =	shalt  }
0x46: {  	_ =	shalt  }
0x47: {  	_ =	shalt  }
0x48: {  	_ =	shalt  }
0x49: {  	_ =	shalt  }
0x4a: {  	_ =	shalt  }
0x4b: {  	_ =	shalt  }
0x4c: {  	_ =	shalt  }
0x4d: {  	_ =	shalt  }
0x4e: {  	_ =	shalt  }
0x4f: {  	_ =	shalt  }
0x50: {  	_ =	shalt  }
0x51: {  	_ =	shalt  }
0x52: {  	_ =	shalt  }
0x53: {  	_ =	shalt  }
0x54: {  	_ =	shalt  }
0x55: {  	_ =	shalt  }
0x56: {  	_ =	shalt  }
0x57: {  	_ =	shalt  }
0x58: {  	_ =	shalt  }
0x59: {  	_ =	shalt  }
0x5a: {  	_ =	shalt  }
0x5b: {  	_ =	shalt  }
0x5c: {  	_ =	shalt  }
0x5d: {  	_ =	shalt  }
0x5e: {  	_ =	shalt  }
0x5f: {  	_ =	shalt  }
0x60: {  	_ =	shalt  }
0x61: {  	_ =	shalt  }
0x62: {  	_ =	shalt  }
0x63: {  	_ =	shalt  }
0x64: {  	_ =	shalt  }
0x65: {  	_ =	shalt  }
0x66: {  	_ =	shalt  }
0x67: {  	_ =	shalt  }
0x68: {  	_ =	shalt  }
0x69: {  	_ =	shalt  }
0x6a: {  	_ =	shalt  }
0x6b: {  	_ =	shalt  }
0x6c: {  	_ =	shalt  }
0x6d: {  	_ =	shalt  }
0x6e: {  	_ =	shalt  }
0x6f: {  	_ =	shalt  }
0x70: {  	_ =	shalt  }
0x71: {  	_ =	shalt  }
0x72: {  	_ =	shalt  }
0x73: {  	_ =	shalt  }
0x74: {  	_ =	shalt  }
0x75: {  	_ =	shalt  }
0x76: {  	_ =	shalt  }
0x77: {  	_ =	shalt  }
0x78: {  	_ =	shalt  }
0x79: {  	_ =	shalt  }
0x7a: {  	_ =	shalt  }
0x7b: {  	_ =	shalt  }
0x7c: {  	_ =	shalt  }
0x7d: {  	_ =	shalt  }
0x7e: {  	_ =	shalt  }
0x7f: {  	_ =	shalt  }
0x80: {  	_ =	shalt  }
0x81: {  	_ =	shalt  }
0x82: {  	_ =	shalt  }
0x83: {  	_ =	shalt  }
0x84: {  	_ =	shalt  }
0x85: {  	_ =	shalt  }
0x86: {  	_ =	shalt  }
0x87: {  	_ =	shalt  }
.Lfunc_end0:
.L_simem_size_0:
called_computation_lowered:
.L_overlay_start_0:
0x88: {  	s2 =	sld [smem:$0x3FD9]  }
0x89: {  	s3 =	sld [smem:$0x3FFE];
	_ =	sdelay $0x1  }
0x8a: {  	s1 =	srdreg.scid  }
0x8b: {  	s0 =	sand.u32 $0x1, s1  }
0x8c: {  	s17 =	sshll.u32 s0, $0xA;
	s2 =	sadd.s32 s3, s2  }
0x8d: {  	s2 =	sadd.s32 s2, s17  }
0x8e: {  	[smem:$0x3FC1] =	sst s2  }
0x8f: {  	_ = 	snop  }
0x90: {  	s2 =	sld [smem:$0x3FD0];
	(tm) =	ssettm $0x1  }
0x91: {  	s18 =	sld [smem:$0x3FFB];
	_ =	sdelay $0x3  }
0x92: {  	_ =	strace s18  }
0x93: {  	s3 =	sld [smem:$0x3FFC];
	_ =	sdelay $0x3  }
0x94: {  	_ =	strace s3  }
0x95: {  	s3 =	sld [smem:$0x3FFD];
	_ =	sdelay $0x3  }
0x96: {  	_ =	strace s3  }
0x97: {  	_ =	strace $0x8FFFFFFF  }
0x98: {  	s19 =	sld [smem:$0x3FDB];
	_ =	sdelay $0x1  }
0x99: {  	s4 =	simm.s32 $_scs_section_size  }
0x9a: {  	s5 =	simm.s32 $_size__tile_overlayer_lowered;
	s6 =	simm.s32 $_tile_overlayer_lowered  }
0x9b: {  	s22 =	simm.s32 $0x1BFF;
	s21 =	sshll.u32 s6, $0x1;
	s3 =	sadd.s32 s4, s19  }
0x9c: {  	s7 =	simm.s32 $0x0;
	s20 =	sshll.u32 s5, $0x1;
	s5 =	sadd.s32 s21, s3  }
0x9d: {  	[timem:s7], [sflag:s22] =	dma.local [hbm:s5], s20  }
0x9e: {  	_ =	swait.ge [sflag:s22], s20  }
0x9f: {  	s4 =	ssub.s32 $0x0, s20;
	[sflag:s22] =	ssyncset.done $0x0  }
0xa0: {  	[sflag:s22] =	ssyncadd.s32 s4;
	_ =	sdelay $0x1  }
0xa1: {  	s23 =	simm.s32 $0x1B8B  }
0xa2: {  	_ =	swait.ge [sflag:s23], $0x1  }
0xa3: {  	[sflag:s23] =	ssyncset.done $0x0  }
0xa4: {  	s25 =	simm.s32 $0x1B8E;
	s24 =	sld [smem:$0x3FFE];
	[sflag:s23] =	ssyncadd.s32 $0xFFFFFFFF  }
0xa5: {  	s26 =	simm.s32 $execute0_lowered;
	[smem:$0x3FD2] =	sst s25  }
0xa6: {  	s5 =	sshll.u32 s26, $0x1;
	_ =	strace $0x80000046;
	[dreg:$0x1] =	wrdreg $0xFFFFFFFF  }
0xa7: {  	s28 =	simm.s32 $_size_execute0_lowered;
	s3 =	sadd.s32 s3, s5;
	[dreg:$0x0] =	wrdreg $0x0  }
0xa8: {  	s5 =	sshll.u32 s28, $0x1;
	[dreg:$0x2] =	wrdreg s3  }
0xa9: {  	[dreg:$0x3] =	wrdreg s5  }
0xaa: {  	[dreg:$0x4] =	wrdreg $0xC0  }
0xab: {  	_ =	task [dreg:s7], $0x5FFFF  }
0xac: {  	[dreg:$0x1] =	wrdreg $0xFFFFFFFF  }
0xad: {  	[dreg:$0x0] =	wrdreg $0x60  }
0xae: {  	[dreg:$0x2] =	wrdreg s2  }
0xaf: {  	[dreg:$0x3] =	wrdreg s24  }
0xb0: {  	[dreg:$0x4] =	wrdreg $0x7A000  }
0xb1: {  	[dreg:$0x5] =	wrdreg $0x9  }
0xb2: {  	_ =	task.clear_ibuf [dreg:s7], $0x6FFFF;
	_ =	strace $0x90000046  }
0xb3: {  	s29 =	simm.s32 $0x9;
	_ =	strace $0x80000048  }
0xb4: {  	_ =	swait.ge [sflag:s29], $0x1  }
0xb5: {  	[sflag:s29] =	ssyncadd.s32 $0xFFFFFFFF  }
0xb6: {  	_ =	strace $0x90000048  }
0xb7: {  	_ =	sfence  }
0xb8: {  	s30 =	sld [smem:$0x0];
	_ =	sdelay $0x2  }
0xb9: {  	s31 =	sshll.u32 s1, $0xD;
	s1 =	sshrl.u32 s1, $0x2  }
0xba: {  	s3 =	sand.u32 $0x4000, s31;
	s1 =	sadd.s32 s1, s30  }
0xbb: {  	s0 =	sor.u32 s3, s0;
	s1 =	sshll.u32 s1, $0x11  }
0xbc: {  	s0 =	sor.u32 s1, s0  }
0xbd: {  	s0 =	sadd.s32 $0x8F2B, s0  }
0xbe: {  	[sflag:s0] =	ssyncadd.remote.s32 $0x1  }
0xbf: {  	_ =	sfence.sel $0xFFFF  }
0xc0: {  	[dreg:$0x0] =	wrdreg $0xFFFFFFFF;
	(pc) =	sbr.abs _section_cstart, $3  }
0xc1: {  	[dreg:$0x1] =	wrdreg $0xFFFFFFFF  }
0xc2: {  	_ =	task.clear_ibuf [dreg:s7], $0x2FFFF;
	_ =	strace $0x9FFFFFFF  }
0xc3: {  	(tm) =	ssettm $0x7FFFFFFF  }
tec
execute0_lowered:
.L_overlay_start_1:
0x0: {  	(tag) =	ssettag $0x1  }
0x1: {  	s1 =	rddreg [dreg:$0x0]  }
0x2: {  	s0 =	rddreg [dreg:$0x1]  }
0x3: {  	s2 =	rddreg [dreg:$0x2];
	s3 =	simm.s32 $0x0  }
0x4: {  	s15 =	stileid.u32;
	s4 =	srdreg.scid;
	s28 =	simm.s32 $0x1  }
0x5: {  	s29 =	simm.s32 $0x4;
	s30 =	simm.s32 $0x3E00;
	s31 =	simm.s32 $0x5200  }
0x6: {  	[smem:$0x7FF] =	sst s3;
	s5 =	sadd.s32 $0x16200, s0;
	s6 =	sadd.s32 $0x2600, s0  }
0x7: {  	s7 =	sadd.s32 $0xC400, s0;
	s9 =	smul.u32 $0x4E000, s15;
	s8 =	sadd.s32 $0x4F8200, s0  }
0x8: {  	s0 =	sadd.s32 $0x3D400, s0;
	s4 =	sand.u32 $0x1, s4;
	s21 =	smul.u32 $0x13800, s15  }
0x9: {  	p0 =	sne.s32 s15, $0xF;
	s10 =	ssub.s32 $0x2, s4;
	s9 =	sshrl.u32 s9, $0x2  }
0xa: {  	_ =	strace $0x80000047;
	s12 =	sshrl.u32 s10, $0x1;
	s23 =	sadd.s32 s9, s2  }
0xb: {  	s9 =	ssub.s32 s10, s12;
	s12 =	sadd.s32 $0x1400, s23;
	[dreg:$0x4] =	wrdreg s23  }
0xc: {  	s11 =	sshll.u32 s4, $0x4;
	s14 =	sadd.s32 $0x2800, s23;
	[dreg:$0x5] =	wrdreg s12  }
0xd: {  	s4 =	smul.u32 $0x138800, s4;
	s16 =	sadd.s32 $0x3C00, s23;
	[dreg:$0x6] =	wrdreg s14  }
0xe: {  	s13 =	sor.u32 s15, s11;
	s18 =	sadd.s32 $0x5000, s23;
	[dreg:$0x7] =	wrdreg s16  }
0xf: {  	s17 =	smul.u32 $0x27100, s13;
	s15 =	sadd.s32 $0x7800, s23;
	[dreg:$0x8] =	wrdreg s18  }
0x10: {  	s25 =	sadd.s32 s21, s4;
	s21 =	sadd.s32 $0xDC00, s23;
	[dreg:$0x13] =	wrdreg s15  }
0x11: {  	s11 =	smul.u32 $0x2710, s13;
	s14 =	sadd.s32 $0x6400, s23;
	[dreg:$0x18] =	wrdreg s21  }
0x12: {  	s24 =	smul.u32 $0x138800, s13;
	s10 =	sadd.s32 s8, s17;
	[dreg:$0x9] =	wrdreg s14  }
0x13: {  	s19 =	sshrl.u32 s11, $0x3;
	s16 =	sadd.s32 $0x8C00, s23;
	[dreg:$0xc] =	wrdreg s10  }
0x14: {  	s18 =	smul.u32 $0xFA, s13;
	s17 =	sadd.s32 $0xA000, s23;
	[dreg:$0x14] =	wrdreg s16  }
0x15: {  	s13 =	sshrl.u32 s25, $0x3;
	s25 =	sadd.s32 $0x11800, s23;
	[dreg:$0x15] =	wrdreg s17  }
0x16: {  	s4 =	sshrl.u32 s4, $0x3;
	s20 =	sadd.s32 s6, s19;
	[dreg:$0x1b] =	wrdreg s25  }
0x17: {  	s22 =	sadd.s32 $0x28, s11;
	s12 =	sadd.s32 s7, s19;
	[dreg:$0xa] =	wrdreg s20  }
0x18: {  	s21 =	simm.s32 $0x3;
	s13 =	sadd.s32 s0, s13;
	[dreg:$0xb] =	wrdreg s12  }
0x19: {  	s10 =	sshrl.u32 s22, $0x3;
	s14 =	smax.u32 s9, $0x1;
	[dreg:$0xd] =	wrdreg s13  }
0x1a: {  	s0 =	sadd.s32 s0, s4;
	s19 =	sadd.s32 $0xB400, s23;
	[dreg:$0x12] =	wrdreg s14  }
0x1b: {  	s22 =	sadd.s32 $0xF000, s23;
	s16 =	sadd.s32 $0x78, s11;
	[dreg:$0x16] =	wrdreg s19  }
0x1c: {  	s17 =	simm.s32 $0x200;
	s26 =	sadd.s32 s6, s10;
	[dreg:$0x19] =	wrdreg s22  }
0x1d: {  	s25 =	simm.s32 $0x100;
	s10 =	sadd.s32 s7, s10;
	[dreg:$0xe] =	wrdreg s26  }
0x1e: {  	s12 =	sshrl.u32 s24, $0x3;
	s0 =	sadd.s32 $0x27000, s0;
	[dreg:$0xf] =	wrdreg s10  }
0x1f: {  	s20 =	sadd.s32 $0xC800, s23;
	s24 =	sadd.s32 $0x10400, s23;
	[dreg:$0x11] =	wrdreg s0  }
0x20: {  	s15 =	sor.u32 $0x1, s18;
	s19 =	simm.s32 $0x5;
	[dreg:$0x17] =	wrdreg s20  }
0x21: {  	s22 =	simm.s32 $0x28;
	s13 =	sadd.s32 s8, s12;
	[dreg:$0x1a] =	wrdreg s24  }
0x22: {  	s26 =	sadd.s32 $0x12C00, s23;
	s20 =	simm.s32 $0x80;
	s24 =	simm.s32 $0x2A00  }
0x23: {  	s0 =	simm.s32 $0x6600;
	s4 =	sadd.s32 $0x26E80, s13;
	[dreg:$0x1c] =	wrdreg s26  }
0x24: {  	s12 =	simm.s32 $0x0;
	s13 =	sadd.s32 $0x138000, s2;
	[dreg:$0x10] =	wrdreg s4  }
0x25: {  	v0 =	vimm.f32 $0.0e+00;
	s26 =	simm.s32 $0x180;
	s4 =	simm.s32 $0x2;
	[dreg:$0x1d] =	wrdreg s13  }
.LBB2_1:
0x26: {  	[dreg:$0x1e] =	wrdreg s12;
	s9 =	simm.s32 $0x0;
	s10 =	simm.s32 $0x200  }
.LBB2_2:
0x27: {  	p1 =	sne.s32 s10, $0x4E00;
	[tilespmem:s9+$0x270] =	vst v0  }
0x28: {  	[tilespmem:s9+$0x200] =	vst v0  }
0x29: {  	[tilespmem:s9+$0x210] =	vst v0  }
.Ltmp0:
0x2a: {  	[tilespmem:s9+$0x220] =	vst v0;
	(pc) =	sbr.rel @p1 .LBB2_2-.Ltmp0, $4  }
0x2b: {  	[tilespmem:s9+$0x230] =	vst v0  }
0x2c: {  	[tilespmem:s9+$0x240] =	vst v0  }
0x2d: {  	[tilespmem:s9+$0x250] =	vst v0  }
0x2e: {  	[tilespmem:s9+$0x260] =	vst v0;
	s9 =	sshra.s32 s10, $0x2;
	s10 =	sadd.s32 $0x200, s10  }
0x2f: {  	[tilespmem:s9+$0x270] =	vst v0  }
0x30: {  	[tilespmem:s9+$0x200] =	vst v0  }
0x31: {  	[tilespmem:s9+$0x210] =	vst v0  }
0x32: {  	[tilespmem:s9+$0x220] =	vst v0  }
0x33: {  	[tilespmem:s9+$0x230] =	vst v0  }
0x34: {  	[tilespmem:s9+$0x240] =	vst v0  }
0x35: {  	[tilespmem:s9+$0x250] =	vst v0  }
0x36: {  	[tilespmem:s9+$0x260] =	vst v0  }
0x37: {  	[spmem:s23] =	stream.linear.scatter [tilespmem:s17], [sflag:$0x5], $0x1400, $0x38;
	[tilespmem:$0x1B280] =	vst v63  }
0x38: {  	_ =	swait.ge [sflag:s19], $0x1400  }
0x39: {  	[sflag:s19] =	ssyncset.done $0x0  }
0x3a: {  	s23 =	rddreg [dreg:$0x5];
	[sflag:s19] =	ssyncadd.s32 $0xFFFFEC00  }
0x3b: {  	[spmem:s23] =	stream.linear.scatter [tilespmem:s17], [sflag:$0x5], $0x1400, $0x38;
	[tilespmem:$0x1B280] =	vst v63  }
0x3c: {  	_ =	swait.ge [sflag:s19], $0x1400  }
0x3d: {  	[sflag:s19] =	ssyncset.done $0x0  }
0x3e: {  	s10 =	rddreg [dreg:$0x6];
	[sflag:s19] =	ssyncadd.s32 $0xFFFFEC00  }
0x3f: {  	[spmem:s10] =	stream.linear.scatter [tilespmem:s17], [sflag:$0x5], $0x1400, $0x38;
	[tilespmem:$0x1B280] =	vst v63  }
0x40: {  	_ =	swait.ge [sflag:s19], $0x1400  }
0x41: {  	[sflag:s19] =	ssyncset.done $0x0  }
0x42: {  	s12 =	rddreg [dreg:$0x7];
	[sflag:s19] =	ssyncadd.s32 $0xFFFFEC00  }
0x43: {  	[spmem:s12] =	stream.linear.scatter [tilespmem:s17], [sflag:$0x5], $0x1400, $0x38;
	[tilespmem:$0x1B280] =	vst v63  }
0x44: {  	_ =	swait.ge [sflag:s19], $0x1400  }
0x45: {  	[sflag:s19] =	ssyncset.done $0x0  }
0x46: {  	s14 =	rddreg [dreg:$0x8];
	[sflag:s19] =	ssyncadd.s32 $0xFFFFEC00  }
0x47: {  	[spmem:s14] =	stream.linear.scatter [tilespmem:s17], [sflag:$0x5], $0x1400, $0x38;
	[tilespmem:$0x1B280] =	vst v63  }
0x48: {  	_ =	swait.ge [sflag:s19], $0x1400  }
0x49: {  	[sflag:s19] =	ssyncset.done $0x0  }
0x4a: {  	s23 =	rddreg [dreg:$0x9];
	[sflag:s19] =	ssyncadd.s32 $0xFFFFEC00  }
0x4b: {  	[spmem:s23] =	stream.linear.scatter [tilespmem:s17], [sflag:$0x5], $0x1400, $0x38;
	[tilespmem:$0x1B280] =	vst v63  }
0x4c: {  	_ =	swait.ge [sflag:s19], $0x1400  }
0x4d: {  	[sflag:s19] =	ssyncset.done $0x0  }
0x4e: {  	s10 =	rddreg [dreg:$0x13];
	[sflag:s19] =	ssyncadd.s32 $0xFFFFEC00  }
0x4f: {  	[spmem:s10] =	stream.linear.scatter [tilespmem:s17], [sflag:$0x5], $0x1400, $0x38;
	[tilespmem:$0x1B280] =	vst v63  }
0x50: {  	_ =	swait.ge [sflag:s19], $0x1400  }
0x51: {  	[sflag:s19] =	ssyncset.done $0x0  }
0x52: {  	s12 =	rddreg [dreg:$0x14];
	[sflag:s19] =	ssyncadd.s32 $0xFFFFEC00  }
0x53: {  	[spmem:s12] =	stream.linear.scatter [tilespmem:s17], [sflag:$0x5], $0x1400, $0x38;
	[tilespmem:$0x1B280] =	vst v63  }
0x54: {  	_ =	swait.ge [sflag:s19], $0x1400  }
0x55: {  	[sflag:s19] =	ssyncset.done $0x0  }
0x56: {  	s14 =	rddreg [dreg:$0x15];
	[sflag:s19] =	ssyncadd.s32 $0xFFFFEC00  }
0x57: {  	[spmem:s14] =	stream.linear.scatter [tilespmem:s17], [sflag:$0x5], $0x1400, $0x38;
	[tilespmem:$0x1B280] =	vst v63  }
0x58: {  	_ =	swait.ge [sflag:s19], $0x1400  }
0x59: {  	[sflag:s19] =	ssyncset.done $0x0  }
0x5a: {  	s23 =	rddreg [dreg:$0x16];
	[sflag:s19] =	ssyncadd.s32 $0xFFFFEC00  }
0x5b: {  	[spmem:s23] =	stream.linear.scatter [tilespmem:s17], [sflag:$0x5], $0x1400, $0x38;
	[tilespmem:$0x1B280] =	vst v63  }
0x5c: {  	_ =	swait.ge [sflag:s19], $0x1400  }
0x5d: {  	[sflag:s19] =	ssyncset.done $0x0  }
0x5e: {  	s10 =	rddreg [dreg:$0x17];
	[sflag:s19] =	ssyncadd.s32 $0xFFFFEC00  }
0x5f: {  	[spmem:s10] =	stream.linear.scatter [tilespmem:s17], [sflag:$0x5], $0x1400, $0x38;
	[tilespmem:$0x1B280] =	vst v63  }
0x60: {  	_ =	swait.ge [sflag:s19], $0x1400  }
0x61: {  	[sflag:s19] =	ssyncset.done $0x0  }
0x62: {  	s12 =	rddreg [dreg:$0x18];
	[sflag:s19] =	ssyncadd.s32 $0xFFFFEC00  }
0x63: {  	[spmem:s12] =	stream.linear.scatter [tilespmem:s17], [sflag:$0x5], $0x1400, $0x38;
	[tilespmem:$0x1B280] =	vst v63  }
0x64: {  	_ =	swait.ge [sflag:s19], $0x1400  }
0x65: {  	[sflag:s19] =	ssyncset.done $0x0  }
0x66: {  	s14 =	rddreg [dreg:$0x19];
	[sflag:s19] =	ssyncadd.s32 $0xFFFFEC00  }
0x67: {  	[spmem:s14] =	stream.linear.scatter [tilespmem:s17], [sflag:$0x5], $0x1400, $0x38;
	[tilespmem:$0x1B280] =	vst v63  }
0x68: {  	_ =	swait.ge [sflag:s19], $0x1400  }
0x69: {  	[sflag:s19] =	ssyncset.done $0x0  }
0x6a: {  	s23 =	rddreg [dreg:$0x1a];
	[sflag:s19] =	ssyncadd.s32 $0xFFFFEC00  }
0x6b: {  	[spmem:s23] =	stream.linear.scatter [tilespmem:s17], [sflag:$0x5], $0x1400, $0x38;
	[tilespmem:$0x1B280] =	vst v63  }
0x6c: {  	_ =	swait.ge [sflag:s19], $0x1400  }
0x6d: {  	[sflag:s19] =	ssyncset.done $0x0  }
0x6e: {  	s10 =	rddreg [dreg:$0x1b];
	[sflag:s19] =	ssyncadd.s32 $0xFFFFEC00  }
0x6f: {  	[spmem:s10] =	stream.linear.scatter [tilespmem:s17], [sflag:$0x5], $0x1400, $0x38;
	[tilespmem:$0x1B280] =	vst v63  }
0x70: {  	_ =	swait.ge [sflag:s19], $0x1400  }
0x71: {  	[sflag:s19] =	ssyncset.done $0x0  }
0x72: {  	s12 =	rddreg [dreg:$0x1c];
	[sflag:s19] =	ssyncadd.s32 $0xFFFFEC00  }
0x73: {  	[spmem:s12] =	stream.linear.scatter [tilespmem:s17], [sflag:$0x5], $0xC00, $0x38;
	[tilespmem:$0x1B280] =	vst v63  }
0x74: {  	_ =	swait.ge [sflag:s19], $0xC00  }
0x75: {  	[sflag:s19] =	ssyncset.done $0x0  }
0x76: {  	s9 =	simm.s32 @!p0 $0x200;
	[sflag:s19] =	ssyncadd.s32 $0xFFFFF400  }
0x77: {  	[spmem:s13] =	stream.linear.scatter @!p0 [tilespmem:s9], [sflag:$0x5], $0x800, $0x38;
	[tilespmem:$0x1B280] =	vst v63  }
0x78: {  	s9 =	simm.s32 @!p0 $0x5  }
0x79: {  	_ =	swait.ge @!p0 [sflag:s9], $0x800  }
0x7a: {  	[sflag:s9] =	ssyncset.done @!p0 $0x0  }
0x7b: {  	[sflag:s9] =	ssyncadd.s32 @!p0 $0xFFFFF800  }
0x7c: {  	[bflag:$0x0] =	sbarrier.arrive $0xFFFF  }
0x7d: {  	s12 =	simm.s32 $0x0;
	s14 =	rddreg [dreg:$0xa]  }
0x7e: {  	[tilespmem:s12], [sflag:$0x3] =	stream.linear.gather [hbm4b:s14+s12], $0x28, $0x38;
	[tilespmem:$0x1B280] =	vst v63  }
0x7f: {  	s23 =	rddreg [dreg:$0xb]  }
0x80: {  	[tilespmem:s20], [sflag:$0x3] =	stream.linear.gather [hbm4b:s23+s12], $0x28, $0x38;
	[tilespmem:$0x1B280] =	vst v63  }
0x81: {  	_ =	swait.ge [sflag:s21], $0x28  }
0x82: {  	[sflag:s21] =	ssyncset.done $0x0  }
0x83: {  	[sflag:s21] =	ssyncadd.s32 $0xFFFFFFD8  }
0x84: {  	_ =	swait.ge [sflag:s21], $0x28  }
0x85: {  	[sflag:s21] =	ssyncset.done $0x0  }
0x86: {  	[sflag:s21] =	ssyncadd.s32 $0xFFFFFFD8  }
0x87: {  	[tilespmem:s17], [sflag:$0x1] =	stream.indirect.gather [hbm4b:s1+s22], $0x80, s12, s22, $0xb8;
	[tilespmem:$0x1B280] =	vst v63  }
0x88: {  	s10 =	simm.s32 $0x1600  }
0x89: {  	[tilespmem:s10], [sflag:$0x1] =	stream.indirect.gather [hbm4b:s5+s22], $0x80, s20, s22, $0xb8;
	[tilespmem:$0x1B280] =	vst v63  }
0x8a: {  	s13 =	rddreg [dreg:$0xc]  }
0x8b: {  	[tilespmem:s24], [sflag:$0x1] =	stream.linear.gather [hbm4b:s13+s12], $0x1400, $0x38;
	[tilespmem:$0x1B280] =	vst v63  }
0x8c: {  	s14 =	rddreg [dreg:$0xe]  }
0x8d: {  	[tilespmem:s25], [sflag:$0x4] =	stream.linear.gather [hbm4b:s14+s12], $0x28, $0x38;
	[tilespmem:$0x1B280] =	vst v63  }
0x8e: {  	s23 =	rddreg [dreg:$0xf];
	s13 =	simm.s32 $0x0  }
0x8f: {  	[tilespmem:s26], [sflag:$0x4] =	stream.linear.gather [hbm4b:s23+s12], $0x28, $0x38;
	[tilespmem:$0x1B280] =	vst v63  }
.LBB2_4:
0x90: {  	_ =	swait.ge [sflag:s28], $0x1400  }
0x91: {  	[sflag:s28] =	ssyncset.done $0x0  }
0x92: {  	[sflag:s28] =	ssyncadd.s32 $0xFFFFEC00  }
0x93: {  	_ =	swait.ge [sflag:s28], $0x1400  }
0x94: {  	[sflag:s28] =	ssyncset.done $0x0  }
0x95: {  	[sflag:s28] =	ssyncadd.s32 $0xFFFFEC00  }
0x96: {  	_ =	swait.ge [sflag:s28], $0x1400  }
0x97: {  	[sflag:s28] =	ssyncset.done $0x0  }
0x98: {  	[sflag:s28] =	ssyncadd.s32 $0xFFFFEC00  }
0x99: {  	_ =	swait.ge [sflag:s29], $0x28  }
0x9a: {  	[sflag:s29] =	ssyncset.done $0x0  }
0x9b: {  	[sflag:s29] =	ssyncadd.s32 $0xFFFFFFD8  }
0x9c: {  	_ =	swait.ge [sflag:s29], $0x28  }
0x9d: {  	s14 =	sshll.u32 s13, $0x1;
	[sflag:s29] =	ssyncset.done $0x0  }
0x9e: {  	s9 =	sadd.s32 s14, s15;
	[sflag:s29] =	ssyncadd.s32 $0xFFFFFFD8  }
0x9f: {  	[tilespmem:s30], [sflag:$0x2] =	stream.indirect.gather [hbm4b:s1+s22], $0x80, s25, s22, $0xb8;
	[tilespmem:$0x1B280] =	vst v63  }
0xa0: {  	s9 =	smul.u32 $0x280, s9  }
0xa1: {  	[tilespmem:s31], [sflag:$0x2] =	stream.indirect.gather [hbm4b:s5+s22], $0x80, s26, s22, $0xb8;
	[tilespmem:$0x1B280] =	vst v63  }
0xa2: {  	s9 =	sadd.s32 s8, s9  }
0xa3: {  	[tilespmem:s0], [sflag:$0x2] =	stream.linear.gather [hbm4b:s9+s12], $0x1400, $0x38;
	[tilespmem:$0x1B280] =	vst v63  }
0xa4: {  	s9 =	simm.s32 $0x0  }
0xa5: {  	v5 =	vld [tilespmem:s9+$0x2A00]  }
0xa6: {  	v6 =	vld [tilespmem:s9+$0x2A10]  }
0xa7: {  	v4 =	vld [tilespmem:s9+$0x2A20]  }
0xa8: {  	v3 =	vld [tilespmem:s9+$0x2A30]  }
0xa9: {  	v2 =	vld [tilespmem:s9+$0x2A40]  }
0xaa: {  	v1 =	vld [tilespmem:s9+$0x2A50]  }
0xab: {  	v13 =	vld [tilespmem:s9+$0x1600]  }
0xac: {  	v18 =	vld [tilespmem:s9+$0x1610]  }
0xad: {  	v12 =	vld [tilespmem:s9+$0x1620]  }
0xae: {  	v11 =	vld [tilespmem:s9+$0x1630]  }
0xaf: {  	v10 =	vld [tilespmem:s9+$0x1640]  }
0xb0: {  	v9 =	vld [tilespmem:s9+$0x1650]  }
0xb1: {  	v8 =	vld [tilespmem:s9+$0x1660]  }
0xb2: {  	v7 =	vld [tilespmem:s9+$0x1670]  }
0xb3: {  	v19 =	vld [tilespmem:s9+$0x200]  }
0xb4: {  	v20 =	vld [tilespmem:s9+$0x210]  }
0xb5: {  	v17 =	vld [tilespmem:s9+$0x220]  }
0xb6: {  	v16 =	vld [tilespmem:s9+$0x230]  }
0xb7: {  	v15 =	vld [tilespmem:s9+$0x240]  }
0xb8: {  	v14 =	vld [tilespmem:s9+$0x250];
	v19 =	vadd.f32 v13, v19  }
0xb9: {  	s10 =	simm.s32 $0x200;
	v18 =	vadd.f32 v18, v20;
	v13 =	vld [tilespmem:s9+$0x260]  }
.LBB2_5:
0xba: {  	p1 =	sne.s32 s10, $0x4E00;
	v5 =	vadd.f32 v5, v19;
	v12 =	vadd.f32 v12, v17;
	v17 =	vld [tilespmem:s9+$0x270]  }
0xbb: {  	v6 =	vadd.f32 v6, v18;
	v11 =	vadd.f32 v11, v16;
	v16 =	vld [tilespmem:s9+$0x2A60]  }
0xbc: {  	s23 =	sshra.s32 s10, $0x2;
	v18 =	vmax.f32 v5, $0.0e+00;
	v4 =	vadd.f32 v4, v12;
	v10 =	vadd.f32 v10, v15;
	v12 =	vld [tilespmem:s9+$0x2A70]  }
0xbd: {  	v5 =	vld [tilespmem:s23+$0x2A00];
	[tilespmem:s9+$0x200] =	vst v18;
	v15 =	vmax.f32 v6, $0.0e+00;
	v3 =	vadd.f32 v3, v11;
	v9 =	vadd.f32 v9, v14  }
0xbe: {  	v6 =	vld [tilespmem:s23+$0x2A10];
	[tilespmem:s9+$0x210] =	vst v15;
	v11 =	vmax.f32 v4, $0.0e+00;
	v2 =	vadd.f32 v2, v10;
	v8 =	vadd.f32 v8, v13  }
0xbf: {  	v4 =	vld [tilespmem:s23+$0x2A20];
	[tilespmem:s9+$0x220] =	vst v11;
	v10 =	vmax.f32 v3, $0.0e+00;
	v1 =	vadd.f32 v1, v9;
	v7 =	vadd.f32 v7, v17  }
0xc0: {  	v3 =	vld [tilespmem:s23+$0x2A30];
	[tilespmem:s9+$0x230] =	vst v10;
	v9 =	vmax.f32 v2, $0.0e+00;
	v8 =	vadd.f32 v16, v8  }
0xc1: {  	v2 =	vld [tilespmem:s23+$0x2A40];
	[tilespmem:s9+$0x240] =	vst v9;
	v9 =	vmax.f32 v1, $0.0e+00;
	v7 =	vadd.f32 v12, v7  }
0xc2: {  	v1 =	vld [tilespmem:s23+$0x2A50];
	[tilespmem:s9+$0x250] =	vst v9;
	v8 =	vmax.f32 v8, $0.0e+00  }
0xc3: {  	v13 =	vld [tilespmem:s23+$0x1600];
	[tilespmem:s9+$0x260] =	vst v8;
	v7 =	vmax.f32 v7, $0.0e+00  }
0xc4: {  	v18 =	vld [tilespmem:s23+$0x1610];
	[tilespmem:s9+$0x270] =	vst v7;
	s9 =	smov.u32 s23  }
0xc5: {  	v12 =	vld [tilespmem:s9+$0x1620]  }
0xc6: {  	v11 =	vld [tilespmem:s9+$0x1630]  }
0xc7: {  	v10 =	vld [tilespmem:s9+$0x1640]  }
0xc8: {  	v9 =	vld [tilespmem:s9+$0x1650]  }
0xc9: {  	v8 =	vld [tilespmem:s9+$0x1660]  }
0xca: {  	v7 =	vld [tilespmem:s9+$0x1670]  }
0xcb: {  	v14 =	vld [tilespmem:s9+$0x200]  }
0xcc: {  	v20 =	vld [tilespmem:s9+$0x210]  }
.Ltmp1:
0xcd: {  	v17 =	vld [tilespmem:s9+$0x220];
	(pc) =	sbr.rel @p1 .LBB2_5-.Ltmp1, $4  }
0xce: {  	v16 =	vld [tilespmem:s9+$0x230]  }
0xcf: {  	v15 =	vld [tilespmem:s9+$0x240]  }
0xd0: {  	v19 =	vadd.f32 v13, v14;
	v14 =	vld [tilespmem:s9+$0x250]  }
0xd1: {  	s10 =	sadd.s32 $0x200, s10;
	v18 =	vadd.f32 v18, v20;
	v13 =	vld [tilespmem:s9+$0x260]  }
0xd2: {  	v5 =	vadd.f32 v5, v19;
	v12 =	vadd.f32 v12, v17;
	v17 =	vld [tilespmem:s9+$0x270]  }
0xd3: {  	v6 =	vadd.f32 v6, v18;
	v11 =	vadd.f32 v11, v16;
	v16 =	vld [tilespmem:s9+$0x2A60]  }
0xd4: {  	v5 =	vmax.f32 v5, $0.0e+00;
	v4 =	vadd.f32 v4, v12;
	v10 =	vadd.f32 v10, v15;
	v12 =	vld [tilespmem:s9+$0x2A70]  }
0xd5: {  	[tilespmem:s9+$0x200] =	vst v5;
	v5 =	vmax.f32 v6, $0.0e+00;
	v3 =	vadd.f32 v3, v11;
	v6 =	vadd.f32 v9, v14  }
0xd6: {  	[tilespmem:s9+$0x210] =	vst v5;
	v4 =	vmax.f32 v4, $0.0e+00;
	v2 =	vadd.f32 v2, v10;
	v5 =	vadd.f32 v8, v13  }
0xd7: {  	[tilespmem:s9+$0x220] =	vst v4;
	v3 =	vmax.f32 v3, $0.0e+00;
	v1 =	vadd.f32 v1, v6;
	v4 =	vadd.f32 v7, v17  }
0xd8: {  	[tilespmem:s9+$0x230] =	vst v3;
	v2 =	vmax.f32 v2, $0.0e+00;
	v3 =	vadd.f32 v16, v5  }
0xd9: {  	[tilespmem:s9+$0x240] =	vst v2;
	v1 =	vmax.f32 v1, $0.0e+00;
	v2 =	vadd.f32 v12, v4  }
0xda: {  	[tilespmem:s9+$0x250] =	vst v1;
	v1 =	vmax.f32 v3, $0.0e+00  }
0xdb: {  	s10 =	sadd.s32 $0x2, s14;
	[tilespmem:s9+$0x260] =	vst v1;
	v1 =	vmax.f32 v2, $0.0e+00  }
0xdc: {  	s23 =	smul.u32 $0x28, s10;
	[tilespmem:s9+$0x270] =	vst v1  }
0xdd: {  	[spmem:s2] =	stream.indirect.scatter.add.f32 [tilespmem:s17], [sflag:$0x5], $0x80, s20, s22, $0xb8;
	[tilespmem:$0x1B280] =	vst v63  }
0xde: {  	s9 =	sadd.s32 s11, s23;
	_ =	swait.ge [sflag:s19], $0x1400  }
0xdf: {  	s9 =	sshrl.u32 s9, $0x3;
	[sflag:s19] =	ssyncset.done $0x0  }
0xe0: {  	s23 =	simm.s32 $0x0;
	s14 =	sadd.s32 s6, s9;
	[sflag:s19] =	ssyncadd.s32 $0xFFFFEC00  }
0xe1: {  	[tilespmem:s23], [sflag:$0x3] =	stream.linear.gather [hbm4b:s14+s23], $0x28, $0x38;
	[tilespmem:$0x1B280] =	vst v63  }
0xe2: {  	s9 =	sadd.s32 s7, s9  }
0xe3: {  	[tilespmem:s20], [sflag:$0x3] =	stream.linear.gather [hbm4b:s9+s23], $0x28, $0x38;
	[tilespmem:$0x1B280] =	vst v63  }
0xe4: {  	_ =	swait.ge [sflag:s4], $0x1400  }
0xe5: {  	[sflag:s4] =	ssyncset.done $0x0  }
0xe6: {  	[sflag:s4] =	ssyncadd.s32 $0xFFFFEC00  }
0xe7: {  	_ =	swait.ge [sflag:s4], $0x1400  }
0xe8: {  	[sflag:s4] =	ssyncset.done $0x0  }
0xe9: {  	[sflag:s4] =	ssyncadd.s32 $0xFFFFEC00  }
0xea: {  	_ =	swait.ge [sflag:s4], $0x1400  }
0xeb: {  	[sflag:s4] =	ssyncset.done $0x0  }
0xec: {  	[sflag:s4] =	ssyncadd.s32 $0xFFFFEC00  }
0xed: {  	_ =	swait.ge [sflag:s21], $0x28  }
0xee: {  	[sflag:s21] =	ssyncset.done $0x0  }
0xef: {  	[sflag:s21] =	ssyncadd.s32 $0xFFFFFFD8  }
0xf0: {  	_ =	swait.ge [sflag:s21], $0x28  }
0xf1: {  	[sflag:s21] =	ssyncset.done $0x0  }
0xf2: {  	s10 =	sadd.s32 s18, s10;
	[sflag:s21] =	ssyncadd.s32 $0xFFFFFFD8  }
0xf3: {  	[tilespmem:s17], [sflag:$0x1] =	stream.indirect.gather [hbm4b:s1+s22], $0x80, s23, s22, $0xb8;
	[tilespmem:$0x1B280] =	vst v63  }
0xf4: {  	s14 =	simm.s32 $0x1600;
	s9 =	smul.u32 $0x280, s10  }
0xf5: {  	[tilespmem:s14], [sflag:$0x1] =	stream.indirect.gather [hbm4b:s5+s22], $0x80, s20, s22, $0xb8;
	[tilespmem:$0x1B280] =	vst v63  }
0xf6: {  	s9 =	sadd.s32 s8, s9  }
0xf7: {  	[tilespmem:s24], [sflag:$0x1] =	stream.linear.gather [hbm4b:s9+s23], $0x1400, $0x38;
	[tilespmem:$0x1B280] =	vst v63  }
0xf8: {  	s9 =	simm.s32 $0x0  }
0xf9: {  	v5 =	vld [tilespmem:s9+$0x6600]  }
0xfa: {  	v6 =	vld [tilespmem:s9+$0x6610]  }
0xfb: {  	v4 =	vld [tilespmem:s9+$0x6620]  }
0xfc: {  	v3 =	vld [tilespmem:s9+$0x6630]  }
0xfd: {  	v2 =	vld [tilespmem:s9+$0x6640]  }
0xfe: {  	v1 =	vld [tilespmem:s9+$0x6650]  }
0xff: {  	v13 =	vld [tilespmem:s9+$0x5200]  }
0x100: {  	v18 =	vld [tilespmem:s9+$0x5210]  }
0x101: {  	v12 =	vld [tilespmem:s9+$0x5220]  }
0x102: {  	v11 =	vld [tilespmem:s9+$0x5230]  }
0x103: {  	v10 =	vld [tilespmem:s9+$0x5240]  }
0x104: {  	v9 =	vld [tilespmem:s9+$0x5250]  }
0x105: {  	v8 =	vld [tilespmem:s9+$0x5260]  }
0x106: {  	v7 =	vld [tilespmem:s9+$0x5270]  }
0x107: {  	v19 =	vld [tilespmem:s9+$0x3E00]  }
0x108: {  	v20 =	vld [tilespmem:s9+$0x3E10]  }
0x109: {  	v17 =	vld [tilespmem:s9+$0x3E20]  }
0x10a: {  	v16 =	vld [tilespmem:s9+$0x3E30]  }
0x10b: {  	v15 =	vld [tilespmem:s9+$0x3E40]  }
0x10c: {  	v14 =	vld [tilespmem:s9+$0x3E50];
	v19 =	vadd.f32 v13, v19  }
0x10d: {  	s10 =	simm.s32 $0x200;
	v18 =	vadd.f32 v18, v20;
	v13 =	vld [tilespmem:s9+$0x3E60]  }
.LBB2_7:
0x10e: {  	p1 =	sne.s32 s10, $0x4E00;
	v5 =	vadd.f32 v5, v19;
	v12 =	vadd.f32 v12, v17;
	v17 =	vld [tilespmem:s9+$0x3E70]  }
0x10f: {  	v6 =	vadd.f32 v6, v18;
	v11 =	vadd.f32 v11, v16;
	v16 =	vld [tilespmem:s9+$0x6660]  }
0x110: {  	s14 =	sshra.s32 s10, $0x2;
	v18 =	vmax.f32 v5, $0.0e+00;
	v4 =	vadd.f32 v4, v12;
	v10 =	vadd.f32 v10, v15;
	v12 =	vld [tilespmem:s9+$0x6670]  }
0x111: {  	v5 =	vld [tilespmem:s14+$0x6600];
	[tilespmem:s9+$0x3E00] =	vst v18;
	v15 =	vmax.f32 v6, $0.0e+00;
	v3 =	vadd.f32 v3, v11;
	v9 =	vadd.f32 v9, v14  }
0x112: {  	v6 =	vld [tilespmem:s14+$0x6610];
	[tilespmem:s9+$0x3E10] =	vst v15;
	v11 =	vmax.f32 v4, $0.0e+00;
	v2 =	vadd.f32 v2, v10;
	v8 =	vadd.f32 v8, v13  }
0x113: {  	v4 =	vld [tilespmem:s14+$0x6620];
	[tilespmem:s9+$0x3E20] =	vst v11;
	v10 =	vmax.f32 v3, $0.0e+00;
	v1 =	vadd.f32 v1, v9;
	v7 =	vadd.f32 v7, v17  }
0x114: {  	v3 =	vld [tilespmem:s14+$0x6630];
	[tilespmem:s9+$0x3E30] =	vst v10;
	v9 =	vmax.f32 v2, $0.0e+00;
	v8 =	vadd.f32 v16, v8  }
0x115: {  	v2 =	vld [tilespmem:s14+$0x6640];
	[tilespmem:s9+$0x3E40] =	vst v9;
	v9 =	vmax.f32 v1, $0.0e+00;
	v7 =	vadd.f32 v12, v7  }
0x116: {  	v1 =	vld [tilespmem:s14+$0x6650];
	[tilespmem:s9+$0x3E50] =	vst v9;
	v8 =	vmax.f32 v8, $0.0e+00  }
0x117: {  	v13 =	vld [tilespmem:s14+$0x5200];
	[tilespmem:s9+$0x3E60] =	vst v8;
	v7 =	vmax.f32 v7, $0.0e+00  }
0x118: {  	v18 =	vld [tilespmem:s14+$0x5210];
	[tilespmem:s9+$0x3E70] =	vst v7;
	s9 =	smov.u32 s14  }
0x119: {  	v12 =	vld [tilespmem:s9+$0x5220]  }
0x11a: {  	v11 =	vld [tilespmem:s9+$0x5230]  }
0x11b: {  	v10 =	vld [tilespmem:s9+$0x5240]  }
0x11c: {  	v9 =	vld [tilespmem:s9+$0x5250]  }
0x11d: {  	v8 =	vld [tilespmem:s9+$0x5260]  }
0x11e: {  	v7 =	vld [tilespmem:s9+$0x5270]  }
0x11f: {  	v14 =	vld [tilespmem:s9+$0x3E00]  }
0x120: {  	v20 =	vld [tilespmem:s9+$0x3E10]  }
.Ltmp2:
0x121: {  	v17 =	vld [tilespmem:s9+$0x3E20];
	(pc) =	sbr.rel @p1 .LBB2_7-.Ltmp2, $4  }
0x122: {  	v16 =	vld [tilespmem:s9+$0x3E30]  }
0x123: {  	v15 =	vld [tilespmem:s9+$0x3E40]  }
0x124: {  	v19 =	vadd.f32 v13, v14;
	v14 =	vld [tilespmem:s9+$0x3E50]  }
0x125: {  	s10 =	sadd.s32 $0x200, s10;
	v18 =	vadd.f32 v18, v20;
	v13 =	vld [tilespmem:s9+$0x3E60]  }
0x126: {  	v5 =	vadd.f32 v5, v19;
	v12 =	vadd.f32 v12, v17;
	v57 =	vld [tilespmem:s9+$0x3E70]  }
0x127: {  	v58 =	vld [tilespmem:s9+$0x6660];
	v6 =	vadd.f32 v6, v18;
	v11 =	vadd.f32 v11, v16  }
0x128: {  	v59 =	vld [tilespmem:s9+$0x6670];
	v5 =	vmax.f32 v5, $0.0e+00;
	v4 =	vadd.f32 v4, v12;
	v10 =	vadd.f32 v10, v15  }
0x129: {  	[tilespmem:s9+$0x3E00] =	vst v5;
	v60 =	vmax.f32 v6, $0.0e+00;
	v3 =	vadd.f32 v3, v11;
	v61 =	vadd.f32 v9, v14  }
0x12a: {  	[tilespmem:s9+$0x3E10] =	vst v60;
	v4 =	vmax.f32 v4, $0.0e+00;
	v2 =	vadd.f32 v2, v10;
	v62 =	vadd.f32 v8, v13  }
0x12b: {  	[tilespmem:s9+$0x3E20] =	vst v4;
	v3 =	vmax.f32 v3, $0.0e+00;
	v1 =	vadd.f32 v1, v61;
	v63 =	vadd.f32 v7, v57  }
0x12c: {  	[tilespmem:s9+$0x3E30] =	vst v3;
	v2 =	vmax.f32 v2, $0.0e+00;
	v3 =	vadd.f32 v58, v62  }
0x12d: {  	[tilespmem:s9+$0x3E40] =	vst v2;
	v1 =	vmax.f32 v1, $0.0e+00;
	v2 =	vadd.f32 v59, v63  }
0x12e: {  	[tilespmem:s9+$0x3E50] =	vst v1;
	v1 =	vmax.f32 v3, $0.0e+00  }
0x12f: {  	[tilespmem:s9+$0x3E60] =	vst v1;
	v1 =	vmax.f32 v2, $0.0e+00  }
0x130: {  	s23 =	smul.u32 $0x50, s13;
	s13 =	sadd.s32 $0x1, s13;
	[tilespmem:s9+$0x3E70] =	vst v1  }
0x131: {  	[spmem:s2] =	stream.indirect.scatter.add.f32 [tilespmem:s30], [sflag:$0x5], $0x80, s26, s22, $0xb8;
	[tilespmem:$0x1B280] =	vst v63  }
0x132: {  	p1 =	sne.s32 s13, $0x7C;
	s9 =	sadd.s32 s23, s16;
	_ =	swait.ge [sflag:s19], $0x1400  }
.Ltmp3:
0x133: {  	s9 =	sshrl.u32 s9, $0x3;
	[sflag:s19] =	ssyncset.done $0x0;
	(pc) =	sbr.rel @p1 .LBB2_4-.Ltmp3, $4  }
0x134: {  	s10 =	sadd.s32 s6, s9;
	[sflag:s19] =	ssyncadd.s32 $0xFFFFEC00  }
0x135: {  	[tilespmem:s25], [sflag:$0x4] =	stream.linear.gather [hbm4b:s10+s3], $0x28, $0x38;
	[tilespmem:$0x1B280] =	vst v63  }
0x136: {  	s9 =	sadd.s32 s7, s9  }
0x137: {  	[tilespmem:s26], [sflag:$0x4] =	stream.linear.gather [hbm4b:s9+s3], $0x28, $0x38;
	[tilespmem:$0x1B280] =	vst v63  }
0x138: {  	_ =	swait.ge [sflag:s28], $0x1400  }
0x139: {  	[sflag:s28] =	ssyncset.done $0x0  }
0x13a: {  	[sflag:s28] =	ssyncadd.s32 $0xFFFFEC00  }
0x13b: {  	_ =	swait.ge [sflag:s28], $0x1400  }
0x13c: {  	[sflag:s28] =	ssyncset.done $0x0  }
0x13d: {  	[sflag:s28] =	ssyncadd.s32 $0xFFFFEC00  }
0x13e: {  	_ =	swait.ge [sflag:s28], $0x1400  }
0x13f: {  	[sflag:s28] =	ssyncset.done $0x0  }
0x140: {  	[sflag:s28] =	ssyncadd.s32 $0xFFFFEC00  }
0x141: {  	_ =	swait.ge [sflag:s29], $0x28  }
0x142: {  	[sflag:s29] =	ssyncset.done $0x0  }
0x143: {  	[sflag:s29] =	ssyncadd.s32 $0xFFFFFFD8  }
0x144: {  	_ =	swait.ge [sflag:s29], $0x28  }
0x145: {  	[sflag:s29] =	ssyncset.done $0x0  }
0x146: {  	[sflag:s29] =	ssyncadd.s32 $0xFFFFFFD8  }
0x147: {  	[tilespmem:s30], [sflag:$0x2] =	stream.indirect.gather [hbm4b:s1+s22], $0x80, s25, s22, $0xb8;
	[tilespmem:$0x1B280] =	vst v63  }
0x148: {  	_ = 	snop  }
0x149: {  	[tilespmem:s31], [sflag:$0x2] =	stream.indirect.gather [hbm4b:s5+s22], $0x80, s26, s22, $0xb8;
	[tilespmem:$0x1B280] =	vst v63  }
0x14a: {  	s9 =	simm.s32 $0x0;
	s10 =	rddreg [dreg:$0x10]  }
0x14b: {  	[tilespmem:s0], [sflag:$0x2] =	stream.linear.gather [hbm4b:s10+s9], $0x1400, $0x38;
	[tilespmem:$0x1B280] =	vst v63  }
0x14c: {  	s9 =	simm.s32 $0x0  }
0x14d: {  	v5 =	vld [tilespmem:s9+$0x2A00]  }
0x14e: {  	v6 =	vld [tilespmem:s9+$0x2A10]  }
0x14f: {  	v4 =	vld [tilespmem:s9+$0x2A20]  }
0x150: {  	v3 =	vld [tilespmem:s9+$0x2A30]  }
0x151: {  	v2 =	vld [tilespmem:s9+$0x2A40]  }
0x152: {  	v1 =	vld [tilespmem:s9+$0x2A50]  }
0x153: {  	v13 =	vld [tilespmem:s9+$0x1600]  }
0x154: {  	v18 =	vld [tilespmem:s9+$0x1610]  }
0x155: {  	v12 =	vld [tilespmem:s9+$0x1620]  }
0x156: {  	v11 =	vld [tilespmem:s9+$0x1630]  }
0x157: {  	v10 =	vld [tilespmem:s9+$0x1640]  }
0x158: {  	v9 =	vld [tilespmem:s9+$0x1650]  }
0x159: {  	v8 =	vld [tilespmem:s9+$0x1660]  }
0x15a: {  	v7 =	vld [tilespmem:s9+$0x1670]  }
0x15b: {  	v19 =	vld [tilespmem:s9+$0x200]  }
0x15c: {  	v20 =	vld [tilespmem:s9+$0x210]  }
0x15d: {  	v17 =	vld [tilespmem:s9+$0x220]  }
0x15e: {  	v16 =	vld [tilespmem:s9+$0x230]  }
0x15f: {  	v15 =	vld [tilespmem:s9+$0x240]  }
0x160: {  	v14 =	vld [tilespmem:s9+$0x250];
	v19 =	vadd.f32 v13, v19  }
0x161: {  	s10 =	simm.s32 $0x200;
	v18 =	vadd.f32 v18, v20;
	v13 =	vld [tilespmem:s9+$0x260]  }
.LBB2_10:
0x162: {  	p1 =	sne.s32 s10, $0x4E00;
	v5 =	vadd.f32 v5, v19;
	v12 =	vadd.f32 v12, v17;
	v17 =	vld [tilespmem:s9+$0x270]  }
0x163: {  	v6 =	vadd.f32 v6, v18;
	v11 =	vadd.f32 v11, v16;
	v16 =	vld [tilespmem:s9+$0x2A60]  }
0x164: {  	s12 =	sshra.s32 s10, $0x2;
	v18 =	vmax.f32 v5, $0.0e+00;
	v4 =	vadd.f32 v4, v12;
	v10 =	vadd.f32 v10, v15;
	v12 =	vld [tilespmem:s9+$0x2A70]  }
0x165: {  	v5 =	vld [tilespmem:s12+$0x2A00];
	[tilespmem:s9+$0x200] =	vst v18;
	v15 =	vmax.f32 v6, $0.0e+00;
	v3 =	vadd.f32 v3, v11;
	v9 =	vadd.f32 v9, v14  }
0x166: {  	v6 =	vld [tilespmem:s12+$0x2A10];
	[tilespmem:s9+$0x210] =	vst v15;
	v11 =	vmax.f32 v4, $0.0e+00;
	v2 =	vadd.f32 v2, v10;
	v8 =	vadd.f32 v8, v13  }
0x167: {  	v4 =	vld [tilespmem:s12+$0x2A20];
	[tilespmem:s9+$0x220] =	vst v11;
	v10 =	vmax.f32 v3, $0.0e+00;
	v1 =	vadd.f32 v1, v9;
	v7 =	vadd.f32 v7, v17  }
0x168: {  	v3 =	vld [tilespmem:s12+$0x2A30];
	[tilespmem:s9+$0x230] =	vst v10;
	v9 =	vmax.f32 v2, $0.0e+00;
	v8 =	vadd.f32 v16, v8  }
0x169: {  	v2 =	vld [tilespmem:s12+$0x2A40];
	[tilespmem:s9+$0x240] =	vst v9;
	v9 =	vmax.f32 v1, $0.0e+00;
	v7 =	vadd.f32 v12, v7  }
0x16a: {  	v1 =	vld [tilespmem:s12+$0x2A50];
	[tilespmem:s9+$0x250] =	vst v9;
	v8 =	vmax.f32 v8, $0.0e+00  }
0x16b: {  	v13 =	vld [tilespmem:s12+$0x1600];
	[tilespmem:s9+$0x260] =	vst v8;
	v7 =	vmax.f32 v7, $0.0e+00  }
0x16c: {  	v18 =	vld [tilespmem:s12+$0x1610];
	[tilespmem:s9+$0x270] =	vst v7;
	s9 =	smov.u32 s12  }
0x16d: {  	v12 =	vld [tilespmem:s9+$0x1620]  }
0x16e: {  	v11 =	vld [tilespmem:s9+$0x1630]  }
0x16f: {  	v10 =	vld [tilespmem:s9+$0x1640]  }
0x170: {  	v9 =	vld [tilespmem:s9+$0x1650]  }
0x171: {  	v8 =	vld [tilespmem:s9+$0x1660]  }
0x172: {  	v7 =	vld [tilespmem:s9+$0x1670]  }
0x173: {  	v14 =	vld [tilespmem:s9+$0x200]  }
0x174: {  	v20 =	vld [tilespmem:s9+$0x210]  }
.Ltmp4:
0x175: {  	v17 =	vld [tilespmem:s9+$0x220];
	(pc) =	sbr.rel @p1 .LBB2_10-.Ltmp4, $4  }
0x176: {  	v16 =	vld [tilespmem:s9+$0x230]  }
0x177: {  	v15 =	vld [tilespmem:s9+$0x240]  }
0x178: {  	v19 =	vadd.f32 v13, v14;
	v14 =	vld [tilespmem:s9+$0x250]  }
0x179: {  	s10 =	sadd.s32 $0x200, s10;
	v18 =	vadd.f32 v18, v20;
	v13 =	vld [tilespmem:s9+$0x260]  }
0x17a: {  	v5 =	vadd.f32 v5, v19;
	v12 =	vadd.f32 v12, v17;
	v17 =	vld [tilespmem:s9+$0x270]  }
0x17b: {  	v6 =	vadd.f32 v6, v18;
	v11 =	vadd.f32 v11, v16;
	v16 =	vld [tilespmem:s9+$0x2A60]  }
0x17c: {  	v5 =	vmax.f32 v5, $0.0e+00;
	v4 =	vadd.f32 v4, v12;
	v10 =	vadd.f32 v10, v15;
	v12 =	vld [tilespmem:s9+$0x2A70]  }
0x17d: {  	[tilespmem:s9+$0x200] =	vst v5;
	v5 =	vmax.f32 v6, $0.0e+00;
	v3 =	vadd.f32 v3, v11;
	v6 =	vadd.f32 v9, v14  }
0x17e: {  	[tilespmem:s9+$0x210] =	vst v5;
	v4 =	vmax.f32 v4, $0.0e+00;
	v2 =	vadd.f32 v2, v10;
	v5 =	vadd.f32 v8, v13  }
0x17f: {  	[tilespmem:s9+$0x220] =	vst v4;
	v3 =	vmax.f32 v3, $0.0e+00;
	v1 =	vadd.f32 v1, v6;
	v4 =	vadd.f32 v7, v17  }
0x180: {  	[tilespmem:s9+$0x230] =	vst v3;
	v2 =	vmax.f32 v2, $0.0e+00;
	v3 =	vadd.f32 v16, v5  }
0x181: {  	[tilespmem:s9+$0x240] =	vst v2;
	v1 =	vmax.f32 v1, $0.0e+00;
	v2 =	vadd.f32 v12, v4  }
0x182: {  	[tilespmem:s9+$0x250] =	vst v1;
	v1 =	vmax.f32 v3, $0.0e+00  }
0x183: {  	[tilespmem:s9+$0x260] =	vst v1;
	v1 =	vmax.f32 v2, $0.0e+00  }
0x184: {  	[tilespmem:s9+$0x270] =	vst v1  }
0x185: {  	[spmem:s2] =	stream.indirect.scatter.add.f32 [tilespmem:s17], [sflag:$0x5], $0x80, s20, s22, $0xb8;
	[tilespmem:$0x1B280] =	vst v63  }
0x186: {  	_ =	swait.ge [sflag:s19], $0x1400  }
0x187: {  	[sflag:s19] =	ssyncset.done $0x0  }
0x188: {  	[sflag:s19] =	ssyncadd.s32 $0xFFFFEC00  }
0x189: {  	_ =	swait.ge [sflag:s4], $0x1400  }
0x18a: {  	[sflag:s4] =	ssyncset.done $0x0  }
0x18b: {  	[sflag:s4] =	ssyncadd.s32 $0xFFFFEC00  }
0x18c: {  	_ =	swait.ge [sflag:s4], $0x1400  }
0x18d: {  	[sflag:s4] =	ssyncset.done $0x0  }
0x18e: {  	[sflag:s4] =	ssyncadd.s32 $0xFFFFEC00  }
0x18f: {  	_ =	swait.ge [sflag:s4], $0x1400  }
0x190: {  	[sflag:s4] =	ssyncset.done $0x0  }
0x191: {  	s9 =	simm.s32 $0x0;
	[sflag:s4] =	ssyncadd.s32 $0xFFFFEC00  }
0x192: {  	v5 =	vld [tilespmem:s9+$0x6600]  }
0x193: {  	v6 =	vld [tilespmem:s9+$0x6610]  }
0x194: {  	v4 =	vld [tilespmem:s9+$0x6620]  }
0x195: {  	v3 =	vld [tilespmem:s9+$0x6630]  }
0x196: {  	v2 =	vld [tilespmem:s9+$0x6640]  }
0x197: {  	v1 =	vld [tilespmem:s9+$0x6650]  }
0x198: {  	v13 =	vld [tilespmem:s9+$0x5200]  }
0x199: {  	v18 =	vld [tilespmem:s9+$0x5210]  }
0x19a: {  	v12 =	vld [tilespmem:s9+$0x5220]  }
0x19b: {  	v11 =	vld [tilespmem:s9+$0x5230]  }
0x19c: {  	v10 =	vld [tilespmem:s9+$0x5240]  }
0x19d: {  	v9 =	vld [tilespmem:s9+$0x5250]  }
0x19e: {  	v8 =	vld [tilespmem:s9+$0x5260]  }
0x19f: {  	v7 =	vld [tilespmem:s9+$0x5270]  }
0x1a0: {  	v19 =	vld [tilespmem:s9+$0x3E00]  }
0x1a1: {  	v20 =	vld [tilespmem:s9+$0x3E10]  }
0x1a2: {  	v17 =	vld [tilespmem:s9+$0x3E20]  }
0x1a3: {  	v16 =	vld [tilespmem:s9+$0x3E30]  }
0x1a4: {  	v15 =	vld [tilespmem:s9+$0x3E40]  }
0x1a5: {  	s23 =	rddreg [dreg:$0x4];
	v14 =	vld [tilespmem:s9+$0x3E50];
	v19 =	vadd.f32 v13, v19  }
0x1a6: {  	s10 =	simm.s32 $0x200;
	s13 =	rddreg [dreg:$0x1d];
	v18 =	vadd.f32 v18, v20;
	v13 =	vld [tilespmem:s9+$0x3E60]  }
.LBB2_12:
0x1a7: {  	p1 =	sne.s32 s10, $0x4E00;
	v5 =	vadd.f32 v5, v19;
	v12 =	vadd.f32 v12, v17;
	v17 =	vld [tilespmem:s9+$0x3E70]  }
0x1a8: {  	v6 =	vadd.f32 v6, v18;
	v11 =	vadd.f32 v11, v16;
	v16 =	vld [tilespmem:s9+$0x6660]  }
0x1a9: {  	s12 =	sshra.s32 s10, $0x2;
	v18 =	vmax.f32 v5, $0.0e+00;
	v4 =	vadd.f32 v4, v12;
	v10 =	vadd.f32 v10, v15;
	v12 =	vld [tilespmem:s9+$0x6670]  }
0x1aa: {  	v5 =	vld [tilespmem:s12+$0x6600];
	[tilespmem:s9+$0x3E00] =	vst v18;
	v15 =	vmax.f32 v6, $0.0e+00;
	v3 =	vadd.f32 v3, v11;
	v9 =	vadd.f32 v9, v14  }
0x1ab: {  	v6 =	vld [tilespmem:s12+$0x6610];
	[tilespmem:s9+$0x3E10] =	vst v15;
	v11 =	vmax.f32 v4, $0.0e+00;
	v2 =	vadd.f32 v2, v10;
	v8 =	vadd.f32 v8, v13  }
0x1ac: {  	v4 =	vld [tilespmem:s12+$0x6620];
	[tilespmem:s9+$0x3E20] =	vst v11;
	v10 =	vmax.f32 v3, $0.0e+00;
	v1 =	vadd.f32 v1, v9;
	v7 =	vadd.f32 v7, v17  }
0x1ad: {  	v3 =	vld [tilespmem:s12+$0x6630];
	[tilespmem:s9+$0x3E30] =	vst v10;
	v9 =	vmax.f32 v2, $0.0e+00;
	v8 =	vadd.f32 v16, v8  }
0x1ae: {  	v2 =	vld [tilespmem:s12+$0x6640];
	[tilespmem:s9+$0x3E40] =	vst v9;
	v9 =	vmax.f32 v1, $0.0e+00;
	v7 =	vadd.f32 v12, v7  }
0x1af: {  	v1 =	vld [tilespmem:s12+$0x6650];
	[tilespmem:s9+$0x3E50] =	vst v9;
	v8 =	vmax.f32 v8, $0.0e+00  }
0x1b0: {  	v13 =	vld [tilespmem:s12+$0x5200];
	[tilespmem:s9+$0x3E60] =	vst v8;
	v7 =	vmax.f32 v7, $0.0e+00  }
0x1b1: {  	v18 =	vld [tilespmem:s12+$0x5210];
	[tilespmem:s9+$0x3E70] =	vst v7;
	s9 =	smov.u32 s12  }
0x1b2: {  	v12 =	vld [tilespmem:s9+$0x5220]  }
0x1b3: {  	v11 =	vld [tilespmem:s9+$0x5230]  }
0x1b4: {  	v10 =	vld [tilespmem:s9+$0x5240]  }
0x1b5: {  	v9 =	vld [tilespmem:s9+$0x5250]  }
0x1b6: {  	v8 =	vld [tilespmem:s9+$0x5260]  }
0x1b7: {  	v7 =	vld [tilespmem:s9+$0x5270]  }
0x1b8: {  	v14 =	vld [tilespmem:s9+$0x3E00]  }
0x1b9: {  	v20 =	vld [tilespmem:s9+$0x3E10]  }
.Ltmp5:
0x1ba: {  	v17 =	vld [tilespmem:s9+$0x3E20];
	(pc) =	sbr.rel @p1 .LBB2_12-.Ltmp5, $4  }
0x1bb: {  	v16 =	vld [tilespmem:s9+$0x3E30]  }
0x1bc: {  	v15 =	vld [tilespmem:s9+$0x3E40]  }
0x1bd: {  	v19 =	vadd.f32 v13, v14;
	v14 =	vld [tilespmem:s9+$0x3E50]  }
0x1be: {  	s10 =	sadd.s32 $0x200, s10;
	v18 =	vadd.f32 v18, v20;
	v13 =	vld [tilespmem:s9+$0x3E60]  }
0x1bf: {  	v5 =	vadd.f32 v5, v19;
	v12 =	vadd.f32 v12, v17;
	v57 =	vld [tilespmem:s9+$0x3E70]  }
0x1c0: {  	v58 =	vld [tilespmem:s9+$0x6660];
	v6 =	vadd.f32 v6, v18;
	v11 =	vadd.f32 v11, v16  }
0x1c1: {  	v59 =	vld [tilespmem:s9+$0x6670];
	v5 =	vmax.f32 v5, $0.0e+00;
	v4 =	vadd.f32 v4, v12;
	v10 =	vadd.f32 v10, v15  }
0x1c2: {  	[tilespmem:s9+$0x3E00] =	vst v5;
	v60 =	vmax.f32 v6, $0.0e+00;
	v3 =	vadd.f32 v3, v11;
	v61 =	vadd.f32 v9, v14  }
0x1c3: {  	[tilespmem:s9+$0x3E10] =	vst v60;
	v4 =	vmax.f32 v4, $0.0e+00;
	v2 =	vadd.f32 v2, v10;
	v62 =	vadd.f32 v8, v13  }
0x1c4: {  	[tilespmem:s9+$0x3E20] =	vst v4;
	v3 =	vmax.f32 v3, $0.0e+00;
	v1 =	vadd.f32 v1, v61;
	v63 =	vadd.f32 v7, v57  }
0x1c5: {  	[tilespmem:s9+$0x3E30] =	vst v3;
	v2 =	vmax.f32 v2, $0.0e+00;
	v3 =	vadd.f32 v58, v62  }
0x1c6: {  	[tilespmem:s9+$0x3E40] =	vst v2;
	v1 =	vmax.f32 v1, $0.0e+00;
	v2 =	vadd.f32 v59, v63  }
0x1c7: {  	[tilespmem:s9+$0x3E50] =	vst v1;
	v1 =	vmax.f32 v3, $0.0e+00  }
0x1c8: {  	[tilespmem:s9+$0x3E60] =	vst v1;
	v1 =	vmax.f32 v2, $0.0e+00  }
0x1c9: {  	[tilespmem:s9+$0x3E70] =	vst v1  }
0x1ca: {  	[spmem:s2] =	stream.indirect.scatter.add.f32 [tilespmem:s30], [sflag:$0x5], $0x80, s26, s22, $0xb8;
	[tilespmem:$0x1B280] =	vst v63  }
0x1cb: {  	_ =	swait.ge [sflag:s19], $0x1400  }
0x1cc: {  	[sflag:s19] =	ssyncset.done $0x0  }
0x1cd: {  	s14 =	stileid.u32;
	[sflag:s19] =	ssyncadd.s32 $0xFFFFEC00  }
0x1ce: {  	s9 =	sshll.u32 s14, $0x6;
	[bflag:$0x0] =	sbarrier.arrive $0xFFFF  }
0x1cf: {  	s10 =	sshrl.u32 s23, $0x3;
	s9 =	sor.u32 $0x1C05, s9;
	s12 =	rddreg [dreg:$0xd]  }
0x1d0: {  	[hbm:s12], [sflag:s9] =	dma.local [spmem:s10], $0x2700  }
0x1d1: {  	_ =	swait.ge [sflag:s19], $0x2700  }
0x1d2: {  	[sflag:s19] =	ssyncset.done $0x0  }
0x1d3: {  	s10 =	sshrl.u32 @!p0 s13, $0x3;
	s12 =	rddreg [dreg:$0x11];
	[sflag:s19] =	ssyncadd.s32 $0xFFFFD900  }
0x1d4: {  	[hbm:s12], [sflag:s9] =	dma.local @!p0 [spmem:s10], $0x100  }
0x1d5: {  	s9 =	simm.s32 @!p0 $0x5  }
0x1d6: {  	_ =	swait.ge @!p0 [sflag:s9], $0x100  }
0x1d7: {  	s10 =	rddreg [dreg:$0x1e]  }
0x1d8: {  	s14 =	rddreg [dreg:$0x12];
	s12 =	sadd.s32 $0x1, s10  }
0x1d9: {  	p1 =	sne.s32 s12, s14  }
.Ltmp6:
0x1da: {  	_ = 	snop;
	(pc) =	sbr.rel @p1 .LBB2_1-.Ltmp6, $3  }
0x1db: {  	_ =	sdelay $0x1  }
0x1dc: {  	[sflag:s9] =	ssyncset.done @!p0 $0x0  }
0x1dd: {  	[sflag:s9] =	ssyncadd.s32 @!p0 $0xFFFFFF00  }
0x1de: {  	_ =	sfence.sel $0x180000  }
0x1df: {  	[bflag:$0x0] =	sbarrier.arrive $0xFFFF  }
0x1e0: {  	_ =	strace $0x90000047  }
0x1e1: {  	s0 =	stileid.u32;
	[bflag:$0x2] =	sbarrier.arrive $0xFFFF  }
0x1e2: {  	p0 =	sne.s32 s0, $0x0;
	s0 =	rddreg [dreg:$0x3]  }
0x1e3: {  	s0 =	sadd.s32 @!p0 $0x100000, s0  }
0x1e4: {  	[sflag:s0] =	ssyncadd.tile.s32 @!p0 $0x1;
	_ =	shalt  }
.Lfunc_end2:
_tile_overlayer_lowered:
.L_overlay_start_2:
0x1e5: {  	(tag) =	ssettag $0x2  }
0x1e6: {  	s0 =	rddreg [dreg:$0x0];
	s2 =	stileid.u32  }
0x1e7: {  	s1 =	rddreg [dreg:$0x1];
	p0 =	sne.s32 s2, $0x0  }
0x1e8: {  	s3 =	rddreg [dreg:$0x2];
	[bflag:$0x3] =	sbarrier.arrive $0xFFFF;
	s2 =	simm.s32 @!p0 $0x1C05  }
0x1e9: {  	[timem:s3], [sflag:s2] =	dma.local @!p0 [hbm:s0], s1  }
0x1ea: {  	s0 =	simm.s32 @!p0 $0x5  }
0x1eb: {  	_ =	swait.ge @!p0 [sflag:s0], s1  }
0x1ec: {  	s1 =	ssub.s32 @!p0 $0x0, s1;
	[sflag:s0] =	ssyncset.done @!p0 $0x0  }
0x1ed: {  	[sflag:s0] =	ssyncadd.s32 @!p0 s1  }
0x1ee: {  	[bflag:$0x3] =	sbarrier.arrive $0xFFFF  }
0x1ef: {  	_ =	shalt  }

</sc_bundles>
